<compile_context>
chip_gen: v7x
topology: tpu7x:2x2x1
jax: 0.10.2.dev20260603
libtpu: 0.0.44.dev20260713+nightly
codegen_flags: <defaults>
</compile_context>

<pallas_src>
import jax
import jax.numpy as jnp
from jax import lax
from jax.experimental import pallas as pl
from jax.experimental.pallas import tpu as pltpu
from jax.experimental.pallas import tpu_sc as plsc

NN = 10000
EE = 320000
DD = 128
DH = DD // 2
DG = 16
NC = 2
NS = 16
NW = NC * NS
KCH = 80
CHA = EE // (NS * KCH)
CHD = EE // (NW * KCH)
RB = 200
NBL = NN // RB

_SC_PARAMS = pltpu.CompilerParams(use_tc_tiling_on_sc=False)


def _mesh():
    return plsc.VectorSubcoreMesh(core_axis_name="c", subcore_axis_name="s",
                                  num_cores=NC, num_subcores=NS)



def _sc_agg_body(tab3, srcr, dstr, out3, idx_s, idx_d, rows, stage, acc):
    c = lax.axis_index("c")
    s = lax.axis_index("s")
    pltpu.sync_copy(srcr.at[s], idx_s)
    pltpu.sync_copy(dstr.at[s], idx_d)
    for q in range((NBL + NS - 1) // NS):
        bid = s + q * NS

        @pl.when(bid < NBL)
        def _():
            pltpu.sync_copy(tab3.at[c, pl.ds(bid * RB, RB)], stage)
            pltpu.sync_copy(stage, acc.at[pl.ds(bid * RB, RB)])

    plsc.subcore_barrier()

    def chunk(j, carry):
        pltpu.sync_copy(tab3.at[c].at[idx_s.at[j]], rows)
        pltpu.sync_copy(rows, acc.at[idx_d.at[j]], add=True)
        return carry

    lax.fori_loop(0, CHA, chunk, 0)
    plsc.subcore_barrier()
    for q in range((NBL + NS - 1) // NS):
        bid = s + q * NS

        @pl.when(bid < NBL)
        def _():
            pltpu.sync_copy(acc.at[pl.ds(bid * RB, RB)], stage)
            pltpu.sync_copy(stage, out3.at[c, pl.ds(bid * RB, RB)])


def _make_sc_agg():
    return pl.kernel(
        _sc_agg_body,
        out_type=jax.ShapeDtypeStruct((NC, NN, DH), jnp.float32),
        mesh=_mesh(),
        compiler_params=_SC_PARAMS,
        scratch_types=[
            pltpu.VMEM((CHA, KCH), jnp.int32),
            pltpu.VMEM((CHA, KCH), jnp.int32),
            pltpu.VMEM((KCH, DH), jnp.float32),
            pltpu.VMEM((RB, DH), jnp.float32),
            pltpu.VMEM_SHARED((NN, DH), jnp.float32),
        ],
    )



def _sc_deg_body(ones2, dstr, out3, idx_d, stage, acc):
    c = lax.axis_index("c")
    s = lax.axis_index("s")
    w = c * NS + s
    pltpu.sync_copy(dstr.at[w], idx_d)
    pltpu.sync_copy(ones2, stage)
    for q in range((NBL + NS - 1) // NS):
        bid = s + q * NS

        @pl.when(bid < NBL)
        def _():
            pltpu.sync_copy(stage, acc.at[pl.ds(bid * RB, RB)])

    plsc.subcore_barrier()

    def chunk(j, carry):
        pltpu.sync_copy(stage.at[pl.ds(0, KCH)], acc.at[idx_d.at[j]], add=True)
        return carry

    lax.fori_loop(0, CHD, chunk, 0)
    plsc.subcore_barrier()
    for q in range((NBL + NS - 1) // NS):
        bid = s + q * NS

        @pl.when(bid < NBL)
        def _():
            pltpu.sync_copy(acc.at[pl.ds(bid * RB, RB)], stage)
            pltpu.sync_copy(stage, out3.at[c, pl.ds(bid * RB, RB)])
            pltpu.sync_copy(ones2, stage)


def _make_sc_deg():
    return pl.kernel(
        _sc_deg_body,
        out_type=jax.ShapeDtypeStruct((NC, NN, DG), jnp.float32),
        mesh=_mesh(),
        compiler_params=_SC_PARAMS,
        scratch_types=[
            pltpu.VMEM((CHD, KCH), jnp.int32),
            pltpu.VMEM((RB, DG), jnp.float32),
            pltpu.VMEM_SHARED((NN, DG), jnp.float32),
        ],
    )



def _tc_first_body(x_ref, w_ref, p_ref):
    p_ref[...] = jnp.dot(x_ref[...], w_ref[...],
                         preferred_element_type=jnp.float32)


def _tc_scale_body(deg_ref, p_ref, m_ref, dis_ref):
    deg = deg_ref[0, :, 0:1] + deg_ref[1, :, 0:1] - 1.0
    dis = lax.rsqrt(deg)
    dis_ref[...] = dis
    res = p_ref[...] * dis
    m_ref[0] = res[:, :DH]
    m_ref[1] = res[:, DH:]


def _tc_mid_body(agg_ref, dis_ref, b_ref, w_ref, mout_ref):
    dis = dis_ref[...]
    agg = jnp.concatenate([agg_ref[0], agg_ref[1]], axis=1)
    h = jnp.maximum(agg * dis + b_ref[...], 0.0)
    res = jnp.dot(h, w_ref[...], preferred_element_type=jnp.float32) * dis
    mout_ref[0] = res[:, :DH]
    mout_ref[1] = res[:, DH:]


def _tc_last_body(agg_ref, dis_ref, b_ref, wfc_ref, bfc_ref, out_ref):
    agg = jnp.concatenate([agg_ref[0], agg_ref[1]], axis=1)
    h = jnp.maximum(agg * dis_ref[...] + b_ref[...], 0.0)
    out_ref[...] = jnp.dot(h, wfc_ref[...],
                           preferred_element_type=jnp.float32) + bfc_ref[...]


def _tc(body, out_shapes, *args):
    return pl.pallas_call(body, out_shape=out_shapes)(*args)



def kernel(x, edge_index, W1, b1, W2, b2, W3, b3, Wfc, bfc):
    srcr = edge_index[0].reshape(NS, CHA, KCH)
    dstr = edge_index[1].reshape(NS, CHA, KCH)
    dstr32 = edge_index[1].reshape(NW, CHD, KCH)
    ones2 = jnp.ones((RB, DG), dtype=jnp.float32)
    b1r = b1.reshape(1, -1)
    b2r = b2.reshape(1, -1)
    b3r = b3.reshape(1, -1)
    bfcr = bfc.reshape(1, -1)

    deg3 = _make_sc_deg()(ones2, dstr32)
    p1 = _tc(_tc_first_body, jax.ShapeDtypeStruct((NN, DD), jnp.float32),
             x, W1)
    m1, dis = _tc(_tc_scale_body,
                  (jax.ShapeDtypeStruct((NC, NN, DH), jnp.float32),
                   jax.ShapeDtypeStruct((NN, 1), jnp.float32)),
                  deg3, p1)

    sc_agg = _make_sc_agg()
    agg1 = sc_agg(m1, srcr, dstr)
    m2 = _tc(_tc_mid_body, jax.ShapeDtypeStruct((NC, NN, DH), jnp.float32),
             agg1, dis, b1r, W2)
    agg2 = sc_agg(m2, srcr, dstr)
    m3 = _tc(_tc_mid_body, jax.ShapeDtypeStruct((NC, NN, DH), jnp.float32),
             agg2, dis, b2r, W3)
    agg3 = sc_agg(m3, srcr, dstr)
    out = _tc(_tc_last_body, jax.ShapeDtypeStruct((NN, 1), jnp.float32),
              agg3, dis, b3r, Wfc, bfcr)
    return out

# --- scband reference (transcript-rebuilt; emitter-appended) ---
"""Pipeline reference for scband-reaction-optimizer-gnn-15685220565725 (READ-ONLY COPY).

The authoritative reference and input builder live on the scoring server;
editing this copy changes nothing except your own understanding.
"""

import jax, jax.numpy as jnp
import numpy as np

N = 10000
E = 320000
D_IN = 128
D_HID = 128
D_OUT = 128


def setup_inputs(seed: int = 0) -> dict:
    key = jax.random.key(seed)
    ks = jax.random.split(key, 12)
    x = jax.random.normal(ks[0], (N, D_IN), dtype=jnp.float32)
    edge_index = jax.random.randint(ks[1], (2, E), 0, N, dtype=jnp.int32)
    s1 = 1.0 / np.sqrt(D_IN)
    s2 = 1.0 / np.sqrt(D_HID)
    s3 = 1.0 / np.sqrt(D_HID)
    s4 = 1.0 / np.sqrt(D_OUT)
    W1 = jax.random.normal(ks[2], (D_IN, D_HID), dtype=jnp.float32) * s1
    b1 = jnp.zeros((D_HID,), dtype=jnp.float32)
    W2 = jax.random.normal(ks[3], (D_HID, D_HID), dtype=jnp.float32) * s2
    b2 = jnp.zeros((D_HID,), dtype=jnp.float32)
    W3 = jax.random.normal(ks[4], (D_HID, D_OUT), dtype=jnp.float32) * s3
    b3 = jnp.zeros((D_OUT,), dtype=jnp.float32)
    Wfc = jax.random.normal(ks[5], (D_OUT, 1), dtype=jnp.float32) * s4
    bfc = jnp.zeros((1,), dtype=jnp.float32)
    return {"x": x, "edge_index": edge_index, "W1": W1, "b1": b1,
            "W2": W2, "b2": b2, "W3": W3, "b3": b3, "Wfc": Wfc, "bfc": bfc}


def _gcn_conv(x, src, dst, norm, W, b, num_nodes):
    # GCNConv: out = D^{-1/2} (A + I) D^{-1/2} X W + b
    h = x @ W
    msg = h[src] * norm[:, None]
    out = jnp.zeros((num_nodes, W.shape[1]), dtype=x.dtype).at[dst].add(msg)
    return out + b


def reference(x, edge_index, W1, b1, W2, b2, W3, b3, Wfc, bfc):
    num_nodes = x.shape[0]
    loop = jnp.arange(num_nodes, dtype=edge_index.dtype)
    src = jnp.concatenate([edge_index[0], loop])
    dst = jnp.concatenate([edge_index[1], loop])
    deg = jnp.zeros((num_nodes,), dtype=x.dtype).at[dst].add(1.0)
    deg_inv_sqrt = jnp.where(deg > 0, deg ** -0.5, 0.0)
    norm = deg_inv_sqrt[src] * deg_inv_sqrt[dst]
    h = jax.nn.relu(_gcn_conv(x, src, dst, norm, W1, b1, num_nodes))
    h = jax.nn.relu(_gcn_conv(h, src, dst, norm, W2, b2, num_nodes))
    h = jax.nn.relu(_gcn_conv(h, src, dst, norm, W3, b3, num_nodes))
    edge_scores = h @ Wfc + bfc
    return edge_scores

if __name__ == "__main__":
    import jax
    _d = setup_inputs()
    print(jax.jit(kernel)(*tuple(_d.values())))

</pallas_src>

<mosaic_0001>
#map = affine_map<(d0, d1) -> (0, 0, 0)>
module attributes {stable_mosaic.version = 14 : i64} {
  func.func @_sc_agg_body(%arg0: i32, %arg1: i32, %arg2: memref<2x10000x64xf32, #tpu.memory_space<hbm>>, %arg3: memref<16x250x80xi32, #tpu.memory_space<hbm>>, %arg4: memref<16x250x80xi32, #tpu.memory_space<hbm>>, %arg5: memref<2x10000x64xf32, #tpu.memory_space<hbm>>, %arg6: memref<250x80xi32, #tpu.memory_space<vmem>>, %arg7: memref<250x80xi32, #tpu.memory_space<vmem>>, %arg8: memref<80x64xf32, #tpu.memory_space<vmem>>, %arg9: memref<200x64xf32, #tpu.memory_space<vmem>>, %arg10: memref<10000x64xf32, #tpu.memory_space<vmem_shared>>) attributes {dimension_semantics = [#tpu.dimension_semantics<core_parallel>, #tpu.dimension_semantics<subcore_parallel>], iteration_bounds = array<i64: 2, 16>, scalar_prefetch = 0 : i64, scratch_operands = 5 : i64, tpu.core_type = #tpu.core_type<sc_vector_subcore>, window_params = [{transform_indices = #map}, {transform_indices = #map}, {transform_indices = #map}, {transform_indices = #map}]} {
    "tpu.region"() ({
      %run_scoped3A = tpu.sem_alloc : memref<!tpu.dma_semaphore, #tpu.memory_space<semaphore_mem>>
      %dma_start3A = arith.constant 0 : i32
      %dma_start3A_58 = arith.constant 0 : i32
      %dma_start3A_59 = tpu.memref_slice %arg3[%arg1, %dma_start3A, %dma_start3A_58] : memref<16x250x80xi32, #tpu.memory_space<hbm>> -> memref<1x250x80xi32, #tpu.memory_space<hbm>>
      %dma_start3A_60 = tpu.memref_squeeze %dma_start3A_59 : memref<1x250x80xi32, #tpu.memory_space<hbm>> -> memref<250x80xi32, #tpu.memory_space<hbm>>
      %dma_start3A_61 = arith.constant 0 : i32
      %dma_start3A_62 = arith.constant 0 : i32
      %dma_start3A_63 = tpu.memref_slice %arg3[%arg1, %dma_start3A_61, %dma_start3A_62] : memref<16x250x80xi32, #tpu.memory_space<hbm>> -> memref<1x250x80xi32, #tpu.memory_space<hbm>>
      %dma_start3A_64 = tpu.memref_squeeze %dma_start3A_63 : memref<1x250x80xi32, #tpu.memory_space<hbm>> -> memref<250x80xi32, #tpu.memory_space<hbm>>
      tpu.enqueue_dma source(%dma_start3A_64 : memref<250x80xi32, #tpu.memory_space<hbm>>) target(%arg6 : memref<250x80xi32, #tpu.memory_space<vmem>>) target_semaphore(%run_scoped3A : memref<!tpu.dma_semaphore, #tpu.memory_space<semaphore_mem>>)
      %dma_wait3A = arith.constant 0 : i32
      %dma_wait3A_65 = arith.constant 0 : i32
      %dma_wait3A_66 = tpu.memref_slice %arg3[%arg1, %dma_wait3A, %dma_wait3A_65] : memref<16x250x80xi32, #tpu.memory_space<hbm>> -> memref<1x250x80xi32, #tpu.memory_space<hbm>>
      %dma_wait3A_67 = tpu.memref_squeeze %dma_wait3A_66 : memref<1x250x80xi32, #tpu.memory_space<hbm>> -> memref<250x80xi32, #tpu.memory_space<hbm>>
      %dma_wait3A_68 = arith.constant 0 : i32
      %dma_wait3A_69 = arith.constant 0 : i32
      %dma_wait3A_70 = tpu.memref_slice %arg3[%arg1, %dma_wait3A_68, %dma_wait3A_69] : memref<16x250x80xi32, #tpu.memory_space<hbm>> -> memref<1x250x80xi32, #tpu.memory_space<hbm>>
      %dma_wait3A_71 = tpu.memref_squeeze %dma_wait3A_70 : memref<1x250x80xi32, #tpu.memory_space<hbm>> -> memref<250x80xi32, #tpu.memory_space<hbm>>
      tpu.wait_dma2 semaphore(%run_scoped3A : memref<!tpu.dma_semaphore, #tpu.memory_space<semaphore_mem>>) src(%dma_wait3A_71 : memref<250x80xi32, #tpu.memory_space<hbm>>) dst(%arg6 : memref<250x80xi32, #tpu.memory_space<vmem>>)
      tpu.yield
    }) : () -> ()
    "tpu.region"() ({
      %run_scoped3A = tpu.sem_alloc : memref<!tpu.dma_semaphore, #tpu.memory_space<semaphore_mem>>
      %dma_start3A = arith.constant 0 : i32
      %dma_start3A_58 = arith.constant 0 : i32
      %dma_start3A_59 = tpu.memref_slice %arg4[%arg1, %dma_start3A, %dma_start3A_58] : memref<16x250x80xi32, #tpu.memory_space<hbm>> -> memref<1x250x80xi32, #tpu.memory_space<hbm>>
      %dma_start3A_60 = tpu.memref_squeeze %dma_start3A_59 : memref<1x250x80xi32, #tpu.memory_space<hbm>> -> memref<250x80xi32, #tpu.memory_space<hbm>>
      %dma_start3A_61 = arith.constant 0 : i32
      %dma_start3A_62 = arith.constant 0 : i32
      %dma_start3A_63 = tpu.memref_slice %arg4[%arg1, %dma_start3A_61, %dma_start3A_62] : memref<16x250x80xi32, #tpu.memory_space<hbm>> -> memref<1x250x80xi32, #tpu.memory_space<hbm>>
      %dma_start3A_64 = tpu.memref_squeeze %dma_start3A_63 : memref<1x250x80xi32, #tpu.memory_space<hbm>> -> memref<250x80xi32, #tpu.memory_space<hbm>>
      tpu.enqueue_dma source(%dma_start3A_64 : memref<250x80xi32, #tpu.memory_space<hbm>>) target(%arg7 : memref<250x80xi32, #tpu.memory_space<vmem>>) target_semaphore(%run_scoped3A : memref<!tpu.dma_semaphore, #tpu.memory_space<semaphore_mem>>)
      %dma_wait3A = arith.constant 0 : i32
      %dma_wait3A_65 = arith.constant 0 : i32
      %dma_wait3A_66 = tpu.memref_slice %arg4[%arg1, %dma_wait3A, %dma_wait3A_65] : memref<16x250x80xi32, #tpu.memory_space<hbm>> -> memref<1x250x80xi32, #tpu.memory_space<hbm>>
      %dma_wait3A_67 = tpu.memref_squeeze %dma_wait3A_66 : memref<1x250x80xi32, #tpu.memory_space<hbm>> -> memref<250x80xi32, #tpu.memory_space<hbm>>
      %dma_wait3A_68 = arith.constant 0 : i32
      %dma_wait3A_69 = arith.constant 0 : i32
      %dma_wait3A_70 = tpu.memref_slice %arg4[%arg1, %dma_wait3A_68, %dma_wait3A_69] : memref<16x250x80xi32, #tpu.memory_space<hbm>> -> memref<1x250x80xi32, #tpu.memory_space<hbm>>
      %dma_wait3A_71 = tpu.memref_squeeze %dma_wait3A_70 : memref<1x250x80xi32, #tpu.memory_space<hbm>> -> memref<250x80xi32, #tpu.memory_space<hbm>>
      tpu.wait_dma2 semaphore(%run_scoped3A : memref<!tpu.dma_semaphore, #tpu.memory_space<semaphore_mem>>) src(%dma_wait3A_71 : memref<250x80xi32, #tpu.memory_space<hbm>>) dst(%arg7 : memref<250x80xi32, #tpu.memory_space<vmem>>)
      tpu.yield
    }) : () -> ()
    %add3A = arith.constant 0 : i32
    %add3A_0 = arith.addi %arg1, %add3A : i32
    %lt3A = arith.constant 50 : i32
    %lt3A_1 = arith.cmpi slt, %add3A_0, %lt3A : i32
    %convert_element_type3A = arith.extui %lt3A_1 : i1 to i32
    %cond3A = arith.constant 0 : i32
    %cond3A_2 = arith.cmpi ne, %convert_element_type3A, %cond3A : i32
    scf.if %cond3A_2 {
      %mul3A = arith.constant 200 : i32
      %mul3A_58 = arith.muli %add3A_0, %mul3A : i32
      "tpu.region"() ({
        %run_scoped3A = tpu.sem_alloc : memref<!tpu.dma_semaphore, #tpu.memory_space<semaphore_mem>>
        %dma_start3A = arith.constant 0 : i32
        %dma_start3A_61 = tpu.memref_slice %arg2[%arg0, %mul3A_58, %dma_start3A] : memref<2x10000x64xf32, #tpu.memory_space<hbm>> -> memref<1x200x64xf32, #tpu.memory_space<hbm>>
        %dma_start3A_62 = tpu.memref_squeeze %dma_start3A_61 : memref<1x200x64xf32, #tpu.memory_space<hbm>> -> memref<200x64xf32, #tpu.memory_space<hbm>>
        %dma_start3A_63 = arith.constant 0 : i32
        %dma_start3A_64 = tpu.memref_slice %arg2[%arg0, %mul3A_58, %dma_start3A_63] : memref<2x10000x64xf32, #tpu.memory_space<hbm>> -> memref<1x200x64xf32, #tpu.memory_space<hbm>>
        %dma_start3A_65 = tpu.memref_squeeze %dma_start3A_64 : memref<1x200x64xf32, #tpu.memory_space<hbm>> -> memref<200x64xf32, #tpu.memory_space<hbm>>
        tpu.enqueue_dma source(%dma_start3A_65 : memref<200x64xf32, #tpu.memory_space<hbm>>) target(%arg9 : memref<200x64xf32, #tpu.memory_space<vmem>>) target_semaphore(%run_scoped3A : memref<!tpu.dma_semaphore, #tpu.memory_space<semaphore_mem>>)
        %dma_wait3A = arith.constant 0 : i32
        %dma_wait3A_66 = tpu.memref_slice %arg2[%arg0, %mul3A_58, %dma_wait3A] : memref<2x10000x64xf32, #tpu.memory_space<hbm>> -> memref<1x200x64xf32, #tpu.memory_space<hbm>>
        %dma_wait3A_67 = tpu.memref_squeeze %dma_wait3A_66 : memref<1x200x64xf32, #tpu.memory_space<hbm>> -> memref<200x64xf32, #tpu.memory_space<hbm>>
        %dma_wait3A_68 = arith.constant 0 : i32
        %dma_wait3A_69 = tpu.memref_slice %arg2[%arg0, %mul3A_58, %dma_wait3A_68] : memref<2x10000x64xf32, #tpu.memory_space<hbm>> -> memref<1x200x64xf32, #tpu.memory_space<hbm>>
        %dma_wait3A_70 = tpu.memref_squeeze %dma_wait3A_69 : memref<1x200x64xf32, #tpu.memory_space<hbm>> -> memref<200x64xf32, #tpu.memory_space<hbm>>
        tpu.wait_dma2 semaphore(%run_scoped3A : memref<!tpu.dma_semaphore, #tpu.memory_space<semaphore_mem>>) src(%dma_wait3A_70 : memref<200x64xf32, #tpu.memory_space<hbm>>) dst(%arg9 : memref<200x64xf32, #tpu.memory_space<vmem>>)
        tpu.yield
      }) : () -> ()
      %mul3A_59 = arith.constant 200 : i32
      %mul3A_60 = arith.muli %add3A_0, %mul3A_59 : i32
      "tpu.region"() ({
        %run_scoped3A = tpu.sem_alloc : memref<!tpu.dma_semaphore, #tpu.memory_space<semaphore_mem>>
        %dma_start3A = arith.constant 0 : i32
        %dma_start3A_61 = tpu.memref_slice %arg10[%mul3A_60, %dma_start3A] : memref<10000x64xf32, #tpu.memory_space<vmem_shared>> -> memref<200x64xf32, #tpu.memory_space<vmem_shared>>
        %dma_start3A_62 = arith.constant 0 : i32
        %dma_start3A_63 = tpu.memref_slice %arg10[%mul3A_60, %dma_start3A_62] : memref<10000x64xf32, #tpu.memory_space<vmem_shared>> -> memref<200x64xf32, #tpu.memory_space<vmem_shared>>
        tpu.enqueue_dma source(%arg9 : memref<200x64xf32, #tpu.memory_space<vmem>>) target(%dma_start3A_63 : memref<200x64xf32, #tpu.memory_space<vmem_shared>>) target_semaphore(%run_scoped3A : memref<!tpu.dma_semaphore, #tpu.memory_space<semaphore_mem>>)
        %dma_wait3A = arith.constant 0 : i32
        %dma_wait3A_64 = tpu.memref_slice %arg10[%mul3A_60, %dma_wait3A] : memref<10000x64xf32, #tpu.memory_space<vmem_shared>> -> memref<200x64xf32, #tpu.memory_space<vmem_shared>>
        %dma_wait3A_65 = arith.constant 0 : i32
        %dma_wait3A_66 = tpu.memref_slice %arg10[%mul3A_60, %dma_wait3A_65] : memref<10000x64xf32, #tpu.memory_space<vmem_shared>> -> memref<200x64xf32, #tpu.memory_space<vmem_shared>>
        tpu.wait_dma2 semaphore(%run_scoped3A : memref<!tpu.dma_semaphore, #tpu.memory_space<semaphore_mem>>) src(%arg9 : memref<200x64xf32, #tpu.memory_space<vmem>>) dst(%dma_wait3A_66 : memref<200x64xf32, #tpu.memory_space<vmem_shared>>)
        tpu.yield
      }) : () -> ()
    } else {
    }
    %add3A_3 = arith.constant 16 : i32
    %add3A_4 = arith.addi %arg1, %add3A_3 : i32
    %lt3A_5 = arith.constant 50 : i32
    %lt3A_6 = arith.cmpi slt, %add3A_4, %lt3A_5 : i32
    %convert_element_type3A_7 = arith.extui %lt3A_6 : i1 to i32
    %cond3A_8 = arith.constant 0 : i32
    %cond3A_9 = arith.cmpi ne, %convert_element_type3A_7, %cond3A_8 : i32
    scf.if %cond3A_9 {
      %mul3A = arith.constant 200 : i32
      %mul3A_58 = arith.muli %add3A_4, %mul3A : i32
      "tpu.region"() ({
        %run_scoped3A = tpu.sem_alloc : memref<!tpu.dma_semaphore, #tpu.memory_space<semaphore_mem>>
        %dma_start3A = arith.constant 0 : i32
        %dma_start3A_61 = tpu.memref_slice %arg2[%arg0, %mul3A_58, %dma_start3A] : memref<2x10000x64xf32, #tpu.memory_space<hbm>> -> memref<1x200x64xf32, #tpu.memory_space<hbm>>
        %dma_start3A_62 = tpu.memref_squeeze %dma_start3A_61 : memref<1x200x64xf32, #tpu.memory_space<hbm>> -> memref<200x64xf32, #tpu.memory_space<hbm>>
        %dma_start3A_63 = arith.constant 0 : i32
        %dma_start3A_64 = tpu.memref_slice %arg2[%arg0, %mul3A_58, %dma_start3A_63] : memref<2x10000x64xf32, #tpu.memory_space<hbm>> -> memref<1x200x64xf32, #tpu.memory_space<hbm>>
        %dma_start3A_65 = tpu.memref_squeeze %dma_start3A_64 : memref<1x200x64xf32, #tpu.memory_space<hbm>> -> memref<200x64xf32, #tpu.memory_space<hbm>>
        tpu.enqueue_dma source(%dma_start3A_65 : memref<200x64xf32, #tpu.memory_space<hbm>>) target(%arg9 : memref<200x64xf32, #tpu.memory_space<vmem>>) target_semaphore(%run_scoped3A : memref<!tpu.dma_semaphore, #tpu.memory_space<semaphore_mem>>)
        %dma_wait3A = arith.constant 0 : i32
        %dma_wait3A_66 = tpu.memref_slice %arg2[%arg0, %mul3A_58, %dma_wait3A] : memref<2x10000x64xf32, #tpu.memory_space<hbm>> -> memref<1x200x64xf32, #tpu.memory_space<hbm>>
        %dma_wait3A_67 = tpu.memref_squeeze %dma_wait3A_66 : memref<1x200x64xf32, #tpu.memory_space<hbm>> -> memref<200x64xf32, #tpu.memory_space<hbm>>
        %dma_wait3A_68 = arith.constant 0 : i32
        %dma_wait3A_69 = tpu.memref_slice %arg2[%arg0, %mul3A_58, %dma_wait3A_68] : memref<2x10000x64xf32, #tpu.memory_space<hbm>> -> memref<1x200x64xf32, #tpu.memory_space<hbm>>
        %dma_wait3A_70 = tpu.memref_squeeze %dma_wait3A_69 : memref<1x200x64xf32, #tpu.memory_space<hbm>> -> memref<200x64xf32, #tpu.memory_space<hbm>>
        tpu.wait_dma2 semaphore(%run_scoped3A : memref<!tpu.dma_semaphore, #tpu.memory_space<semaphore_mem>>) src(%dma_wait3A_70 : memref<200x64xf32, #tpu.memory_space<hbm>>) dst(%arg9 : memref<200x64xf32, #tpu.memory_space<vmem>>)
        tpu.yield
      }) : () -> ()
      %mul3A_59 = arith.constant 200 : i32
      %mul3A_60 = arith.muli %add3A_4, %mul3A_59 : i32
      "tpu.region"() ({
        %run_scoped3A = tpu.sem_alloc : memref<!tpu.dma_semaphore, #tpu.memory_space<semaphore_mem>>
        %dma_start3A = arith.constant 0 : i32
        %dma_start3A_61 = tpu.memref_slice %arg10[%mul3A_60, %dma_start3A] : memref<10000x64xf32, #tpu.memory_space<vmem_shared>> -> memref<200x64xf32, #tpu.memory_space<vmem_shared>>
        %dma_start3A_62 = arith.constant 0 : i32
        %dma_start3A_63 = tpu.memref_slice %arg10[%mul3A_60, %dma_start3A_62] : memref<10000x64xf32, #tpu.memory_space<vmem_shared>> -> memref<200x64xf32, #tpu.memory_space<vmem_shared>>
        tpu.enqueue_dma source(%arg9 : memref<200x64xf32, #tpu.memory_space<vmem>>) target(%dma_start3A_63 : memref<200x64xf32, #tpu.memory_space<vmem_shared>>) target_semaphore(%run_scoped3A : memref<!tpu.dma_semaphore, #tpu.memory_space<semaphore_mem>>)
        %dma_wait3A = arith.constant 0 : i32
        %dma_wait3A_64 = tpu.memref_slice %arg10[%mul3A_60, %dma_wait3A] : memref<10000x64xf32, #tpu.memory_space<vmem_shared>> -> memref<200x64xf32, #tpu.memory_space<vmem_shared>>
        %dma_wait3A_65 = arith.constant 0 : i32
        %dma_wait3A_66 = tpu.memref_slice %arg10[%mul3A_60, %dma_wait3A_65] : memref<10000x64xf32, #tpu.memory_space<vmem_shared>> -> memref<200x64xf32, #tpu.memory_space<vmem_shared>>
        tpu.wait_dma2 semaphore(%run_scoped3A : memref<!tpu.dma_semaphore, #tpu.memory_space<semaphore_mem>>) src(%arg9 : memref<200x64xf32, #tpu.memory_space<vmem>>) dst(%dma_wait3A_66 : memref<200x64xf32, #tpu.memory_space<vmem_shared>>)
        tpu.yield
      }) : () -> ()
    } else {
    }
    %add3A_10 = arith.constant 32 : i32
    %add3A_11 = arith.addi %arg1, %add3A_10 : i32
    %lt3A_12 = arith.constant 50 : i32
    %lt3A_13 = arith.cmpi slt, %add3A_11, %lt3A_12 : i32
    %convert_element_type3A_14 = arith.extui %lt3A_13 : i1 to i32
    %cond3A_15 = arith.constant 0 : i32
    %cond3A_16 = arith.cmpi ne, %convert_element_type3A_14, %cond3A_15 : i32
    scf.if %cond3A_16 {
      %mul3A = arith.constant 200 : i32
      %mul3A_58 = arith.muli %add3A_11, %mul3A : i32
      "tpu.region"() ({
        %run_scoped3A = tpu.sem_alloc : memref<!tpu.dma_semaphore, #tpu.memory_space<semaphore_mem>>
        %dma_start3A = arith.constant 0 : i32
        %dma_start3A_61 = tpu.memref_slice %arg2[%arg0, %mul3A_58, %dma_start3A] : memref<2x10000x64xf32, #tpu.memory_space<hbm>> -> memref<1x200x64xf32, #tpu.memory_space<hbm>>
        %dma_start3A_62 = tpu.memref_squeeze %dma_start3A_61 : memref<1x200x64xf32, #tpu.memory_space<hbm>> -> memref<200x64xf32, #tpu.memory_space<hbm>>
        %dma_start3A_63 = arith.constant 0 : i32
        %dma_start3A_64 = tpu.memref_slice %arg2[%arg0, %mul3A_58, %dma_start3A_63] : memref<2x10000x64xf32, #tpu.memory_space<hbm>> -> memref<1x200x64xf32, #tpu.memory_space<hbm>>
        %dma_start3A_65 = tpu.memref_squeeze %dma_start3A_64 : memref<1x200x64xf32, #tpu.memory_space<hbm>> -> memref<200x64xf32, #tpu.memory_space<hbm>>
        tpu.enqueue_dma source(%dma_start3A_65 : memref<200x64xf32, #tpu.memory_space<hbm>>) target(%arg9 : memref<200x64xf32, #tpu.memory_space<vmem>>) target_semaphore(%run_scoped3A : memref<!tpu.dma_semaphore, #tpu.memory_space<semaphore_mem>>)
        %dma_wait3A = arith.constant 0 : i32
        %dma_wait3A_66 = tpu.memref_slice %arg2[%arg0, %mul3A_58, %dma_wait3A] : memref<2x10000x64xf32, #tpu.memory_space<hbm>> -> memref<1x200x64xf32, #tpu.memory_space<hbm>>
        %dma_wait3A_67 = tpu.memref_squeeze %dma_wait3A_66 : memref<1x200x64xf32, #tpu.memory_space<hbm>> -> memref<200x64xf32, #tpu.memory_space<hbm>>
        %dma_wait3A_68 = arith.constant 0 : i32
        %dma_wait3A_69 = tpu.memref_slice %arg2[%arg0, %mul3A_58, %dma_wait3A_68] : memref<2x10000x64xf32, #tpu.memory_space<hbm>> -> memref<1x200x64xf32, #tpu.memory_space<hbm>>
        %dma_wait3A_70 = tpu.memref_squeeze %dma_wait3A_69 : memref<1x200x64xf32, #tpu.memory_space<hbm>> -> memref<200x64xf32, #tpu.memory_space<hbm>>
        tpu.wait_dma2 semaphore(%run_scoped3A : memref<!tpu.dma_semaphore, #tpu.memory_space<semaphore_mem>>) src(%dma_wait3A_70 : memref<200x64xf32, #tpu.memory_space<hbm>>) dst(%arg9 : memref<200x64xf32, #tpu.memory_space<vmem>>)
        tpu.yield
      }) : () -> ()
      %mul3A_59 = arith.constant 200 : i32
      %mul3A_60 = arith.muli %add3A_11, %mul3A_59 : i32
      "tpu.region"() ({
        %run_scoped3A = tpu.sem_alloc : memref<!tpu.dma_semaphore, #tpu.memory_space<semaphore_mem>>
        %dma_start3A = arith.constant 0 : i32
        %dma_start3A_61 = tpu.memref_slice %arg10[%mul3A_60, %dma_start3A] : memref<10000x64xf32, #tpu.memory_space<vmem_shared>> -> memref<200x64xf32, #tpu.memory_space<vmem_shared>>
        %dma_start3A_62 = arith.constant 0 : i32
        %dma_start3A_63 = tpu.memref_slice %arg10[%mul3A_60, %dma_start3A_62] : memref<10000x64xf32, #tpu.memory_space<vmem_shared>> -> memref<200x64xf32, #tpu.memory_space<vmem_shared>>
        tpu.enqueue_dma source(%arg9 : memref<200x64xf32, #tpu.memory_space<vmem>>) target(%dma_start3A_63 : memref<200x64xf32, #tpu.memory_space<vmem_shared>>) target_semaphore(%run_scoped3A : memref<!tpu.dma_semaphore, #tpu.memory_space<semaphore_mem>>)
        %dma_wait3A = arith.constant 0 : i32
        %dma_wait3A_64 = tpu.memref_slice %arg10[%mul3A_60, %dma_wait3A] : memref<10000x64xf32, #tpu.memory_space<vmem_shared>> -> memref<200x64xf32, #tpu.memory_space<vmem_shared>>
        %dma_wait3A_65 = arith.constant 0 : i32
        %dma_wait3A_66 = tpu.memref_slice %arg10[%mul3A_60, %dma_wait3A_65] : memref<10000x64xf32, #tpu.memory_space<vmem_shared>> -> memref<200x64xf32, #tpu.memory_space<vmem_shared>>
        tpu.wait_dma2 semaphore(%run_scoped3A : memref<!tpu.dma_semaphore, #tpu.memory_space<semaphore_mem>>) src(%arg9 : memref<200x64xf32, #tpu.memory_space<vmem>>) dst(%dma_wait3A_66 : memref<200x64xf32, #tpu.memory_space<vmem_shared>>)
        tpu.yield
      }) : () -> ()
    } else {
    }
    %add3A_17 = arith.constant 48 : i32
    %add3A_18 = arith.addi %arg1, %add3A_17 : i32
    %lt3A_19 = arith.constant 50 : i32
    %lt3A_20 = arith.cmpi slt, %add3A_18, %lt3A_19 : i32
    %convert_element_type3A_21 = arith.extui %lt3A_20 : i1 to i32
    %cond3A_22 = arith.constant 0 : i32
    %cond3A_23 = arith.cmpi ne, %convert_element_type3A_21, %cond3A_22 : i32
    scf.if %cond3A_23 {
      %mul3A = arith.constant 200 : i32
      %mul3A_58 = arith.muli %add3A_18, %mul3A : i32
      "tpu.region"() ({
        %run_scoped3A = tpu.sem_alloc : memref<!tpu.dma_semaphore, #tpu.memory_space<semaphore_mem>>
        %dma_start3A = arith.constant 0 : i32
        %dma_start3A_61 = tpu.memref_slice %arg2[%arg0, %mul3A_58, %dma_start3A] : memref<2x10000x64xf32, #tpu.memory_space<hbm>> -> memref<1x200x64xf32, #tpu.memory_space<hbm>>
        %dma_start3A_62 = tpu.memref_squeeze %dma_start3A_61 : memref<1x200x64xf32, #tpu.memory_space<hbm>> -> memref<200x64xf32, #tpu.memory_space<hbm>>
        %dma_start3A_63 = arith.constant 0 : i32
        %dma_start3A_64 = tpu.memref_slice %arg2[%arg0, %mul3A_58, %dma_start3A_63] : memref<2x10000x64xf32, #tpu.memory_space<hbm>> -> memref<1x200x64xf32, #tpu.memory_space<hbm>>
        %dma_start3A_65 = tpu.memref_squeeze %dma_start3A_64 : memref<1x200x64xf32, #tpu.memory_space<hbm>> -> memref<200x64xf32, #tpu.memory_space<hbm>>
        tpu.enqueue_dma source(%dma_start3A_65 : memref<200x64xf32, #tpu.memory_space<hbm>>) target(%arg9 : memref<200x64xf32, #tpu.memory_space<vmem>>) target_semaphore(%run_scoped3A : memref<!tpu.dma_semaphore, #tpu.memory_space<semaphore_mem>>)
        %dma_wait3A = arith.constant 0 : i32
        %dma_wait3A_66 = tpu.memref_slice %arg2[%arg0, %mul3A_58, %dma_wait3A] : memref<2x10000x64xf32, #tpu.memory_space<hbm>> -> memref<1x200x64xf32, #tpu.memory_space<hbm>>
        %dma_wait3A_67 = tpu.memref_squeeze %dma_wait3A_66 : memref<1x200x64xf32, #tpu.memory_space<hbm>> -> memref<200x64xf32, #tpu.memory_space<hbm>>
        %dma_wait3A_68 = arith.constant 0 : i32
        %dma_wait3A_69 = tpu.memref_slice %arg2[%arg0, %mul3A_58, %dma_wait3A_68] : memref<2x10000x64xf32, #tpu.memory_space<hbm>> -> memref<1x200x64xf32, #tpu.memory_space<hbm>>
        %dma_wait3A_70 = tpu.memref_squeeze %dma_wait3A_69 : memref<1x200x64xf32, #tpu.memory_space<hbm>> -> memref<200x64xf32, #tpu.memory_space<hbm>>
        tpu.wait_dma2 semaphore(%run_scoped3A : memref<!tpu.dma_semaphore, #tpu.memory_space<semaphore_mem>>) src(%dma_wait3A_70 : memref<200x64xf32, #tpu.memory_space<hbm>>) dst(%arg9 : memref<200x64xf32, #tpu.memory_space<vmem>>)
        tpu.yield
      }) : () -> ()
      %mul3A_59 = arith.constant 200 : i32
      %mul3A_60 = arith.muli %add3A_18, %mul3A_59 : i32
      "tpu.region"() ({
        %run_scoped3A = tpu.sem_alloc : memref<!tpu.dma_semaphore, #tpu.memory_space<semaphore_mem>>
        %dma_start3A = arith.constant 0 : i32
        %dma_start3A_61 = tpu.memref_slice %arg10[%mul3A_60, %dma_start3A] : memref<10000x64xf32, #tpu.memory_space<vmem_shared>> -> memref<200x64xf32, #tpu.memory_space<vmem_shared>>
        %dma_start3A_62 = arith.constant 0 : i32
        %dma_start3A_63 = tpu.memref_slice %arg10[%mul3A_60, %dma_start3A_62] : memref<10000x64xf32, #tpu.memory_space<vmem_shared>> -> memref<200x64xf32, #tpu.memory_space<vmem_shared>>
        tpu.enqueue_dma source(%arg9 : memref<200x64xf32, #tpu.memory_space<vmem>>) target(%dma_start3A_63 : memref<200x64xf32, #tpu.memory_space<vmem_shared>>) target_semaphore(%run_scoped3A : memref<!tpu.dma_semaphore, #tpu.memory_space<semaphore_mem>>)
        %dma_wait3A = arith.constant 0 : i32
        %dma_wait3A_64 = tpu.memref_slice %arg10[%mul3A_60, %dma_wait3A] : memref<10000x64xf32, #tpu.memory_space<vmem_shared>> -> memref<200x64xf32, #tpu.memory_space<vmem_shared>>
        %dma_wait3A_65 = arith.constant 0 : i32
        %dma_wait3A_66 = tpu.memref_slice %arg10[%mul3A_60, %dma_wait3A_65] : memref<10000x64xf32, #tpu.memory_space<vmem_shared>> -> memref<200x64xf32, #tpu.memory_space<vmem_shared>>
        tpu.wait_dma2 semaphore(%run_scoped3A : memref<!tpu.dma_semaphore, #tpu.memory_space<semaphore_mem>>) src(%arg9 : memref<200x64xf32, #tpu.memory_space<vmem>>) dst(%dma_wait3A_66 : memref<200x64xf32, #tpu.memory_space<vmem_shared>>)
        tpu.yield
      }) : () -> ()
    } else {
    }
    %barrier3A = arith.constant 0 : index
    tpu.barrier barrier_id(%barrier3A)
    %scan3A = arith.constant 0 : i32
    %scan3A_24 = arith.constant 0 : i32
    %scan3A_25 = arith.constant 250 : i32
    %scan3A_26 = arith.addi %scan3A_24, %scan3A_25 : i32
    %scan3A_27 = arith.constant 1 : i32
    scf.for %scan3A_58 = %scan3A_24 to %scan3A_26 step %scan3A_27  : i32 {
      "tpu.region"() ({
        %run_scoped3A = tpu.sem_alloc : memref<!tpu.dma_semaphore, #tpu.memory_space<semaphore_mem>>
        %dma_start3A = arith.constant 0 : i32
        %dma_start3A_59 = tpu.memref_slice %arg6[%scan3A_58, %dma_start3A] : memref<250x80xi32, #tpu.memory_space<vmem>> -> memref<1x80xi32, #tpu.memory_space<vmem>>
        %dma_start3A_60 = tpu.memref_squeeze %dma_start3A_59 : memref<1x80xi32, #tpu.memory_space<vmem>> -> memref<80xi32, #tpu.memory_space<vmem>>
        %dma_start3A_61 = arith.constant 0 : i32
        %dma_start3A_62 = arith.constant 0 : i32
        %dma_start3A_63 = tpu.memref_slice %arg2[%arg0, %dma_start3A_61, %dma_start3A_62] : memref<2x10000x64xf32, #tpu.memory_space<hbm>> -> memref<1x10000x64xf32, #tpu.memory_space<hbm>>
        %dma_start3A_64 = tpu.memref_squeeze %dma_start3A_63 : memref<1x10000x64xf32, #tpu.memory_space<hbm>> -> memref<10000x64xf32, #tpu.memory_space<hbm>>
        %dma_start3A_65 = arith.constant 0 : i32
        %dma_start3A_66 = arith.constant 0 : i32
        %dma_start3A_67 = tpu.memref_slice %dma_start3A_64[%dma_start3A_65, %dma_start3A_66] : memref<10000x64xf32, #tpu.memory_space<hbm>> -> memref<10000x64xf32, #tpu.memory_space<hbm>>
        tpu.enqueue_indirect_dma source(%dma_start3A_67 : memref<10000x64xf32, #tpu.memory_space<hbm>>) target(%arg8 : memref<80x64xf32, #tpu.memory_space<vmem>>) offsets(%dma_start3A_60 : memref<80xi32, #tpu.memory_space<vmem>>) semaphore(%run_scoped3A : memref<!tpu.dma_semaphore, #tpu.memory_space<semaphore_mem>>)
        %dma_wait3A = arith.constant 0 : i32
        %dma_wait3A_68 = tpu.memref_slice %arg6[%scan3A_58, %dma_wait3A] : memref<250x80xi32, #tpu.memory_space<vmem>> -> memref<1x80xi32, #tpu.memory_space<vmem>>
        %dma_wait3A_69 = tpu.memref_squeeze %dma_wait3A_68 : memref<1x80xi32, #tpu.memory_space<vmem>> -> memref<80xi32, #tpu.memory_space<vmem>>
        %dma_wait3A_70 = arith.constant 0 : i32
        %dma_wait3A_71 = arith.constant 0 : i32
        %dma_wait3A_72 = tpu.memref_slice %arg2[%arg0, %dma_wait3A_70, %dma_wait3A_71] : memref<2x10000x64xf32, #tpu.memory_space<hbm>> -> memref<1x10000x64xf32, #tpu.memory_space<hbm>>
        %dma_wait3A_73 = tpu.memref_squeeze %dma_wait3A_72 : memref<1x10000x64xf32, #tpu.memory_space<hbm>> -> memref<10000x64xf32, #tpu.memory_space<hbm>>
        %dma_wait3A_74 = arith.constant 0 : i32
        %dma_wait3A_75 = arith.constant 0 : i32
        %dma_wait3A_76 = tpu.memref_slice %dma_wait3A_73[%dma_wait3A_74, %dma_wait3A_75] : memref<10000x64xf32, #tpu.memory_space<hbm>> -> memref<10000x64xf32, #tpu.memory_space<hbm>>
        tpu.wait_indirect_dma semaphore(%run_scoped3A : memref<!tpu.dma_semaphore, #tpu.memory_space<semaphore_mem>>) src(%dma_wait3A_76 : memref<10000x64xf32, #tpu.memory_space<hbm>>) dst(%arg8 : memref<80x64xf32, #tpu.memory_space<vmem>>)
        tpu.yield
      }) : () -> ()
      "tpu.region"() ({
        %run_scoped3A = tpu.sem_alloc : memref<!tpu.dma_semaphore, #tpu.memory_space<semaphore_mem>>
        %dma_start3A = arith.constant 0 : i32
        %dma_start3A_59 = tpu.memref_slice %arg7[%scan3A_58, %dma_start3A] : memref<250x80xi32, #tpu.memory_space<vmem>> -> memref<1x80xi32, #tpu.memory_space<vmem>>
        %dma_start3A_60 = tpu.memref_squeeze %dma_start3A_59 : memref<1x80xi32, #tpu.memory_space<vmem>> -> memref<80xi32, #tpu.memory_space<vmem>>
        %dma_start3A_61 = arith.constant 0 : i32
        %dma_start3A_62 = arith.constant 0 : i32
        %dma_start3A_63 = tpu.memref_slice %arg10[%dma_start3A_61, %dma_start3A_62] : memref<10000x64xf32, #tpu.memory_space<vmem_shared>> -> memref<10000x64xf32, #tpu.memory_space<vmem_shared>>
        tpu.enqueue_indirect_dma source(%arg8 : memref<80x64xf32, #tpu.memory_space<vmem>>) target(%dma_start3A_63 : memref<10000x64xf32, #tpu.memory_space<vmem_shared>>) offsets(%dma_start3A_60 : memref<80xi32, #tpu.memory_space<vmem>>) semaphore(%run_scoped3A : memref<!tpu.dma_semaphore, #tpu.memory_space<semaphore_mem>>) {add = true}
        %dma_wait3A = arith.constant 0 : i32
        %dma_wait3A_64 = tpu.memref_slice %arg7[%scan3A_58, %dma_wait3A] : memref<250x80xi32, #tpu.memory_space<vmem>> -> memref<1x80xi32, #tpu.memory_space<vmem>>
        %dma_wait3A_65 = tpu.memref_squeeze %dma_wait3A_64 : memref<1x80xi32, #tpu.memory_space<vmem>> -> memref<80xi32, #tpu.memory_space<vmem>>
        %dma_wait3A_66 = arith.constant 0 : i32
        %dma_wait3A_67 = arith.constant 0 : i32
        %dma_wait3A_68 = tpu.memref_slice %arg10[%dma_wait3A_66, %dma_wait3A_67] : memref<10000x64xf32, #tpu.memory_space<vmem_shared>> -> memref<10000x64xf32, #tpu.memory_space<vmem_shared>>
        tpu.wait_indirect_dma semaphore(%run_scoped3A : memref<!tpu.dma_semaphore, #tpu.memory_space<semaphore_mem>>) src(%arg8 : memref<80x64xf32, #tpu.memory_space<vmem>>) dst(%dma_wait3A_68 : memref<10000x64xf32, #tpu.memory_space<vmem_shared>>)
        tpu.yield
      }) : () -> ()
    }
    %scan3A_28 = arith.constant 250 : i32
    %barrier3A_29 = arith.constant 0 : index
    tpu.barrier barrier_id(%barrier3A_29)
    %add3A_30 = arith.constant 0 : i32
    %add3A_31 = arith.addi %arg1, %add3A_30 : i32
    %lt3A_32 = arith.constant 50 : i32
    %lt3A_33 = arith.cmpi slt, %add3A_31, %lt3A_32 : i32
    %convert_element_type3A_34 = arith.extui %lt3A_33 : i1 to i32
    %cond3A_35 = arith.constant 0 : i32
    %cond3A_36 = arith.cmpi ne, %convert_element_type3A_34, %cond3A_35 : i32
    scf.if %cond3A_36 {
      %mul3A = arith.constant 200 : i32
      %mul3A_58 = arith.muli %add3A_31, %mul3A : i32
      "tpu.region"() ({
        %run_scoped3A = tpu.sem_alloc : memref<!tpu.dma_semaphore, #tpu.memory_space<semaphore_mem>>
        %dma_start3A = arith.constant 0 : i32
        %dma_start3A_61 = tpu.memref_slice %arg10[%mul3A_58, %dma_start3A] : memref<10000x64xf32, #tpu.memory_space<vmem_shared>> -> memref<200x64xf32, #tpu.memory_space<vmem_shared>>
        %dma_start3A_62 = arith.constant 0 : i32
        %dma_start3A_63 = tpu.memref_slice %arg10[%mul3A_58, %dma_start3A_62] : memref<10000x64xf32, #tpu.memory_space<vmem_shared>> -> memref<200x64xf32, #tpu.memory_space<vmem_shared>>
        tpu.enqueue_dma source(%dma_start3A_63 : memref<200x64xf32, #tpu.memory_space<vmem_shared>>) target(%arg9 : memref<200x64xf32, #tpu.memory_space<vmem>>) target_semaphore(%run_scoped3A : memref<!tpu.dma_semaphore, #tpu.memory_space<semaphore_mem>>)
        %dma_wait3A = arith.constant 0 : i32
        %dma_wait3A_64 = tpu.memref_slice %arg10[%mul3A_58, %dma_wait3A] : memref<10000x64xf32, #tpu.memory_space<vmem_shared>> -> memref<200x64xf32, #tpu.memory_space<vmem_shared>>
        %dma_wait3A_65 = arith.constant 0 : i32
        %dma_wait3A_66 = tpu.memref_slice %arg10[%mul3A_58, %dma_wait3A_65] : memref<10000x64xf32, #tpu.memory_space<vmem_shared>> -> memref<200x64xf32, #tpu.memory_space<vmem_shared>>
        tpu.wait_dma2 semaphore(%run_scoped3A : memref<!tpu.dma_semaphore, #tpu.memory_space<semaphore_mem>>) src(%dma_wait3A_66 : memref<200x64xf32, #tpu.memory_space<vmem_shared>>) dst(%arg9 : memref<200x64xf32, #tpu.memory_space<vmem>>)
        tpu.yield
      }) : () -> ()
      %mul3A_59 = arith.constant 200 : i32
      %mul3A_60 = arith.muli %add3A_31, %mul3A_59 : i32
      "tpu.region"() ({
        %run_scoped3A = tpu.sem_alloc : memref<!tpu.dma_semaphore, #tpu.memory_space<semaphore_mem>>
        %dma_start3A = arith.constant 0 : i32
        %dma_start3A_61 = tpu.memref_slice %arg5[%arg0, %mul3A_60, %dma_start3A] : memref<2x10000x64xf32, #tpu.memory_space<hbm>> -> memref<1x200x64xf32, #tpu.memory_space<hbm>>
        %dma_start3A_62 = tpu.memref_squeeze %dma_start3A_61 : memref<1x200x64xf32, #tpu.memory_space<hbm>> -> memref<200x64xf32, #tpu.memory_space<hbm>>
        %dma_start3A_63 = arith.constant 0 : i32
        %dma_start3A_64 = tpu.memref_slice %arg5[%arg0, %mul3A_60, %dma_start3A_63] : memref<2x10000x64xf32, #tpu.memory_space<hbm>> -> memref<1x200x64xf32, #tpu.memory_space<hbm>>
        %dma_start3A_65 = tpu.memref_squeeze %dma_start3A_64 : memref<1x200x64xf32, #tpu.memory_space<hbm>> -> memref<200x64xf32, #tpu.memory_space<hbm>>
        tpu.enqueue_dma source(%arg9 : memref<200x64xf32, #tpu.memory_space<vmem>>) target(%dma_start3A_65 : memref<200x64xf32, #tpu.memory_space<hbm>>) target_semaphore(%run_scoped3A : memref<!tpu.dma_semaphore, #tpu.memory_space<semaphore_mem>>)
        %dma_wait3A = arith.constant 0 : i32
        %dma_wait3A_66 = tpu.memref_slice %arg5[%arg0, %mul3A_60, %dma_wait3A] : memref<2x10000x64xf32, #tpu.memory_space<hbm>> -> memref<1x200x64xf32, #tpu.memory_space<hbm>>
        %dma_wait3A_67 = tpu.memref_squeeze %dma_wait3A_66 : memref<1x200x64xf32, #tpu.memory_space<hbm>> -> memref<200x64xf32, #tpu.memory_space<hbm>>
        %dma_wait3A_68 = arith.constant 0 : i32
        %dma_wait3A_69 = tpu.memref_slice %arg5[%arg0, %mul3A_60, %dma_wait3A_68] : memref<2x10000x64xf32, #tpu.memory_space<hbm>> -> memref<1x200x64xf32, #tpu.memory_space<hbm>>
        %dma_wait3A_70 = tpu.memref_squeeze %dma_wait3A_69 : memref<1x200x64xf32, #tpu.memory_space<hbm>> -> memref<200x64xf32, #tpu.memory_space<hbm>>
        tpu.wait_dma2 semaphore(%run_scoped3A : memref<!tpu.dma_semaphore, #tpu.memory_space<semaphore_mem>>) src(%arg9 : memref<200x64xf32, #tpu.memory_space<vmem>>) dst(%dma_wait3A_70 : memref<200x64xf32, #tpu.memory_space<hbm>>)
        tpu.yield
      }) : () -> ()
    } else {
    }
    %add3A_37 = arith.constant 16 : i32
    %add3A_38 = arith.addi %arg1, %add3A_37 : i32
    %lt3A_39 = arith.constant 50 : i32
    %lt3A_40 = arith.cmpi slt, %add3A_38, %lt3A_39 : i32
    %convert_element_type3A_41 = arith.extui %lt3A_40 : i1 to i32
    %cond3A_42 = arith.constant 0 : i32
    %cond3A_43 = arith.cmpi ne, %convert_element_type3A_41, %cond3A_42 : i32
    scf.if %cond3A_43 {
      %mul3A = arith.constant 200 : i32
      %mul3A_58 = arith.muli %add3A_38, %mul3A : i32
      "tpu.region"() ({
        %run_scoped3A = tpu.sem_alloc : memref<!tpu.dma_semaphore, #tpu.memory_space<semaphore_mem>>
        %dma_start3A = arith.constant 0 : i32
        %dma_start3A_61 = tpu.memref_slice %arg10[%mul3A_58, %dma_start3A] : memref<10000x64xf32, #tpu.memory_space<vmem_shared>> -> memref<200x64xf32, #tpu.memory_space<vmem_shared>>
        %dma_start3A_62 = arith.constant 0 : i32
        %dma_start3A_63 = tpu.memref_slice %arg10[%mul3A_58, %dma_start3A_62] : memref<10000x64xf32, #tpu.memory_space<vmem_shared>> -> memref<200x64xf32, #tpu.memory_space<vmem_shared>>
        tpu.enqueue_dma source(%dma_start3A_63 : memref<200x64xf32, #tpu.memory_space<vmem_shared>>) target(%arg9 : memref<200x64xf32, #tpu.memory_space<vmem>>) target_semaphore(%run_scoped3A : memref<!tpu.dma_semaphore, #tpu.memory_space<semaphore_mem>>)
        %dma_wait3A = arith.constant 0 : i32
        %dma_wait3A_64 = tpu.memref_slice %arg10[%mul3A_58, %dma_wait3A] : memref<10000x64xf32, #tpu.memory_space<vmem_shared>> -> memref<200x64xf32, #tpu.memory_space<vmem_shared>>
        %dma_wait3A_65 = arith.constant 0 : i32
        %dma_wait3A_66 = tpu.memref_slice %arg10[%mul3A_58, %dma_wait3A_65] : memref<10000x64xf32, #tpu.memory_space<vmem_shared>> -> memref<200x64xf32, #tpu.memory_space<vmem_shared>>
        tpu.wait_dma2 semaphore(%run_scoped3A : memref<!tpu.dma_semaphore, #tpu.memory_space<semaphore_mem>>) src(%dma_wait3A_66 : memref<200x64xf32, #tpu.memory_space<vmem_shared>>) dst(%arg9 : memref<200x64xf32, #tpu.memory_space<vmem>>)
        tpu.yield
      }) : () -> ()
      %mul3A_59 = arith.constant 200 : i32
      %mul3A_60 = arith.muli %add3A_38, %mul3A_59 : i32
      "tpu.region"() ({
        %run_scoped3A = tpu.sem_alloc : memref<!tpu.dma_semaphore, #tpu.memory_space<semaphore_mem>>
        %dma_start3A = arith.constant 0 : i32
        %dma_start3A_61 = tpu.memref_slice %arg5[%arg0, %mul3A_60, %dma_start3A] : memref<2x10000x64xf32, #tpu.memory_space<hbm>> -> memref<1x200x64xf32, #tpu.memory_space<hbm>>
        %dma_start3A_62 = tpu.memref_squeeze %dma_start3A_61 : memref<1x200x64xf32, #tpu.memory_space<hbm>> -> memref<200x64xf32, #tpu.memory_space<hbm>>
        %dma_start3A_63 = arith.constant 0 : i32
        %dma_start3A_64 = tpu.memref_slice %arg5[%arg0, %mul3A_60, %dma_start3A_63] : memref<2x10000x64xf32, #tpu.memory_space<hbm>> -> memref<1x200x64xf32, #tpu.memory_space<hbm>>
        %dma_start3A_65 = tpu.memref_squeeze %dma_start3A_64 : memref<1x200x64xf32, #tpu.memory_space<hbm>> -> memref<200x64xf32, #tpu.memory_space<hbm>>
        tpu.enqueue_dma source(%arg9 : memref<200x64xf32, #tpu.memory_space<vmem>>) target(%dma_start3A_65 : memref<200x64xf32, #tpu.memory_space<hbm>>) target_semaphore(%run_scoped3A : memref<!tpu.dma_semaphore, #tpu.memory_space<semaphore_mem>>)
        %dma_wait3A = arith.constant 0 : i32
        %dma_wait3A_66 = tpu.memref_slice %arg5[%arg0, %mul3A_60, %dma_wait3A] : memref<2x10000x64xf32, #tpu.memory_space<hbm>> -> memref<1x200x64xf32, #tpu.memory_space<hbm>>
        %dma_wait3A_67 = tpu.memref_squeeze %dma_wait3A_66 : memref<1x200x64xf32, #tpu.memory_space<hbm>> -> memref<200x64xf32, #tpu.memory_space<hbm>>
        %dma_wait3A_68 = arith.constant 0 : i32
        %dma_wait3A_69 = tpu.memref_slice %arg5[%arg0, %mul3A_60, %dma_wait3A_68] : memref<2x10000x64xf32, #tpu.memory_space<hbm>> -> memref<1x200x64xf32, #tpu.memory_space<hbm>>
        %dma_wait3A_70 = tpu.memref_squeeze %dma_wait3A_69 : memref<1x200x64xf32, #tpu.memory_space<hbm>> -> memref<200x64xf32, #tpu.memory_space<hbm>>
        tpu.wait_dma2 semaphore(%run_scoped3A : memref<!tpu.dma_semaphore, #tpu.memory_space<semaphore_mem>>) src(%arg9 : memref<200x64xf32, #tpu.memory_space<vmem>>) dst(%dma_wait3A_70 : memref<200x64xf32, #tpu.memory_space<hbm>>)
        tpu.yield
      }) : () -> ()
    } else {
    }
    %add3A_44 = arith.constant 32 : i32
    %add3A_45 = arith.addi %arg1, %add3A_44 : i32
    %lt3A_46 = arith.constant 50 : i32
    %lt3A_47 = arith.cmpi slt, %add3A_45, %lt3A_46 : i32
    %convert_element_type3A_48 = arith.extui %lt3A_47 : i1 to i32
    %cond3A_49 = arith.constant 0 : i32
    %cond3A_50 = arith.cmpi ne, %convert_element_type3A_48, %cond3A_49 : i32
    scf.if %cond3A_50 {
      %mul3A = arith.constant 200 : i32
      %mul3A_58 = arith.muli %add3A_45, %mul3A : i32
      "tpu.region"() ({
        %run_scoped3A = tpu.sem_alloc : memref<!tpu.dma_semaphore, #tpu.memory_space<semaphore_mem>>
        %dma_start3A = arith.constant 0 : i32
        %dma_start3A_61 = tpu.memref_slice %arg10[%mul3A_58, %dma_start3A] : memref<10000x64xf32, #tpu.memory_space<vmem_shared>> -> memref<200x64xf32, #tpu.memory_space<vmem_shared>>
        %dma_start3A_62 = arith.constant 0 : i32
        %dma_start3A_63 = tpu.memref_slice %arg10[%mul3A_58, %dma_start3A_62] : memref<10000x64xf32, #tpu.memory_space<vmem_shared>> -> memref<200x64xf32, #tpu.memory_space<vmem_shared>>
        tpu.enqueue_dma source(%dma_start3A_63 : memref<200x64xf32, #tpu.memory_space<vmem_shared>>) target(%arg9 : memref<200x64xf32, #tpu.memory_space<vmem>>) target_semaphore(%run_scoped3A : memref<!tpu.dma_semaphore, #tpu.memory_space<semaphore_mem>>)
        %dma_wait3A = arith.constant 0 : i32
        %dma_wait3A_64 = tpu.memref_slice %arg10[%mul3A_58, %dma_wait3A] : memref<10000x64xf32, #tpu.memory_space<vmem_shared>> -> memref<200x64xf32, #tpu.memory_space<vmem_shared>>
        %dma_wait3A_65 = arith.constant 0 : i32
        %dma_wait3A_66 = tpu.memref_slice %arg10[%mul3A_58, %dma_wait3A_65] : memref<10000x64xf32, #tpu.memory_space<vmem_shared>> -> memref<200x64xf32, #tpu.memory_space<vmem_shared>>
        tpu.wait_dma2 semaphore(%run_scoped3A : memref<!tpu.dma_semaphore, #tpu.memory_space<semaphore_mem>>) src(%dma_wait3A_66 : memref<200x64xf32, #tpu.memory_space<vmem_shared>>) dst(%arg9 : memref<200x64xf32, #tpu.memory_space<vmem>>)
        tpu.yield
      }) : () -> ()
      %mul3A_59 = arith.constant 200 : i32
      %mul3A_60 = arith.muli %add3A_45, %mul3A_59 : i32
      "tpu.region"() ({
        %run_scoped3A = tpu.sem_alloc : memref<!tpu.dma_semaphore, #tpu.memory_space<semaphore_mem>>
        %dma_start3A = arith.constant 0 : i32
        %dma_start3A_61 = tpu.memref_slice %arg5[%arg0, %mul3A_60, %dma_start3A] : memref<2x10000x64xf32, #tpu.memory_space<hbm>> -> memref<1x200x64xf32, #tpu.memory_space<hbm>>
        %dma_start3A_62 = tpu.memref_squeeze %dma_start3A_61 : memref<1x200x64xf32, #tpu.memory_space<hbm>> -> memref<200x64xf32, #tpu.memory_space<hbm>>
        %dma_start3A_63 = arith.constant 0 : i32
        %dma_start3A_64 = tpu.memref_slice %arg5[%arg0, %mul3A_60, %dma_start3A_63] : memref<2x10000x64xf32, #tpu.memory_space<hbm>> -> memref<1x200x64xf32, #tpu.memory_space<hbm>>
        %dma_start3A_65 = tpu.memref_squeeze %dma_start3A_64 : memref<1x200x64xf32, #tpu.memory_space<hbm>> -> memref<200x64xf32, #tpu.memory_space<hbm>>
        tpu.enqueue_dma source(%arg9 : memref<200x64xf32, #tpu.memory_space<vmem>>) target(%dma_start3A_65 : memref<200x64xf32, #tpu.memory_space<hbm>>) target_semaphore(%run_scoped3A : memref<!tpu.dma_semaphore, #tpu.memory_space<semaphore_mem>>)
        %dma_wait3A = arith.constant 0 : i32
        %dma_wait3A_66 = tpu.memref_slice %arg5[%arg0, %mul3A_60, %dma_wait3A] : memref<2x10000x64xf32, #tpu.memory_space<hbm>> -> memref<1x200x64xf32, #tpu.memory_space<hbm>>
        %dma_wait3A_67 = tpu.memref_squeeze %dma_wait3A_66 : memref<1x200x64xf32, #tpu.memory_space<hbm>> -> memref<200x64xf32, #tpu.memory_space<hbm>>
        %dma_wait3A_68 = arith.constant 0 : i32
        %dma_wait3A_69 = tpu.memref_slice %arg5[%arg0, %mul3A_60, %dma_wait3A_68] : memref<2x10000x64xf32, #tpu.memory_space<hbm>> -> memref<1x200x64xf32, #tpu.memory_space<hbm>>
        %dma_wait3A_70 = tpu.memref_squeeze %dma_wait3A_69 : memref<1x200x64xf32, #tpu.memory_space<hbm>> -> memref<200x64xf32, #tpu.memory_space<hbm>>
        tpu.wait_dma2 semaphore(%run_scoped3A : memref<!tpu.dma_semaphore, #tpu.memory_space<semaphore_mem>>) src(%arg9 : memref<200x64xf32, #tpu.memory_space<vmem>>) dst(%dma_wait3A_70 : memref<200x64xf32, #tpu.memory_space<hbm>>)
        tpu.yield
      }) : () -> ()
    } else {
    }
    %add3A_51 = arith.constant 48 : i32
    %add3A_52 = arith.addi %arg1, %add3A_51 : i32
    %lt3A_53 = arith.constant 50 : i32
    %lt3A_54 = arith.cmpi slt, %add3A_52, %lt3A_53 : i32
    %convert_element_type3A_55 = arith.extui %lt3A_54 : i1 to i32
    %cond3A_56 = arith.constant 0 : i32
    %cond3A_57 = arith.cmpi ne, %convert_element_type3A_55, %cond3A_56 : i32
    scf.if %cond3A_57 {
      %mul3A = arith.constant 200 : i32
      %mul3A_58 = arith.muli %add3A_52, %mul3A : i32
      "tpu.region"() ({
        %run_scoped3A = tpu.sem_alloc : memref<!tpu.dma_semaphore, #tpu.memory_space<semaphore_mem>>
        %dma_start3A = arith.constant 0 : i32
        %dma_start3A_61 = tpu.memref_slice %arg10[%mul3A_58, %dma_start3A] : memref<10000x64xf32, #tpu.memory_space<vmem_shared>> -> memref<200x64xf32, #tpu.memory_space<vmem_shared>>
        %dma_start3A_62 = arith.constant 0 : i32
        %dma_start3A_63 = tpu.memref_slice %arg10[%mul3A_58, %dma_start3A_62] : memref<10000x64xf32, #tpu.memory_space<vmem_shared>> -> memref<200x64xf32, #tpu.memory_space<vmem_shared>>
        tpu.enqueue_dma source(%dma_start3A_63 : memref<200x64xf32, #tpu.memory_space<vmem_shared>>) target(%arg9 : memref<200x64xf32, #tpu.memory_space<vmem>>) target_semaphore(%run_scoped3A : memref<!tpu.dma_semaphore, #tpu.memory_space<semaphore_mem>>)
        %dma_wait3A = arith.constant 0 : i32
        %dma_wait3A_64 = tpu.memref_slice %arg10[%mul3A_58, %dma_wait3A] : memref<10000x64xf32, #tpu.memory_space<vmem_shared>> -> memref<200x64xf32, #tpu.memory_space<vmem_shared>>
        %dma_wait3A_65 = arith.constant 0 : i32
        %dma_wait3A_66 = tpu.memref_slice %arg10[%mul3A_58, %dma_wait3A_65] : memref<10000x64xf32, #tpu.memory_space<vmem_shared>> -> memref<200x64xf32, #tpu.memory_space<vmem_shared>>
        tpu.wait_dma2 semaphore(%run_scoped3A : memref<!tpu.dma_semaphore, #tpu.memory_space<semaphore_mem>>) src(%dma_wait3A_66 : memref<200x64xf32, #tpu.memory_space<vmem_shared>>) dst(%arg9 : memref<200x64xf32, #tpu.memory_space<vmem>>)
        tpu.yield
      }) : () -> ()
      %mul3A_59 = arith.constant 200 : i32
      %mul3A_60 = arith.muli %add3A_52, %mul3A_59 : i32
      "tpu.region"() ({
        %run_scoped3A = tpu.sem_alloc : memref<!tpu.dma_semaphore, #tpu.memory_space<semaphore_mem>>
        %dma_start3A = arith.constant 0 : i32
        %dma_start3A_61 = tpu.memref_slice %arg5[%arg0, %mul3A_60, %dma_start3A] : memref<2x10000x64xf32, #tpu.memory_space<hbm>> -> memref<1x200x64xf32, #tpu.memory_space<hbm>>
        %dma_start3A_62 = tpu.memref_squeeze %dma_start3A_61 : memref<1x200x64xf32, #tpu.memory_space<hbm>> -> memref<200x64xf32, #tpu.memory_space<hbm>>
        %dma_start3A_63 = arith.constant 0 : i32
        %dma_start3A_64 = tpu.memref_slice %arg5[%arg0, %mul3A_60, %dma_start3A_63] : memref<2x10000x64xf32, #tpu.memory_space<hbm>> -> memref<1x200x64xf32, #tpu.memory_space<hbm>>
        %dma_start3A_65 = tpu.memref_squeeze %dma_start3A_64 : memref<1x200x64xf32, #tpu.memory_space<hbm>> -> memref<200x64xf32, #tpu.memory_space<hbm>>
        tpu.enqueue_dma source(%arg9 : memref<200x64xf32, #tpu.memory_space<vmem>>) target(%dma_start3A_65 : memref<200x64xf32, #tpu.memory_space<hbm>>) target_semaphore(%run_scoped3A : memref<!tpu.dma_semaphore, #tpu.memory_space<semaphore_mem>>)
        %dma_wait3A = arith.constant 0 : i32
        %dma_wait3A_66 = tpu.memref_slice %arg5[%arg0, %mul3A_60, %dma_wait3A] : memref<2x10000x64xf32, #tpu.memory_space<hbm>> -> memref<1x200x64xf32, #tpu.memory_space<hbm>>
        %dma_wait3A_67 = tpu.memref_squeeze %dma_wait3A_66 : memref<1x200x64xf32, #tpu.memory_space<hbm>> -> memref<200x64xf32, #tpu.memory_space<hbm>>
        %dma_wait3A_68 = arith.constant 0 : i32
        %dma_wait3A_69 = tpu.memref_slice %arg5[%arg0, %mul3A_60, %dma_wait3A_68] : memref<2x10000x64xf32, #tpu.memory_space<hbm>> -> memref<1x200x64xf32, #tpu.memory_space<hbm>>
        %dma_wait3A_70 = tpu.memref_squeeze %dma_wait3A_69 : memref<1x200x64xf32, #tpu.memory_space<hbm>> -> memref<200x64xf32, #tpu.memory_space<hbm>>
        tpu.wait_dma2 semaphore(%run_scoped3A : memref<!tpu.dma_semaphore, #tpu.memory_space<semaphore_mem>>) src(%arg9 : memref<200x64xf32, #tpu.memory_space<vmem>>) dst(%dma_wait3A_70 : memref<200x64xf32, #tpu.memory_space<hbm>>)
        tpu.yield
      }) : () -> ()
    } else {
    }
    return
  }
}

#map = affine_map<(d0, d1) -> (0, 0)>
#map1 = affine_map<(d0, d1) -> (0, 0, 0)>
module attributes {stable_mosaic.version = 14 : i64} {
  func.func @_sc_deg_body(%arg0: i32, %arg1: i32, %arg2: memref<200x16xf32, #tpu.memory_space<hbm>>, %arg3: memref<32x125x80xi32, #tpu.memory_space<hbm>>, %arg4: memref<2x10000x16xf32, #tpu.memory_space<hbm>>, %arg5: memref<125x80xi32, #tpu.memory_space<vmem>>, %arg6: memref<200x16xf32, #tpu.memory_space<vmem>>, %arg7: memref<10000x16xf32, #tpu.memory_space<vmem_shared>>) attributes {dimension_semantics = [#tpu.dimension_semantics<core_parallel>, #tpu.dimension_semantics<subcore_parallel>], iteration_bounds = array<i64: 2, 16>, scalar_prefetch = 0 : i64, scratch_operands = 3 : i64, tpu.core_type = #tpu.core_type<sc_vector_subcore>, window_params = [{transform_indices = #map}, {transform_indices = #map1}, {transform_indices = #map1}]} {
    %mul3A = arith.constant 16 : i32
    %mul3A_0 = arith.muli %arg0, %mul3A : i32
    %add3A = arith.addi %mul3A_0, %arg1 : i32
    "tpu.region"() ({
      %run_scoped3A = tpu.sem_alloc : memref<!tpu.dma_semaphore, #tpu.memory_space<semaphore_mem>>
      %dma_start3A = arith.constant 0 : i32
      %dma_start3A_60 = arith.constant 0 : i32
      %dma_start3A_61 = tpu.memref_slice %arg3[%add3A, %dma_start3A, %dma_start3A_60] : memref<32x125x80xi32, #tpu.memory_space<hbm>> -> memref<1x125x80xi32, #tpu.memory_space<hbm>>
      %dma_start3A_62 = tpu.memref_squeeze %dma_start3A_61 : memref<1x125x80xi32, #tpu.memory_space<hbm>> -> memref<125x80xi32, #tpu.memory_space<hbm>>
      %dma_start3A_63 = arith.constant 0 : i32
      %dma_start3A_64 = arith.constant 0 : i32
      %dma_start3A_65 = tpu.memref_slice %arg3[%add3A, %dma_start3A_63, %dma_start3A_64] : memref<32x125x80xi32, #tpu.memory_space<hbm>> -> memref<1x125x80xi32, #tpu.memory_space<hbm>>
      %dma_start3A_66 = tpu.memref_squeeze %dma_start3A_65 : memref<1x125x80xi32, #tpu.memory_space<hbm>> -> memref<125x80xi32, #tpu.memory_space<hbm>>
      tpu.enqueue_dma source(%dma_start3A_66 : memref<125x80xi32, #tpu.memory_space<hbm>>) target(%arg5 : memref<125x80xi32, #tpu.memory_space<vmem>>) target_semaphore(%run_scoped3A : memref<!tpu.dma_semaphore, #tpu.memory_space<semaphore_mem>>)
      %dma_wait3A = arith.constant 0 : i32
      %dma_wait3A_67 = arith.constant 0 : i32
      %dma_wait3A_68 = tpu.memref_slice %arg3[%add3A, %dma_wait3A, %dma_wait3A_67] : memref<32x125x80xi32, #tpu.memory_space<hbm>> -> memref<1x125x80xi32, #tpu.memory_space<hbm>>
      %dma_wait3A_69 = tpu.memref_squeeze %dma_wait3A_68 : memref<1x125x80xi32, #tpu.memory_space<hbm>> -> memref<125x80xi32, #tpu.memory_space<hbm>>
      %dma_wait3A_70 = arith.constant 0 : i32
      %dma_wait3A_71 = arith.constant 0 : i32
      %dma_wait3A_72 = tpu.memref_slice %arg3[%add3A, %dma_wait3A_70, %dma_wait3A_71] : memref<32x125x80xi32, #tpu.memory_space<hbm>> -> memref<1x125x80xi32, #tpu.memory_space<hbm>>
      %dma_wait3A_73 = tpu.memref_squeeze %dma_wait3A_72 : memref<1x125x80xi32, #tpu.memory_space<hbm>> -> memref<125x80xi32, #tpu.memory_space<hbm>>
      tpu.wait_dma2 semaphore(%run_scoped3A : memref<!tpu.dma_semaphore, #tpu.memory_space<semaphore_mem>>) src(%dma_wait3A_73 : memref<125x80xi32, #tpu.memory_space<hbm>>) dst(%arg5 : memref<125x80xi32, #tpu.memory_space<vmem>>)
      tpu.yield
    }) : () -> ()
    "tpu.region"() ({
      %run_scoped3A = tpu.sem_alloc : memref<!tpu.dma_semaphore, #tpu.memory_space<semaphore_mem>>
      tpu.enqueue_dma source(%arg2 : memref<200x16xf32, #tpu.memory_space<hbm>>) target(%arg6 : memref<200x16xf32, #tpu.memory_space<vmem>>) target_semaphore(%run_scoped3A : memref<!tpu.dma_semaphore, #tpu.memory_space<semaphore_mem>>)
      tpu.wait_dma2 semaphore(%run_scoped3A : memref<!tpu.dma_semaphore, #tpu.memory_space<semaphore_mem>>) src(%arg2 : memref<200x16xf32, #tpu.memory_space<hbm>>) dst(%arg6 : memref<200x16xf32, #tpu.memory_space<vmem>>)
      tpu.yield
    }) : () -> ()
    %add3A_1 = arith.constant 0 : i32
    %add3A_2 = arith.addi %arg1, %add3A_1 : i32
    %lt3A = arith.constant 50 : i32
    %lt3A_3 = arith.cmpi slt, %add3A_2, %lt3A : i32
    %convert_element_type3A = arith.extui %lt3A_3 : i1 to i32
    %cond3A = arith.constant 0 : i32
    %cond3A_4 = arith.cmpi ne, %convert_element_type3A, %cond3A : i32
    scf.if %cond3A_4 {
      %mul3A_60 = arith.constant 200 : i32
      %mul3A_61 = arith.muli %add3A_2, %mul3A_60 : i32
      "tpu.region"() ({
        %run_scoped3A = tpu.sem_alloc : memref<!tpu.dma_semaphore, #tpu.memory_space<semaphore_mem>>
        %dma_start3A = arith.constant 0 : i32
        %dma_start3A_62 = tpu.memref_slice %arg7[%mul3A_61, %dma_start3A] : memref<10000x16xf32, #tpu.memory_space<vmem_shared>> -> memref<200x16xf32, #tpu.memory_space<vmem_shared>>
        %dma_start3A_63 = arith.constant 0 : i32
        %dma_start3A_64 = tpu.memref_slice %arg7[%mul3A_61, %dma_start3A_63] : memref<10000x16xf32, #tpu.memory_space<vmem_shared>> -> memref<200x16xf32, #tpu.memory_space<vmem_shared>>
        tpu.enqueue_dma source(%arg6 : memref<200x16xf32, #tpu.memory_space<vmem>>) target(%dma_start3A_64 : memref<200x16xf32, #tpu.memory_space<vmem_shared>>) target_semaphore(%run_scoped3A : memref<!tpu.dma_semaphore, #tpu.memory_space<semaphore_mem>>)
        %dma_wait3A = arith.constant 0 : i32
        %dma_wait3A_65 = tpu.memref_slice %arg7[%mul3A_61, %dma_wait3A] : memref<10000x16xf32, #tpu.memory_space<vmem_shared>> -> memref<200x16xf32, #tpu.memory_space<vmem_shared>>
        %dma_wait3A_66 = arith.constant 0 : i32
        %dma_wait3A_67 = tpu.memref_slice %arg7[%mul3A_61, %dma_wait3A_66] : memref<10000x16xf32, #tpu.memory_space<vmem_shared>> -> memref<200x16xf32, #tpu.memory_space<vmem_shared>>
        tpu.wait_dma2 semaphore(%run_scoped3A : memref<!tpu.dma_semaphore, #tpu.memory_space<semaphore_mem>>) src(%arg6 : memref<200x16xf32, #tpu.memory_space<vmem>>) dst(%dma_wait3A_67 : memref<200x16xf32, #tpu.memory_space<vmem_shared>>)
        tpu.yield
      }) : () -> ()
    } else {
    }
    %add3A_5 = arith.constant 16 : i32
    %add3A_6 = arith.addi %arg1, %add3A_5 : i32
    %lt3A_7 = arith.constant 50 : i32
    %lt3A_8 = arith.cmpi slt, %add3A_6, %lt3A_7 : i32
    %convert_element_type3A_9 = arith.extui %lt3A_8 : i1 to i32
    %cond3A_10 = arith.constant 0 : i32
    %cond3A_11 = arith.cmpi ne, %convert_element_type3A_9, %cond3A_10 : i32
    scf.if %cond3A_11 {
      %mul3A_60 = arith.constant 200 : i32
      %mul3A_61 = arith.muli %add3A_6, %mul3A_60 : i32
      "tpu.region"() ({
        %run_scoped3A = tpu.sem_alloc : memref<!tpu.dma_semaphore, #tpu.memory_space<semaphore_mem>>
        %dma_start3A = arith.constant 0 : i32
        %dma_start3A_62 = tpu.memref_slice %arg7[%mul3A_61, %dma_start3A] : memref<10000x16xf32, #tpu.memory_space<vmem_shared>> -> memref<200x16xf32, #tpu.memory_space<vmem_shared>>
        %dma_start3A_63 = arith.constant 0 : i32
        %dma_start3A_64 = tpu.memref_slice %arg7[%mul3A_61, %dma_start3A_63] : memref<10000x16xf32, #tpu.memory_space<vmem_shared>> -> memref<200x16xf32, #tpu.memory_space<vmem_shared>>
        tpu.enqueue_dma source(%arg6 : memref<200x16xf32, #tpu.memory_space<vmem>>) target(%dma_start3A_64 : memref<200x16xf32, #tpu.memory_space<vmem_shared>>) target_semaphore(%run_scoped3A : memref<!tpu.dma_semaphore, #tpu.memory_space<semaphore_mem>>)
        %dma_wait3A = arith.constant 0 : i32
        %dma_wait3A_65 = tpu.memref_slice %arg7[%mul3A_61, %dma_wait3A] : memref<10000x16xf32, #tpu.memory_space<vmem_shared>> -> memref<200x16xf32, #tpu.memory_space<vmem_shared>>
        %dma_wait3A_66 = arith.constant 0 : i32
        %dma_wait3A_67 = tpu.memref_slice %arg7[%mul3A_61, %dma_wait3A_66] : memref<10000x16xf32, #tpu.memory_space<vmem_shared>> -> memref<200x16xf32, #tpu.memory_space<vmem_shared>>
        tpu.wait_dma2 semaphore(%run_scoped3A : memref<!tpu.dma_semaphore, #tpu.memory_space<semaphore_mem>>) src(%arg6 : memref<200x16xf32, #tpu.memory_space<vmem>>) dst(%dma_wait3A_67 : memref<200x16xf32, #tpu.memory_space<vmem_shared>>)
        tpu.yield
      }) : () -> ()
    } else {
    }
    %add3A_12 = arith.constant 32 : i32
    %add3A_13 = arith.addi %arg1, %add3A_12 : i32
    %lt3A_14 = arith.constant 50 : i32
    %lt3A_15 = arith.cmpi slt, %add3A_13, %lt3A_14 : i32
    %convert_element_type3A_16 = arith.extui %lt3A_15 : i1 to i32
    %cond3A_17 = arith.constant 0 : i32
    %cond3A_18 = arith.cmpi ne, %convert_element_type3A_16, %cond3A_17 : i32
    scf.if %cond3A_18 {
      %mul3A_60 = arith.constant 200 : i32
      %mul3A_61 = arith.muli %add3A_13, %mul3A_60 : i32
      "tpu.region"() ({
        %run_scoped3A = tpu.sem_alloc : memref<!tpu.dma_semaphore, #tpu.memory_space<semaphore_mem>>
        %dma_start3A = arith.constant 0 : i32
        %dma_start3A_62 = tpu.memref_slice %arg7[%mul3A_61, %dma_start3A] : memref<10000x16xf32, #tpu.memory_space<vmem_shared>> -> memref<200x16xf32, #tpu.memory_space<vmem_shared>>
        %dma_start3A_63 = arith.constant 0 : i32
        %dma_start3A_64 = tpu.memref_slice %arg7[%mul3A_61, %dma_start3A_63] : memref<10000x16xf32, #tpu.memory_space<vmem_shared>> -> memref<200x16xf32, #tpu.memory_space<vmem_shared>>
        tpu.enqueue_dma source(%arg6 : memref<200x16xf32, #tpu.memory_space<vmem>>) target(%dma_start3A_64 : memref<200x16xf32, #tpu.memory_space<vmem_shared>>) target_semaphore(%run_scoped3A : memref<!tpu.dma_semaphore, #tpu.memory_space<semaphore_mem>>)
        %dma_wait3A = arith.constant 0 : i32
        %dma_wait3A_65 = tpu.memref_slice %arg7[%mul3A_61, %dma_wait3A] : memref<10000x16xf32, #tpu.memory_space<vmem_shared>> -> memref<200x16xf32, #tpu.memory_space<vmem_shared>>
        %dma_wait3A_66 = arith.constant 0 : i32
        %dma_wait3A_67 = tpu.memref_slice %arg7[%mul3A_61, %dma_wait3A_66] : memref<10000x16xf32, #tpu.memory_space<vmem_shared>> -> memref<200x16xf32, #tpu.memory_space<vmem_shared>>
        tpu.wait_dma2 semaphore(%run_scoped3A : memref<!tpu.dma_semaphore, #tpu.memory_space<semaphore_mem>>) src(%arg6 : memref<200x16xf32, #tpu.memory_space<vmem>>) dst(%dma_wait3A_67 : memref<200x16xf32, #tpu.memory_space<vmem_shared>>)
        tpu.yield
      }) : () -> ()
    } else {
    }
    %add3A_19 = arith.constant 48 : i32
    %add3A_20 = arith.addi %arg1, %add3A_19 : i32
    %lt3A_21 = arith.constant 50 : i32
    %lt3A_22 = arith.cmpi slt, %add3A_20, %lt3A_21 : i32
    %convert_element_type3A_23 = arith.extui %lt3A_22 : i1 to i32
    %cond3A_24 = arith.constant 0 : i32
    %cond3A_25 = arith.cmpi ne, %convert_element_type3A_23, %cond3A_24 : i32
    scf.if %cond3A_25 {
      %mul3A_60 = arith.constant 200 : i32
      %mul3A_61 = arith.muli %add3A_20, %mul3A_60 : i32
      "tpu.region"() ({
        %run_scoped3A = tpu.sem_alloc : memref<!tpu.dma_semaphore, #tpu.memory_space<semaphore_mem>>
        %dma_start3A = arith.constant 0 : i32
        %dma_start3A_62 = tpu.memref_slice %arg7[%mul3A_61, %dma_start3A] : memref<10000x16xf32, #tpu.memory_space<vmem_shared>> -> memref<200x16xf32, #tpu.memory_space<vmem_shared>>
        %dma_start3A_63 = arith.constant 0 : i32
        %dma_start3A_64 = tpu.memref_slice %arg7[%mul3A_61, %dma_start3A_63] : memref<10000x16xf32, #tpu.memory_space<vmem_shared>> -> memref<200x16xf32, #tpu.memory_space<vmem_shared>>
        tpu.enqueue_dma source(%arg6 : memref<200x16xf32, #tpu.memory_space<vmem>>) target(%dma_start3A_64 : memref<200x16xf32, #tpu.memory_space<vmem_shared>>) target_semaphore(%run_scoped3A : memref<!tpu.dma_semaphore, #tpu.memory_space<semaphore_mem>>)
        %dma_wait3A = arith.constant 0 : i32
        %dma_wait3A_65 = tpu.memref_slice %arg7[%mul3A_61, %dma_wait3A] : memref<10000x16xf32, #tpu.memory_space<vmem_shared>> -> memref<200x16xf32, #tpu.memory_space<vmem_shared>>
        %dma_wait3A_66 = arith.constant 0 : i32
        %dma_wait3A_67 = tpu.memref_slice %arg7[%mul3A_61, %dma_wait3A_66] : memref<10000x16xf32, #tpu.memory_space<vmem_shared>> -> memref<200x16xf32, #tpu.memory_space<vmem_shared>>
        tpu.wait_dma2 semaphore(%run_scoped3A : memref<!tpu.dma_semaphore, #tpu.memory_space<semaphore_mem>>) src(%arg6 : memref<200x16xf32, #tpu.memory_space<vmem>>) dst(%dma_wait3A_67 : memref<200x16xf32, #tpu.memory_space<vmem_shared>>)
        tpu.yield
      }) : () -> ()
    } else {
    }
    %barrier3A = arith.constant 0 : index
    tpu.barrier barrier_id(%barrier3A)
    %scan3A = arith.constant 0 : i32
    %scan3A_26 = arith.constant 0 : i32
    %scan3A_27 = arith.constant 125 : i32
    %scan3A_28 = arith.addi %scan3A_26, %scan3A_27 : i32
    %scan3A_29 = arith.constant 1 : i32
    scf.for %scan3A_60 = %scan3A_26 to %scan3A_28 step %scan3A_29  : i32 {
      "tpu.region"() ({
        %run_scoped3A = tpu.sem_alloc : memref<!tpu.dma_semaphore, #tpu.memory_space<semaphore_mem>>
        %dma_start3A = arith.constant 0 : i32
        %dma_start3A_61 = arith.constant 0 : i32
        %dma_start3A_62 = tpu.memref_slice %arg6[%dma_start3A, %dma_start3A_61] : memref<200x16xf32, #tpu.memory_space<vmem>> -> memref<80x16xf32, #tpu.memory_space<vmem>>
        %dma_start3A_63 = arith.constant 0 : i32
        %dma_start3A_64 = tpu.memref_slice %arg5[%scan3A_60, %dma_start3A_63] : memref<125x80xi32, #tpu.memory_space<vmem>> -> memref<1x80xi32, #tpu.memory_space<vmem>>
        %dma_start3A_65 = tpu.memref_squeeze %dma_start3A_64 : memref<1x80xi32, #tpu.memory_space<vmem>> -> memref<80xi32, #tpu.memory_space<vmem>>
        %dma_start3A_66 = arith.constant 0 : i32
        %dma_start3A_67 = arith.constant 0 : i32
        %dma_start3A_68 = tpu.memref_slice %arg7[%dma_start3A_66, %dma_start3A_67] : memref<10000x16xf32, #tpu.memory_space<vmem_shared>> -> memref<10000x16xf32, #tpu.memory_space<vmem_shared>>
        tpu.enqueue_indirect_dma source(%dma_start3A_62 : memref<80x16xf32, #tpu.memory_space<vmem>>) target(%dma_start3A_68 : memref<10000x16xf32, #tpu.memory_space<vmem_shared>>) offsets(%dma_start3A_65 : memref<80xi32, #tpu.memory_space<vmem>>) semaphore(%run_scoped3A : memref<!tpu.dma_semaphore, #tpu.memory_space<semaphore_mem>>) {add = true}
        %dma_wait3A = arith.constant 0 : i32
        %dma_wait3A_69 = arith.constant 0 : i32
        %dma_wait3A_70 = tpu.memref_slice %arg6[%dma_wait3A, %dma_wait3A_69] : memref<200x16xf32, #tpu.memory_space<vmem>> -> memref<80x16xf32, #tpu.memory_space<vmem>>
        %dma_wait3A_71 = arith.constant 0 : i32
        %dma_wait3A_72 = tpu.memref_slice %arg5[%scan3A_60, %dma_wait3A_71] : memref<125x80xi32, #tpu.memory_space<vmem>> -> memref<1x80xi32, #tpu.memory_space<vmem>>
        %dma_wait3A_73 = tpu.memref_squeeze %dma_wait3A_72 : memref<1x80xi32, #tpu.memory_space<vmem>> -> memref<80xi32, #tpu.memory_space<vmem>>
        %dma_wait3A_74 = arith.constant 0 : i32
        %dma_wait3A_75 = arith.constant 0 : i32
        %dma_wait3A_76 = tpu.memref_slice %arg7[%dma_wait3A_74, %dma_wait3A_75] : memref<10000x16xf32, #tpu.memory_space<vmem_shared>> -> memref<10000x16xf32, #tpu.memory_space<vmem_shared>>
        tpu.wait_indirect_dma semaphore(%run_scoped3A : memref<!tpu.dma_semaphore, #tpu.memory_space<semaphore_mem>>) src(%dma_wait3A_70 : memref<80x16xf32, #tpu.memory_space<vmem>>) dst(%dma_wait3A_76 : memref<10000x16xf32, #tpu.memory_space<vmem_shared>>)
        tpu.yield
      }) : () -> ()
    }
    %scan3A_30 = arith.constant 125 : i32
    %barrier3A_31 = arith.constant 0 : index
    tpu.barrier barrier_id(%barrier3A_31)
    %add3A_32 = arith.constant 0 : i32
    %add3A_33 = arith.addi %arg1, %add3A_32 : i32
    %lt3A_34 = arith.constant 50 : i32
    %lt3A_35 = arith.cmpi slt, %add3A_33, %lt3A_34 : i32
    %convert_element_type3A_36 = arith.extui %lt3A_35 : i1 to i32
    %cond3A_37 = arith.constant 0 : i32
    %cond3A_38 = arith.cmpi ne, %convert_element_type3A_36, %cond3A_37 : i32
    scf.if %cond3A_38 {
      %mul3A_60 = arith.constant 200 : i32
      %mul3A_61 = arith.muli %add3A_33, %mul3A_60 : i32
      "tpu.region"() ({
        %run_scoped3A = tpu.sem_alloc : memref<!tpu.dma_semaphore, #tpu.memory_space<semaphore_mem>>
        %dma_start3A = arith.constant 0 : i32
        %dma_start3A_64 = tpu.memref_slice %arg7[%mul3A_61, %dma_start3A] : memref<10000x16xf32, #tpu.memory_space<vmem_shared>> -> memref<200x16xf32, #tpu.memory_space<vmem_shared>>
        %dma_start3A_65 = arith.constant 0 : i32
        %dma_start3A_66 = tpu.memref_slice %arg7[%mul3A_61, %dma_start3A_65] : memref<10000x16xf32, #tpu.memory_space<vmem_shared>> -> memref<200x16xf32, #tpu.memory_space<vmem_shared>>
        tpu.enqueue_dma source(%dma_start3A_66 : memref<200x16xf32, #tpu.memory_space<vmem_shared>>) target(%arg6 : memref<200x16xf32, #tpu.memory_space<vmem>>) target_semaphore(%run_scoped3A : memref<!tpu.dma_semaphore, #tpu.memory_space<semaphore_mem>>)
        %dma_wait3A = arith.constant 0 : i32
        %dma_wait3A_67 = tpu.memref_slice %arg7[%mul3A_61, %dma_wait3A] : memref<10000x16xf32, #tpu.memory_space<vmem_shared>> -> memref<200x16xf32, #tpu.memory_space<vmem_shared>>
        %dma_wait3A_68 = arith.constant 0 : i32
        %dma_wait3A_69 = tpu.memref_slice %arg7[%mul3A_61, %dma_wait3A_68] : memref<10000x16xf32, #tpu.memory_space<vmem_shared>> -> memref<200x16xf32, #tpu.memory_space<vmem_shared>>
        tpu.wait_dma2 semaphore(%run_scoped3A : memref<!tpu.dma_semaphore, #tpu.memory_space<semaphore_mem>>) src(%dma_wait3A_69 : memref<200x16xf32, #tpu.memory_space<vmem_shared>>) dst(%arg6 : memref<200x16xf32, #tpu.memory_space<vmem>>)
        tpu.yield
      }) : () -> ()
      %mul3A_62 = arith.constant 200 : i32
      %mul3A_63 = arith.muli %add3A_33, %mul3A_62 : i32
      "tpu.region"() ({
        %run_scoped3A = tpu.sem_alloc : memref<!tpu.dma_semaphore, #tpu.memory_space<semaphore_mem>>
        %dma_start3A = arith.constant 0 : i32
        %dma_start3A_64 = tpu.memref_slice %arg4[%arg0, %mul3A_63, %dma_start3A] : memref<2x10000x16xf32, #tpu.memory_space<hbm>> -> memref<1x200x16xf32, #tpu.memory_space<hbm>>
        %dma_start3A_65 = tpu.memref_squeeze %dma_start3A_64 : memref<1x200x16xf32, #tpu.memory_space<hbm>> -> memref<200x16xf32, #tpu.memory_space<hbm>>
        %dma_start3A_66 = arith.constant 0 : i32
        %dma_start3A_67 = tpu.memref_slice %arg4[%arg0, %mul3A_63, %dma_start3A_66] : memref<2x10000x16xf32, #tpu.memory_space<hbm>> -> memref<1x200x16xf32, #tpu.memory_space<hbm>>
        %dma_start3A_68 = tpu.memref_squeeze %dma_start3A_67 : memref<1x200x16xf32, #tpu.memory_space<hbm>> -> memref<200x16xf32, #tpu.memory_space<hbm>>
        tpu.enqueue_dma source(%arg6 : memref<200x16xf32, #tpu.memory_space<vmem>>) target(%dma_start3A_68 : memref<200x16xf32, #tpu.memory_space<hbm>>) target_semaphore(%run_scoped3A : memref<!tpu.dma_semaphore, #tpu.memory_space<semaphore_mem>>)
        %dma_wait3A = arith.constant 0 : i32
        %dma_wait3A_69 = tpu.memref_slice %arg4[%arg0, %mul3A_63, %dma_wait3A] : memref<2x10000x16xf32, #tpu.memory_space<hbm>> -> memref<1x200x16xf32, #tpu.memory_space<hbm>>
        %dma_wait3A_70 = tpu.memref_squeeze %dma_wait3A_69 : memref<1x200x16xf32, #tpu.memory_space<hbm>> -> memref<200x16xf32, #tpu.memory_space<hbm>>
        %dma_wait3A_71 = arith.constant 0 : i32
        %dma_wait3A_72 = tpu.memref_slice %arg4[%arg0, %mul3A_63, %dma_wait3A_71] : memref<2x10000x16xf32, #tpu.memory_space<hbm>> -> memref<1x200x16xf32, #tpu.memory_space<hbm>>
        %dma_wait3A_73 = tpu.memref_squeeze %dma_wait3A_72 : memref<1x200x16xf32, #tpu.memory_space<hbm>> -> memref<200x16xf32, #tpu.memory_space<hbm>>
        tpu.wait_dma2 semaphore(%run_scoped3A : memref<!tpu.dma_semaphore, #tpu.memory_space<semaphore_mem>>) src(%arg6 : memref<200x16xf32, #tpu.memory_space<vmem>>) dst(%dma_wait3A_73 : memref<200x16xf32, #tpu.memory_space<hbm>>)
        tpu.yield
      }) : () -> ()
      "tpu.region"() ({
        %run_scoped3A = tpu.sem_alloc : memref<!tpu.dma_semaphore, #tpu.memory_space<semaphore_mem>>
        tpu.enqueue_dma source(%arg2 : memref<200x16xf32, #tpu.memory_space<hbm>>) target(%arg6 : memref<200x16xf32, #tpu.memory_space<vmem>>) target_semaphore(%run_scoped3A : memref<!tpu.dma_semaphore, #tpu.memory_space<semaphore_mem>>)
        tpu.wait_dma2 semaphore(%run_scoped3A : memref<!tpu.dma_semaphore, #tpu.memory_space<semaphore_mem>>) src(%arg2 : memref<200x16xf32, #tpu.memory_space<hbm>>) dst(%arg6 : memref<200x16xf32, #tpu.memory_space<vmem>>)
        tpu.yield
      }) : () -> ()
    } else {
    }
    %add3A_39 = arith.constant 16 : i32
    %add3A_40 = arith.addi %arg1, %add3A_39 : i32
    %lt3A_41 = arith.constant 50 : i32
    %lt3A_42 = arith.cmpi slt, %add3A_40, %lt3A_41 : i32
    %convert_element_type3A_43 = arith.extui %lt3A_42 : i1 to i32
    %cond3A_44 = arith.constant 0 : i32
    %cond3A_45 = arith.cmpi ne, %convert_element_type3A_43, %cond3A_44 : i32
    scf.if %cond3A_45 {
      %mul3A_60 = arith.constant 200 : i32
      %mul3A_61 = arith.muli %add3A_40, %mul3A_60 : i32
      "tpu.region"() ({
        %run_scoped3A = tpu.sem_alloc : memref<!tpu.dma_semaphore, #tpu.memory_space<semaphore_mem>>
        %dma_start3A = arith.constant 0 : i32
        %dma_start3A_64 = tpu.memref_slice %arg7[%mul3A_61, %dma_start3A] : memref<10000x16xf32, #tpu.memory_space<vmem_shared>> -> memref<200x16xf32, #tpu.memory_space<vmem_shared>>
        %dma_start3A_65 = arith.constant 0 : i32
        %dma_start3A_66 = tpu.memref_slice %arg7[%mul3A_61, %dma_start3A_65] : memref<10000x16xf32, #tpu.memory_space<vmem_shared>> -> memref<200x16xf32, #tpu.memory_space<vmem_shared>>
        tpu.enqueue_dma source(%dma_start3A_66 : memref<200x16xf32, #tpu.memory_space<vmem_shared>>) target(%arg6 : memref<200x16xf32, #tpu.memory_space<vmem>>) target_semaphore(%run_scoped3A : memref<!tpu.dma_semaphore, #tpu.memory_space<semaphore_mem>>)
        %dma_wait3A = arith.constant 0 : i32
        %dma_wait3A_67 = tpu.memref_slice %arg7[%mul3A_61, %dma_wait3A] : memref<10000x16xf32, #tpu.memory_space<vmem_shared>> -> memref<200x16xf32, #tpu.memory_space<vmem_shared>>
        %dma_wait3A_68 = arith.constant 0 : i32
        %dma_wait3A_69 = tpu.memref_slice %arg7[%mul3A_61, %dma_wait3A_68] : memref<10000x16xf32, #tpu.memory_space<vmem_shared>> -> memref<200x16xf32, #tpu.memory_space<vmem_shared>>
        tpu.wait_dma2 semaphore(%run_scoped3A : memref<!tpu.dma_semaphore, #tpu.memory_space<semaphore_mem>>) src(%dma_wait3A_69 : memref<200x16xf32, #tpu.memory_space<vmem_shared>>) dst(%arg6 : memref<200x16xf32, #tpu.memory_space<vmem>>)
        tpu.yield
      }) : () -> ()
      %mul3A_62 = arith.constant 200 : i32
      %mul3A_63 = arith.muli %add3A_40, %mul3A_62 : i32
      "tpu.region"() ({
        %run_scoped3A = tpu.sem_alloc : memref<!tpu.dma_semaphore, #tpu.memory_space<semaphore_mem>>
        %dma_start3A = arith.constant 0 : i32
        %dma_start3A_64 = tpu.memref_slice %arg4[%arg0, %mul3A_63, %dma_start3A] : memref<2x10000x16xf32, #tpu.memory_space<hbm>> -> memref<1x200x16xf32, #tpu.memory_space<hbm>>
        %dma_start3A_65 = tpu.memref_squeeze %dma_start3A_64 : memref<1x200x16xf32, #tpu.memory_space<hbm>> -> memref<200x16xf32, #tpu.memory_space<hbm>>
        %dma_start3A_66 = arith.constant 0 : i32
        %dma_start3A_67 = tpu.memref_slice %arg4[%arg0, %mul3A_63, %dma_start3A_66] : memref<2x10000x16xf32, #tpu.memory_space<hbm>> -> memref<1x200x16xf32, #tpu.memory_space<hbm>>
        %dma_start3A_68 = tpu.memref_squeeze %dma_start3A_67 : memref<1x200x16xf32, #tpu.memory_space<hbm>> -> memref<200x16xf32, #tpu.memory_space<hbm>>
        tpu.enqueue_dma source(%arg6 : memref<200x16xf32, #tpu.memory_space<vmem>>) target(%dma_start3A_68 : memref<200x16xf32, #tpu.memory_space<hbm>>) target_semaphore(%run_scoped3A : memref<!tpu.dma_semaphore, #tpu.memory_space<semaphore_mem>>)
        %dma_wait3A = arith.constant 0 : i32
        %dma_wait3A_69 = tpu.memref_slice %arg4[%arg0, %mul3A_63, %dma_wait3A] : memref<2x10000x16xf32, #tpu.memory_space<hbm>> -> memref<1x200x16xf32, #tpu.memory_space<hbm>>
        %dma_wait3A_70 = tpu.memref_squeeze %dma_wait3A_69 : memref<1x200x16xf32, #tpu.memory_space<hbm>> -> memref<200x16xf32, #tpu.memory_space<hbm>>
        %dma_wait3A_71 = arith.constant 0 : i32
        %dma_wait3A_72 = tpu.memref_slice %arg4[%arg0, %mul3A_63, %dma_wait3A_71] : memref<2x10000x16xf32, #tpu.memory_space<hbm>> -> memref<1x200x16xf32, #tpu.memory_space<hbm>>
        %dma_wait3A_73 = tpu.memref_squeeze %dma_wait3A_72 : memref<1x200x16xf32, #tpu.memory_space<hbm>> -> memref<200x16xf32, #tpu.memory_space<hbm>>
        tpu.wait_dma2 semaphore(%run_scoped3A : memref<!tpu.dma_semaphore, #tpu.memory_space<semaphore_mem>>) src(%arg6 : memref<200x16xf32, #tpu.memory_space<vmem>>) dst(%dma_wait3A_73 : memref<200x16xf32, #tpu.memory_space<hbm>>)
        tpu.yield
      }) : () -> ()
      "tpu.region"() ({
        %run_scoped3A = tpu.sem_alloc : memref<!tpu.dma_semaphore, #tpu.memory_space<semaphore_mem>>
        tpu.enqueue_dma source(%arg2 : memref<200x16xf32, #tpu.memory_space<hbm>>) target(%arg6 : memref<200x16xf32, #tpu.memory_space<vmem>>) target_semaphore(%run_scoped3A : memref<!tpu.dma_semaphore, #tpu.memory_space<semaphore_mem>>)
        tpu.wait_dma2 semaphore(%run_scoped3A : memref<!tpu.dma_semaphore, #tpu.memory_space<semaphore_mem>>) src(%arg2 : memref<200x16xf32, #tpu.memory_space<hbm>>) dst(%arg6 : memref<200x16xf32, #tpu.memory_space<vmem>>)
        tpu.yield
      }) : () -> ()
    } else {
    }
    %add3A_46 = arith.constant 32 : i32
    %add3A_47 = arith.addi %arg1, %add3A_46 : i32
    %lt3A_48 = arith.constant 50 : i32
    %lt3A_49 = arith.cmpi slt, %add3A_47, %lt3A_48 : i32
    %convert_element_type3A_50 = arith.extui %lt3A_49 : i1 to i32
    %cond3A_51 = arith.constant 0 : i32
    %cond3A_52 = arith.cmpi ne, %convert_element_type3A_50, %cond3A_51 : i32
    scf.if %cond3A_52 {
      %mul3A_60 = arith.constant 200 : i32
      %mul3A_61 = arith.muli %add3A_47, %mul3A_60 : i32
      "tpu.region"() ({
        %run_scoped3A = tpu.sem_alloc : memref<!tpu.dma_semaphore, #tpu.memory_space<semaphore_mem>>
        %dma_start3A = arith.constant 0 : i32
        %dma_start3A_64 = tpu.memref_slice %arg7[%mul3A_61, %dma_start3A] : memref<10000x16xf32, #tpu.memory_space<vmem_shared>> -> memref<200x16xf32, #tpu.memory_space<vmem_shared>>
        %dma_start3A_65 = arith.constant 0 : i32
        %dma_start3A_66 = tpu.memref_slice %arg7[%mul3A_61, %dma_start3A_65] : memref<10000x16xf32, #tpu.memory_space<vmem_shared>> -> memref<200x16xf32, #tpu.memory_space<vmem_shared>>
        tpu.enqueue_dma source(%dma_start3A_66 : memref<200x16xf32, #tpu.memory_space<vmem_shared>>) target(%arg6 : memref<200x16xf32, #tpu.memory_space<vmem>>) target_semaphore(%run_scoped3A : memref<!tpu.dma_semaphore, #tpu.memory_space<semaphore_mem>>)
        %dma_wait3A = arith.constant 0 : i32
        %dma_wait3A_67 = tpu.memref_slice %arg7[%mul3A_61, %dma_wait3A] : memref<10000x16xf32, #tpu.memory_space<vmem_shared>> -> memref<200x16xf32, #tpu.memory_space<vmem_shared>>
        %dma_wait3A_68 = arith.constant 0 : i32
        %dma_wait3A_69 = tpu.memref_slice %arg7[%mul3A_61, %dma_wait3A_68] : memref<10000x16xf32, #tpu.memory_space<vmem_shared>> -> memref<200x16xf32, #tpu.memory_space<vmem_shared>>
        tpu.wait_dma2 semaphore(%run_scoped3A : memref<!tpu.dma_semaphore, #tpu.memory_space<semaphore_mem>>) src(%dma_wait3A_69 : memref<200x16xf32, #tpu.memory_space<vmem_shared>>) dst(%arg6 : memref<200x16xf32, #tpu.memory_space<vmem>>)
        tpu.yield
      }) : () -> ()
      %mul3A_62 = arith.constant 200 : i32
      %mul3A_63 = arith.muli %add3A_47, %mul3A_62 : i32
      "tpu.region"() ({
        %run_scoped3A = tpu.sem_alloc : memref<!tpu.dma_semaphore, #tpu.memory_space<semaphore_mem>>
        %dma_start3A = arith.constant 0 : i32
        %dma_start3A_64 = tpu.memref_slice %arg4[%arg0, %mul3A_63, %dma_start3A] : memref<2x10000x16xf32, #tpu.memory_space<hbm>> -> memref<1x200x16xf32, #tpu.memory_space<hbm>>
        %dma_start3A_65 = tpu.memref_squeeze %dma_start3A_64 : memref<1x200x16xf32, #tpu.memory_space<hbm>> -> memref<200x16xf32, #tpu.memory_space<hbm>>
        %dma_start3A_66 = arith.constant 0 : i32
        %dma_start3A_67 = tpu.memref_slice %arg4[%arg0, %mul3A_63, %dma_start3A_66] : memref<2x10000x16xf32, #tpu.memory_space<hbm>> -> memref<1x200x16xf32, #tpu.memory_space<hbm>>
        %dma_start3A_68 = tpu.memref_squeeze %dma_start3A_67 : memref<1x200x16xf32, #tpu.memory_space<hbm>> -> memref<200x16xf32, #tpu.memory_space<hbm>>
        tpu.enqueue_dma source(%arg6 : memref<200x16xf32, #tpu.memory_space<vmem>>) target(%dma_start3A_68 : memref<200x16xf32, #tpu.memory_space<hbm>>) target_semaphore(%run_scoped3A : memref<!tpu.dma_semaphore, #tpu.memory_space<semaphore_mem>>)
        %dma_wait3A = arith.constant 0 : i32
        %dma_wait3A_69 = tpu.memref_slice %arg4[%arg0, %mul3A_63, %dma_wait3A] : memref<2x10000x16xf32, #tpu.memory_space<hbm>> -> memref<1x200x16xf32, #tpu.memory_space<hbm>>
        %dma_wait3A_70 = tpu.memref_squeeze %dma_wait3A_69 : memref<1x200x16xf32, #tpu.memory_space<hbm>> -> memref<200x16xf32, #tpu.memory_space<hbm>>
        %dma_wait3A_71 = arith.constant 0 : i32
        %dma_wait3A_72 = tpu.memref_slice %arg4[%arg0, %mul3A_63, %dma_wait3A_71] : memref<2x10000x16xf32, #tpu.memory_space<hbm>> -> memref<1x200x16xf32, #tpu.memory_space<hbm>>
        %dma_wait3A_73 = tpu.memref_squeeze %dma_wait3A_72 : memref<1x200x16xf32, #tpu.memory_space<hbm>> -> memref<200x16xf32, #tpu.memory_space<hbm>>
        tpu.wait_dma2 semaphore(%run_scoped3A : memref<!tpu.dma_semaphore, #tpu.memory_space<semaphore_mem>>) src(%arg6 : memref<200x16xf32, #tpu.memory_space<vmem>>) dst(%dma_wait3A_73 : memref<200x16xf32, #tpu.memory_space<hbm>>)
        tpu.yield
      }) : () -> ()
      "tpu.region"() ({
        %run_scoped3A = tpu.sem_alloc : memref<!tpu.dma_semaphore, #tpu.memory_space<semaphore_mem>>
        tpu.enqueue_dma source(%arg2 : memref<200x16xf32, #tpu.memory_space<hbm>>) target(%arg6 : memref<200x16xf32, #tpu.memory_space<vmem>>) target_semaphore(%run_scoped3A : memref<!tpu.dma_semaphore, #tpu.memory_space<semaphore_mem>>)
        tpu.wait_dma2 semaphore(%run_scoped3A : memref<!tpu.dma_semaphore, #tpu.memory_space<semaphore_mem>>) src(%arg2 : memref<200x16xf32, #tpu.memory_space<hbm>>) dst(%arg6 : memref<200x16xf32, #tpu.memory_space<vmem>>)
        tpu.yield
      }) : () -> ()
    } else {
    }
    %add3A_53 = arith.constant 48 : i32
    %add3A_54 = arith.addi %arg1, %add3A_53 : i32
    %lt3A_55 = arith.constant 50 : i32
    %lt3A_56 = arith.cmpi slt, %add3A_54, %lt3A_55 : i32
    %convert_element_type3A_57 = arith.extui %lt3A_56 : i1 to i32
    %cond3A_58 = arith.constant 0 : i32
    %cond3A_59 = arith.cmpi ne, %convert_element_type3A_57, %cond3A_58 : i32
    scf.if %cond3A_59 {
      %mul3A_60 = arith.constant 200 : i32
      %mul3A_61 = arith.muli %add3A_54, %mul3A_60 : i32
      "tpu.region"() ({
        %run_scoped3A = tpu.sem_alloc : memref<!tpu.dma_semaphore, #tpu.memory_space<semaphore_mem>>
        %dma_start3A = arith.constant 0 : i32
        %dma_start3A_64 = tpu.memref_slice %arg7[%mul3A_61, %dma_start3A] : memref<10000x16xf32, #tpu.memory_space<vmem_shared>> -> memref<200x16xf32, #tpu.memory_space<vmem_shared>>
        %dma_start3A_65 = arith.constant 0 : i32
        %dma_start3A_66 = tpu.memref_slice %arg7[%mul3A_61, %dma_start3A_65] : memref<10000x16xf32, #tpu.memory_space<vmem_shared>> -> memref<200x16xf32, #tpu.memory_space<vmem_shared>>
        tpu.enqueue_dma source(%dma_start3A_66 : memref<200x16xf32, #tpu.memory_space<vmem_shared>>) target(%arg6 : memref<200x16xf32, #tpu.memory_space<vmem>>) target_semaphore(%run_scoped3A : memref<!tpu.dma_semaphore, #tpu.memory_space<semaphore_mem>>)
        %dma_wait3A = arith.constant 0 : i32
        %dma_wait3A_67 = tpu.memref_slice %arg7[%mul3A_61, %dma_wait3A] : memref<10000x16xf32, #tpu.memory_space<vmem_shared>> -> memref<200x16xf32, #tpu.memory_space<vmem_shared>>
        %dma_wait3A_68 = arith.constant 0 : i32
        %dma_wait3A_69 = tpu.memref_slice %arg7[%mul3A_61, %dma_wait3A_68] : memref<10000x16xf32, #tpu.memory_space<vmem_shared>> -> memref<200x16xf32, #tpu.memory_space<vmem_shared>>
        tpu.wait_dma2 semaphore(%run_scoped3A : memref<!tpu.dma_semaphore, #tpu.memory_space<semaphore_mem>>) src(%dma_wait3A_69 : memref<200x16xf32, #tpu.memory_space<vmem_shared>>) dst(%arg6 : memref<200x16xf32, #tpu.memory_space<vmem>>)
        tpu.yield
      }) : () -> ()
      %mul3A_62 = arith.constant 200 : i32
      %mul3A_63 = arith.muli %add3A_54, %mul3A_62 : i32
      "tpu.region"() ({
        %run_scoped3A = tpu.sem_alloc : memref<!tpu.dma_semaphore, #tpu.memory_space<semaphore_mem>>
        %dma_start3A = arith.constant 0 : i32
        %dma_start3A_64 = tpu.memref_slice %arg4[%arg0, %mul3A_63, %dma_start3A] : memref<2x10000x16xf32, #tpu.memory_space<hbm>> -> memref<1x200x16xf32, #tpu.memory_space<hbm>>
        %dma_start3A_65 = tpu.memref_squeeze %dma_start3A_64 : memref<1x200x16xf32, #tpu.memory_space<hbm>> -> memref<200x16xf32, #tpu.memory_space<hbm>>
        %dma_start3A_66 = arith.constant 0 : i32
        %dma_start3A_67 = tpu.memref_slice %arg4[%arg0, %mul3A_63, %dma_start3A_66] : memref<2x10000x16xf32, #tpu.memory_space<hbm>> -> memref<1x200x16xf32, #tpu.memory_space<hbm>>
        %dma_start3A_68 = tpu.memref_squeeze %dma_start3A_67 : memref<1x200x16xf32, #tpu.memory_space<hbm>> -> memref<200x16xf32, #tpu.memory_space<hbm>>
        tpu.enqueue_dma source(%arg6 : memref<200x16xf32, #tpu.memory_space<vmem>>) target(%dma_start3A_68 : memref<200x16xf32, #tpu.memory_space<hbm>>) target_semaphore(%run_scoped3A : memref<!tpu.dma_semaphore, #tpu.memory_space<semaphore_mem>>)
        %dma_wait3A = arith.constant 0 : i32
        %dma_wait3A_69 = tpu.memref_slice %arg4[%arg0, %mul3A_63, %dma_wait3A] : memref<2x10000x16xf32, #tpu.memory_space<hbm>> -> memref<1x200x16xf32, #tpu.memory_space<hbm>>
        %dma_wait3A_70 = tpu.memref_squeeze %dma_wait3A_69 : memref<1x200x16xf32, #tpu.memory_space<hbm>> -> memref<200x16xf32, #tpu.memory_space<hbm>>
        %dma_wait3A_71 = arith.constant 0 : i32
        %dma_wait3A_72 = tpu.memref_slice %arg4[%arg0, %mul3A_63, %dma_wait3A_71] : memref<2x10000x16xf32, #tpu.memory_space<hbm>> -> memref<1x200x16xf32, #tpu.memory_space<hbm>>
        %dma_wait3A_73 = tpu.memref_squeeze %dma_wait3A_72 : memref<1x200x16xf32, #tpu.memory_space<hbm>> -> memref<200x16xf32, #tpu.memory_space<hbm>>
        tpu.wait_dma2 semaphore(%run_scoped3A : memref<!tpu.dma_semaphore, #tpu.memory_space<semaphore_mem>>) src(%arg6 : memref<200x16xf32, #tpu.memory_space<vmem>>) dst(%dma_wait3A_73 : memref<200x16xf32, #tpu.memory_space<hbm>>)
        tpu.yield
      }) : () -> ()
      "tpu.region"() ({
        %run_scoped3A = tpu.sem_alloc : memref<!tpu.dma_semaphore, #tpu.memory_space<semaphore_mem>>
        tpu.enqueue_dma source(%arg2 : memref<200x16xf32, #tpu.memory_space<hbm>>) target(%arg6 : memref<200x16xf32, #tpu.memory_space<vmem>>) target_semaphore(%run_scoped3A : memref<!tpu.dma_semaphore, #tpu.memory_space<semaphore_mem>>)
        tpu.wait_dma2 semaphore(%run_scoped3A : memref<!tpu.dma_semaphore, #tpu.memory_space<semaphore_mem>>) src(%arg2 : memref<200x16xf32, #tpu.memory_space<hbm>>) dst(%arg6 : memref<200x16xf32, #tpu.memory_space<vmem>>)
        tpu.yield
      }) : () -> ()
    } else {
    }
    return
  }
}

#map = affine_map<(d0, d1) -> (0, 0, 0)>
module attributes {stable_mosaic.version = 14 : i64} {
  func.func @_sc_agg_body(%arg0: i32, %arg1: i32, %arg2: memref<2x10000x64xf32, #tpu.memory_space<hbm>>, %arg3: memref<16x250x80xi32, #tpu.memory_space<hbm>>, %arg4: memref<16x250x80xi32, #tpu.memory_space<hbm>>, %arg5: memref<2x10000x64xf32, #tpu.memory_space<hbm>>, %arg6: memref<250x80xi32, #tpu.memory_space<vmem>>, %arg7: memref<250x80xi32, #tpu.memory_space<vmem>>, %arg8: memref<80x64xf32, #tpu.memory_space<vmem>>, %arg9: memref<200x64xf32, #tpu.memory_space<vmem>>, %arg10: memref<10000x64xf32, #tpu.memory_space<vmem_shared>>) attributes {dimension_semantics = [#tpu.dimension_semantics<core_parallel>, #tpu.dimension_semantics<subcore_parallel>], iteration_bounds = array<i64: 2, 16>, scalar_prefetch = 0 : i64, scratch_operands = 5 : i64, tpu.core_type = #tpu.core_type<sc_vector_subcore>, window_params = [{transform_indices = #map}, {transform_indices = #map}, {transform_indices = #map}, {transform_indices = #map}]} {
    "tpu.region"() ({
      %run_scoped3A = tpu.sem_alloc : memref<!tpu.dma_semaphore, #tpu.memory_space<semaphore_mem>>
      %dma_start3A = arith.constant 0 : i32
      %dma_start3A_58 = arith.constant 0 : i32
      %dma_start3A_59 = tpu.memref_slice %arg3[%arg1, %dma_start3A, %dma_start3A_58] : memref<16x250x80xi32, #tpu.memory_space<hbm>> -> memref<1x250x80xi32, #tpu.memory_space<hbm>>
      %dma_start3A_60 = tpu.memref_squeeze %dma_start3A_59 : memref<1x250x80xi32, #tpu.memory_space<hbm>> -> memref<250x80xi32, #tpu.memory_space<hbm>>
      %dma_start3A_61 = arith.constant 0 : i32
      %dma_start3A_62 = arith.constant 0 : i32
      %dma_start3A_63 = tpu.memref_slice %arg3[%arg1, %dma_start3A_61, %dma_start3A_62] : memref<16x250x80xi32, #tpu.memory_space<hbm>> -> memref<1x250x80xi32, #tpu.memory_space<hbm>>
      %dma_start3A_64 = tpu.memref_squeeze %dma_start3A_63 : memref<1x250x80xi32, #tpu.memory_space<hbm>> -> memref<250x80xi32, #tpu.memory_space<hbm>>
      tpu.enqueue_dma source(%dma_start3A_64 : memref<250x80xi32, #tpu.memory_space<hbm>>) target(%arg6 : memref<250x80xi32, #tpu.memory_space<vmem>>) target_semaphore(%run_scoped3A : memref<!tpu.dma_semaphore, #tpu.memory_space<semaphore_mem>>)
      %dma_wait3A = arith.constant 0 : i32
      %dma_wait3A_65 = arith.constant 0 : i32
      %dma_wait3A_66 = tpu.memref_slice %arg3[%arg1, %dma_wait3A, %dma_wait3A_65] : memref<16x250x80xi32, #tpu.memory_space<hbm>> -> memref<1x250x80xi32, #tpu.memory_space<hbm>>
      %dma_wait3A_67 = tpu.memref_squeeze %dma_wait3A_66 : memref<1x250x80xi32, #tpu.memory_space<hbm>> -> memref<250x80xi32, #tpu.memory_space<hbm>>
      %dma_wait3A_68 = arith.constant 0 : i32
      %dma_wait3A_69 = arith.constant 0 : i32
      %dma_wait3A_70 = tpu.memref_slice %arg3[%arg1, %dma_wait3A_68, %dma_wait3A_69] : memref<16x250x80xi32, #tpu.memory_space<hbm>> -> memref<1x250x80xi32, #tpu.memory_space<hbm>>
      %dma_wait3A_71 = tpu.memref_squeeze %dma_wait3A_70 : memref<1x250x80xi32, #tpu.memory_space<hbm>> -> memref<250x80xi32, #tpu.memory_space<hbm>>
      tpu.wait_dma2 semaphore(%run_scoped3A : memref<!tpu.dma_semaphore, #tpu.memory_space<semaphore_mem>>) src(%dma_wait3A_71 : memref<250x80xi32, #tpu.memory_space<hbm>>) dst(%arg6 : memref<250x80xi32, #tpu.memory_space<vmem>>)
      tpu.yield
    }) : () -> ()
    "tpu.region"() ({
      %run_scoped3A = tpu.sem_alloc : memref<!tpu.dma_semaphore, #tpu.memory_space<semaphore_mem>>
      %dma_start3A = arith.constant 0 : i32
      %dma_start3A_58 = arith.constant 0 : i32
      %dma_start3A_59 = tpu.memref_slice %arg4[%arg1, %dma_start3A, %dma_start3A_58] : memref<16x250x80xi32, #tpu.memory_space<hbm>> -> memref<1x250x80xi32, #tpu.memory_space<hbm>>
      %dma_start3A_60 = tpu.memref_squeeze %dma_start3A_59 : memref<1x250x80xi32, #tpu.memory_space<hbm>> -> memref<250x80xi32, #tpu.memory_space<hbm>>
      %dma_start3A_61 = arith.constant 0 : i32
      %dma_start3A_62 = arith.constant 0 : i32
      %dma_start3A_63 = tpu.memref_slice %arg4[%arg1, %dma_start3A_61, %dma_start3A_62] : memref<16x250x80xi32, #tpu.memory_space<hbm>> -> memref<1x250x80xi32, #tpu.memory_space<hbm>>
      %dma_start3A_64 = tpu.memref_squeeze %dma_start3A_63 : memref<1x250x80xi32, #tpu.memory_space<hbm>> -> memref<250x80xi32, #tpu.memory_space<hbm>>
      tpu.enqueue_dma source(%dma_start3A_64 : memref<250x80xi32, #tpu.memory_space<hbm>>) target(%arg7 : memref<250x80xi32, #tpu.memory_space<vmem>>) target_semaphore(%run_scoped3A : memref<!tpu.dma_semaphore, #tpu.memory_space<semaphore_mem>>)
      %dma_wait3A = arith.constant 0 : i32
      %dma_wait3A_65 = arith.constant 0 : i32
      %dma_wait3A_66 = tpu.memref_slice %arg4[%arg1, %dma_wait3A, %dma_wait3A_65] : memref<16x250x80xi32, #tpu.memory_space<hbm>> -> memref<1x250x80xi32, #tpu.memory_space<hbm>>
      %dma_wait3A_67 = tpu.memref_squeeze %dma_wait3A_66 : memref<1x250x80xi32, #tpu.memory_space<hbm>> -> memref<250x80xi32, #tpu.memory_space<hbm>>
      %dma_wait3A_68 = arith.constant 0 : i32
      %dma_wait3A_69 = arith.constant 0 : i32
      %dma_wait3A_70 = tpu.memref_slice %arg4[%arg1, %dma_wait3A_68, %dma_wait3A_69] : memref<16x250x80xi32, #tpu.memory_space<hbm>> -> memref<1x250x80xi32, #tpu.memory_space<hbm>>
      %dma_wait3A_71 = tpu.memref_squeeze %dma_wait3A_70 : memref<1x250x80xi32, #tpu.memory_space<hbm>> -> memref<250x80xi32, #tpu.memory_space<hbm>>
      tpu.wait_dma2 semaphore(%run_scoped3A : memref<!tpu.dma_semaphore, #tpu.memory_space<semaphore_mem>>) src(%dma_wait3A_71 : memref<250x80xi32, #tpu.memory_space<hbm>>) dst(%arg7 : memref<250x80xi32, #tpu.memory_space<vmem>>)
      tpu.yield
    }) : () -> ()
    %add3A = arith.constant 0 : i32
    %add3A_0 = arith.addi %arg1, %add3A : i32
    %lt3A = arith.constant 50 : i32
    %lt3A_1 = arith.cmpi slt, %add3A_0, %lt3A : i32
    %convert_element_type3A = arith.extui %lt3A_1 : i1 to i32
    %cond3A = arith.constant 0 : i32
    %cond3A_2 = arith.cmpi ne, %convert_element_type3A, %cond3A : i32
    scf.if %cond3A_2 {
      %mul3A = arith.constant 200 : i32
      %mul3A_58 = arith.muli %add3A_0, %mul3A : i32
      "tpu.region"() ({
        %run_scoped3A = tpu.sem_alloc : memref<!tpu.dma_semaphore, #tpu.memory_space<semaphore_mem>>
        %dma_start3A = arith.constant 0 : i32
        %dma_start3A_61 = tpu.memref_slice %arg2[%arg0, %mul3A_58, %dma_start3A] : memref<2x10000x64xf32, #tpu.memory_space<hbm>> -> memref<1x200x64xf32, #tpu.memory_space<hbm>>
        %dma_start3A_62 = tpu.memref_squeeze %dma_start3A_61 : memref<1x200x64xf32, #tpu.memory_space<hbm>> -> memref<200x64xf32, #tpu.memory_space<hbm>>
        %dma_start3A_63 = arith.constant 0 : i32
        %dma_start3A_64 = tpu.memref_slice %arg2[%arg0, %mul3A_58, %dma_start3A_63] : memref<2x10000x64xf32, #tpu.memory_space<hbm>> -> memref<1x200x64xf32, #tpu.memory_space<hbm>>
        %dma_start3A_65 = tpu.memref_squeeze %dma_start3A_64 : memref<1x200x64xf32, #tpu.memory_space<hbm>> -> memref<200x64xf32, #tpu.memory_space<hbm>>
        tpu.enqueue_dma source(%dma_start3A_65 : memref<200x64xf32, #tpu.memory_space<hbm>>) target(%arg9 : memref<200x64xf32, #tpu.memory_space<vmem>>) target_semaphore(%run_scoped3A : memref<!tpu.dma_semaphore, #tpu.memory_space<semaphore_mem>>)
        %dma_wait3A = arith.constant 0 : i32
        %dma_wait3A_66 = tpu.memref_slice %arg2[%arg0, %mul3A_58, %dma_wait3A] : memref<2x10000x64xf32, #tpu.memory_space<hbm>> -> memref<1x200x64xf32, #tpu.memory_space<hbm>>
        %dma_wait3A_67 = tpu.memref_squeeze %dma_wait3A_66 : memref<1x200x64xf32, #tpu.memory_space<hbm>> -> memref<200x64xf32, #tpu.memory_space<hbm>>
        %dma_wait3A_68 = arith.constant 0 : i32
        %dma_wait3A_69 = tpu.memref_slice %arg2[%arg0, %mul3A_58, %dma_wait3A_68] : memref<2x10000x64xf32, #tpu.memory_space<hbm>> -> memref<1x200x64xf32, #tpu.memory_space<hbm>>
        %dma_wait3A_70 = tpu.memref_squeeze %dma_wait3A_69 : memref<1x200x64xf32, #tpu.memory_space<hbm>> -> memref<200x64xf32, #tpu.memory_space<hbm>>
        tpu.wait_dma2 semaphore(%run_scoped3A : memref<!tpu.dma_semaphore, #tpu.memory_space<semaphore_mem>>) src(%dma_wait3A_70 : memref<200x64xf32, #tpu.memory_space<hbm>>) dst(%arg9 : memref<200x64xf32, #tpu.memory_space<vmem>>)
        tpu.yield
      }) : () -> ()
      %mul3A_59 = arith.constant 200 : i32
      %mul3A_60 = arith.muli %add3A_0, %mul3A_59 : i32
      "tpu.region"() ({
        %run_scoped3A = tpu.sem_alloc : memref<!tpu.dma_semaphore, #tpu.memory_space<semaphore_mem>>
        %dma_start3A = arith.constant 0 : i32
        %dma_start3A_61 = tpu.memref_slice %arg10[%mul3A_60, %dma_start3A] : memref<10000x64xf32, #tpu.memory_space<vmem_shared>> -> memref<200x64xf32, #tpu.memory_space<vmem_shared>>
        %dma_start3A_62 = arith.constant 0 : i32
        %dma_start3A_63 = tpu.memref_slice %arg10[%mul3A_60, %dma_start3A_62] : memref<10000x64xf32, #tpu.memory_space<vmem_shared>> -> memref<200x64xf32, #tpu.memory_space<vmem_shared>>
        tpu.enqueue_dma source(%arg9 : memref<200x64xf32, #tpu.memory_space<vmem>>) target(%dma_start3A_63 : memref<200x64xf32, #tpu.memory_space<vmem_shared>>) target_semaphore(%run_scoped3A : memref<!tpu.dma_semaphore, #tpu.memory_space<semaphore_mem>>)
        %dma_wait3A = arith.constant 0 : i32
        %dma_wait3A_64 = tpu.memref_slice %arg10[%mul3A_60, %dma_wait3A] : memref<10000x64xf32, #tpu.memory_space<vmem_shared>> -> memref<200x64xf32, #tpu.memory_space<vmem_shared>>
        %dma_wait3A_65 = arith.constant 0 : i32
        %dma_wait3A_66 = tpu.memref_slice %arg10[%mul3A_60, %dma_wait3A_65] : memref<10000x64xf32, #tpu.memory_space<vmem_shared>> -> memref<200x64xf32, #tpu.memory_space<vmem_shared>>
        tpu.wait_dma2 semaphore(%run_scoped3A : memref<!tpu.dma_semaphore, #tpu.memory_space<semaphore_mem>>) src(%arg9 : memref<200x64xf32, #tpu.memory_space<vmem>>) dst(%dma_wait3A_66 : memref<200x64xf32, #tpu.memory_space<vmem_shared>>)
        tpu.yield
      }) : () -> ()
    } else {
    }
    %add3A_3 = arith.constant 16 : i32
    %add3A_4 = arith.addi %arg1, %add3A_3 : i32
    %lt3A_5 = arith.constant 50 : i32
    %lt3A_6 = arith.cmpi slt, %add3A_4, %lt3A_5 : i32
    %convert_element_type3A_7 = arith.extui %lt3A_6 : i1 to i32
    %cond3A_8 = arith.constant 0 : i32
    %cond3A_9 = arith.cmpi ne, %convert_element_type3A_7, %cond3A_8 : i32
    scf.if %cond3A_9 {
      %mul3A = arith.constant 200 : i32
      %mul3A_58 = arith.muli %add3A_4, %mul3A : i32
      "tpu.region"() ({
        %run_scoped3A = tpu.sem_alloc : memref<!tpu.dma_semaphore, #tpu.memory_space<semaphore_mem>>
        %dma_start3A = arith.constant 0 : i32
        %dma_start3A_61 = tpu.memref_slice %arg2[%arg0, %mul3A_58, %dma_start3A] : memref<2x10000x64xf32, #tpu.memory_space<hbm>> -> memref<1x200x64xf32, #tpu.memory_space<hbm>>
        %dma_start3A_62 = tpu.memref_squeeze %dma_start3A_61 : memref<1x200x64xf32, #tpu.memory_space<hbm>> -> memref<200x64xf32, #tpu.memory_space<hbm>>
        %dma_start3A_63 = arith.constant 0 : i32
        %dma_start3A_64 = tpu.memref_slice %arg2[%arg0, %mul3A_58, %dma_start3A_63] : memref<2x10000x64xf32, #tpu.memory_space<hbm>> -> memref<1x200x64xf32, #tpu.memory_space<hbm>>
        %dma_start3A_65 = tpu.memref_squeeze %dma_start3A_64 : memref<1x200x64xf32, #tpu.memory_space<hbm>> -> memref<200x64xf32, #tpu.memory_space<hbm>>
        tpu.enqueue_dma source(%dma_start3A_65 : memref<200x64xf32, #tpu.memory_space<hbm>>) target(%arg9 : memref<200x64xf32, #tpu.memory_space<vmem>>) target_semaphore(%run_scoped3A : memref<!tpu.dma_semaphore, #tpu.memory_space<semaphore_mem>>)
        %dma_wait3A = arith.constant 0 : i32
        %dma_wait3A_66 = tpu.memref_slice %arg2[%arg0, %mul3A_58, %dma_wait3A] : memref<2x10000x64xf32, #tpu.memory_space<hbm>> -> memref<1x200x64xf32, #tpu.memory_space<hbm>>
        %dma_wait3A_67 = tpu.memref_squeeze %dma_wait3A_66 : memref<1x200x64xf32, #tpu.memory_space<hbm>> -> memref<200x64xf32, #tpu.memory_space<hbm>>
        %dma_wait3A_68 = arith.constant 0 : i32
        %dma_wait3A_69 = tpu.memref_slice %arg2[%arg0, %mul3A_58, %dma_wait3A_68] : memref<2x10000x64xf32, #tpu.memory_space<hbm>> -> memref<1x200x64xf32, #tpu.memory_space<hbm>>
        %dma_wait3A_70 = tpu.memref_squeeze %dma_wait3A_69 : memref<1x200x64xf32, #tpu.memory_space<hbm>> -> memref<200x64xf32, #tpu.memory_space<hbm>>
        tpu.wait_dma2 semaphore(%run_scoped3A : memref<!tpu.dma_semaphore, #tpu.memory_space<semaphore_mem>>) src(%dma_wait3A_70 : memref<200x64xf32, #tpu.memory_space<hbm>>) dst(%arg9 : memref<200x64xf32, #tpu.memory_space<vmem>>)
        tpu.yield
      }) : () -> ()
      %mul3A_59 = arith.constant 200 : i32
      %mul3A_60 = arith.muli %add3A_4, %mul3A_59 : i32
      "tpu.region"() ({
        %run_scoped3A = tpu.sem_alloc : memref<!tpu.dma_semaphore, #tpu.memory_space<semaphore_mem>>
        %dma_start3A = arith.constant 0 : i32
        %dma_start3A_61 = tpu.memref_slice %arg10[%mul3A_60, %dma_start3A] : memref<10000x64xf32, #tpu.memory_space<vmem_shared>> -> memref<200x64xf32, #tpu.memory_space<vmem_shared>>
        %dma_start3A_62 = arith.constant 0 : i32
        %dma_start3A_63 = tpu.memref_slice %arg10[%mul3A_60, %dma_start3A_62] : memref<10000x64xf32, #tpu.memory_space<vmem_shared>> -> memref<200x64xf32, #tpu.memory_space<vmem_shared>>
        tpu.enqueue_dma source(%arg9 : memref<200x64xf32, #tpu.memory_space<vmem>>) target(%dma_start3A_63 : memref<200x64xf32, #tpu.memory_space<vmem_shared>>) target_semaphore(%run_scoped3A : memref<!tpu.dma_semaphore, #tpu.memory_space<semaphore_mem>>)
        %dma_wait3A = arith.constant 0 : i32
        %dma_wait3A_64 = tpu.memref_slice %arg10[%mul3A_60, %dma_wait3A] : memref<10000x64xf32, #tpu.memory_space<vmem_shared>> -> memref<200x64xf32, #tpu.memory_space<vmem_shared>>
        %dma_wait3A_65 = arith.constant 0 : i32
        %dma_wait3A_66 = tpu.memref_slice %arg10[%mul3A_60, %dma_wait3A_65] : memref<10000x64xf32, #tpu.memory_space<vmem_shared>> -> memref<200x64xf32, #tpu.memory_space<vmem_shared>>
        tpu.wait_dma2 semaphore(%run_scoped3A : memref<!tpu.dma_semaphore, #tpu.memory_space<semaphore_mem>>) src(%arg9 : memref<200x64xf32, #tpu.memory_space<vmem>>) dst(%dma_wait3A_66 : memref<200x64xf32, #tpu.memory_space<vmem_shared>>)
        tpu.yield
      }) : () -> ()
    } else {
    }
    %add3A_10 = arith.constant 32 : i32
    %add3A_11 = arith.addi %arg1, %add3A_10 : i32
    %lt3A_12 = arith.constant 50 : i32
    %lt3A_13 = arith.cmpi slt, %add3A_11, %lt3A_12 : i32
    %convert_element_type3A_14 = arith.extui %lt3A_13 : i1 to i32
    %cond3A_15 = arith.constant 0 : i32
    %cond3A_16 = arith.cmpi ne, %convert_element_type3A_14, %cond3A_15 : i32
    scf.if %cond3A_16 {
      %mul3A = arith.constant 200 : i32
      %mul3A_58 = arith.muli %add3A_11, %mul3A : i32
      "tpu.region"() ({
        %run_scoped3A = tpu.sem_alloc : memref<!tpu.dma_semaphore, #tpu.memory_space<semaphore_mem>>
        %dma_start3A = arith.constant 0 : i32
        %dma_start3A_61 = tpu.memref_slice %arg2[%arg0, %mul3A_58, %dma_start3A] : memref<2x10000x64xf32, #tpu.memory_space<hbm>> -> memref<1x200x64xf32, #tpu.memory_space<hbm>>
        %dma_start3A_62 = tpu.memref_squeeze %dma_start3A_61 : memref<1x200x64xf32, #tpu.memory_space<hbm>> -> memref<200x64xf32, #tpu.memory_space<hbm>>
        %dma_start3A_63 = arith.constant 0 : i32
        %dma_start3A_64 = tpu.memref_slice %arg2[%arg0, %mul3A_58, %dma_start3A_63] : memref<2x10000x64xf32, #tpu.memory_space<hbm>> -> memref<1x200x64xf32, #tpu.memory_space<hbm>>
        %dma_start3A_65 = tpu.memref_squeeze %dma_start3A_64 : memref<1x200x64xf32, #tpu.memory_space<hbm>> -> memref<200x64xf32, #tpu.memory_space<hbm>>
        tpu.enqueue_dma source(%dma_start3A_65 : memref<200x64xf32, #tpu.memory_space<hbm>>) target(%arg9 : memref<200x64xf32, #tpu.memory_space<vmem>>) target_semaphore(%run_scoped3A : memref<!tpu.dma_semaphore, #tpu.memory_space<semaphore_mem>>)
        %dma_wait3A = arith.constant 0 : i32
        %dma_wait3A_66 = tpu.memref_slice %arg2[%arg0, %mul3A_58, %dma_wait3A] : memref<2x10000x64xf32, #tpu.memory_space<hbm>> -> memref<1x200x64xf32, #tpu.memory_space<hbm>>
        %dma_wait3A_67 = tpu.memref_squeeze %dma_wait3A_66 : memref<1x200x64xf32, #tpu.memory_space<hbm>> -> memref<200x64xf32, #tpu.memory_space<hbm>>
        %dma_wait3A_68 = arith.constant 0 : i32
        %dma_wait3A_69 = tpu.memref_slice %arg2[%arg0, %mul3A_58, %dma_wait3A_68] : memref<2x10000x64xf32, #tpu.memory_space<hbm>> -> memref<1x200x64xf32, #tpu.memory_space<hbm>>
        %dma_wait3A_70 = tpu.memref_squeeze %dma_wait3A_69 : memref<1x200x64xf32, #tpu.memory_space<hbm>> -> memref<200x64xf32, #tpu.memory_space<hbm>>
        tpu.wait_dma2 semaphore(%run_scoped3A : memref<!tpu.dma_semaphore, #tpu.memory_space<semaphore_mem>>) src(%dma_wait3A_70 : memref<200x64xf32, #tpu.memory_space<hbm>>) dst(%arg9 : memref<200x64xf32, #tpu.memory_space<vmem>>)
        tpu.yield
      }) : () -> ()
      %mul3A_59 = arith.constant 200 : i32
      %mul3A_60 = arith.muli %add3A_11, %mul3A_59 : i32
      "tpu.region"() ({
        %run_scoped3A = tpu.sem_alloc : memref<!tpu.dma_semaphore, #tpu.memory_space<semaphore_mem>>
        %dma_start3A = arith.constant 0 : i32
        %dma_start3A_61 = tpu.memref_slice %arg10[%mul3A_60, %dma_start3A] : memref<10000x64xf32, #tpu.memory_space<vmem_shared>> -> memref<200x64xf32, #tpu.memory_space<vmem_shared>>
        %dma_start3A_62 = arith.constant 0 : i32
        %dma_start3A_63 = tpu.memref_slice %arg10[%mul3A_60, %dma_start3A_62] : memref<10000x64xf32, #tpu.memory_space<vmem_shared>> -> memref<200x64xf32, #tpu.memory_space<vmem_shared>>
        tpu.enqueue_dma source(%arg9 : memref<200x64xf32, #tpu.memory_space<vmem>>) target(%dma_start3A_63 : memref<200x64xf32, #tpu.memory_space<vmem_shared>>) target_semaphore(%run_scoped3A : memref<!tpu.dma_semaphore, #tpu.memory_space<semaphore_mem>>)
        %dma_wait3A = arith.constant 0 : i32
        %dma_wait3A_64 = tpu.memref_slice %arg10[%mul3A_60, %dma_wait3A] : memref<10000x64xf32, #tpu.memory_space<vmem_shared>> -> memref<200x64xf32, #tpu.memory_space<vmem_shared>>
        %dma_wait3A_65 = arith.constant 0 : i32
        %dma_wait3A_66 = tpu.memref_slice %arg10[%mul3A_60, %dma_wait3A_65] : memref<10000x64xf32, #tpu.memory_space<vmem_shared>> -> memref<200x64xf32, #tpu.memory_space<vmem_shared>>
        tpu.wait_dma2 semaphore(%run_scoped3A : memref<!tpu.dma_semaphore, #tpu.memory_space<semaphore_mem>>) src(%arg9 : memref<200x64xf32, #tpu.memory_space<vmem>>) dst(%dma_wait3A_66 : memref<200x64xf32, #tpu.memory_space<vmem_shared>>)
        tpu.yield
      }) : () -> ()
    } else {
    }
    %add3A_17 = arith.constant 48 : i32
    %add3A_18 = arith.addi %arg1, %add3A_17 : i32
    %lt3A_19 = arith.constant 50 : i32
    %lt3A_20 = arith.cmpi slt, %add3A_18, %lt3A_19 : i32
    %convert_element_type3A_21 = arith.extui %lt3A_20 : i1 to i32
    %cond3A_22 = arith.constant 0 : i32
    %cond3A_23 = arith.cmpi ne, %convert_element_type3A_21, %cond3A_22 : i32
    scf.if %cond3A_23 {
      %mul3A = arith.constant 200 : i32
      %mul3A_58 = arith.muli %add3A_18, %mul3A : i32
      "tpu.region"() ({
        %run_scoped3A = tpu.sem_alloc : memref<!tpu.dma_semaphore, #tpu.memory_space<semaphore_mem>>
        %dma_start3A = arith.constant 0 : i32
        %dma_start3A_61 = tpu.memref_slice %arg2[%arg0, %mul3A_58, %dma_start3A] : memref<2x10000x64xf32, #tpu.memory_space<hbm>> -> memref<1x200x64xf32, #tpu.memory_space<hbm>>
        %dma_start3A_62 = tpu.memref_squeeze %dma_start3A_61 : memref<1x200x64xf32, #tpu.memory_space<hbm>> -> memref<200x64xf32, #tpu.memory_space<hbm>>
        %dma_start3A_63 = arith.constant 0 : i32
        %dma_start3A_64 = tpu.memref_slice %arg2[%arg0, %mul3A_58, %dma_start3A_63] : memref<2x10000x64xf32, #tpu.memory_space<hbm>> -> memref<1x200x64xf32, #tpu.memory_space<hbm>>
        %dma_start3A_65 = tpu.memref_squeeze %dma_start3A_64 : memref<1x200x64xf32, #tpu.memory_space<hbm>> -> memref<200x64xf32, #tpu.memory_space<hbm>>
        tpu.enqueue_dma source(%dma_start3A_65 : memref<200x64xf32, #tpu.memory_space<hbm>>) target(%arg9 : memref<200x64xf32, #tpu.memory_space<vmem>>) target_semaphore(%run_scoped3A : memref<!tpu.dma_semaphore, #tpu.memory_space<semaphore_mem>>)
        %dma_wait3A = arith.constant 0 : i32
        %dma_wait3A_66 = tpu.memref_slice %arg2[%arg0, %mul3A_58, %dma_wait3A] : memref<2x10000x64xf32, #tpu.memory_space<hbm>> -> memref<1x200x64xf32, #tpu.memory_space<hbm>>
        %dma_wait3A_67 = tpu.memref_squeeze %dma_wait3A_66 : memref<1x200x64xf32, #tpu.memory_space<hbm>> -> memref<200x64xf32, #tpu.memory_space<hbm>>
        %dma_wait3A_68 = arith.constant 0 : i32
        %dma_wait3A_69 = tpu.memref_slice %arg2[%arg0, %mul3A_58, %dma_wait3A_68] : memref<2x10000x64xf32, #tpu.memory_space<hbm>> -> memref<1x200x64xf32, #tpu.memory_space<hbm>>
        %dma_wait3A_70 = tpu.memref_squeeze %dma_wait3A_69 : memref<1x200x64xf32, #tpu.memory_space<hbm>> -> memref<200x64xf32, #tpu.memory_space<hbm>>
        tpu.wait_dma2 semaphore(%run_scoped3A : memref<!tpu.dma_semaphore, #tpu.memory_space<semaphore_mem>>) src(%dma_wait3A_70 : memref<200x64xf32, #tpu.memory_space<hbm>>) dst(%arg9 : memref<200x64xf32, #tpu.memory_space<vmem>>)
        tpu.yield
      }) : () -> ()
      %mul3A_59 = arith.constant 200 : i32
      %mul3A_60 = arith.muli %add3A_18, %mul3A_59 : i32
      "tpu.region"() ({
        %run_scoped3A = tpu.sem_alloc : memref<!tpu.dma_semaphore, #tpu.memory_space<semaphore_mem>>
        %dma_start3A = arith.constant 0 : i32
        %dma_start3A_61 = tpu.memref_slice %arg10[%mul3A_60, %dma_start3A] : memref<10000x64xf32, #tpu.memory_space<vmem_shared>> -> memref<200x64xf32, #tpu.memory_space<vmem_shared>>
        %dma_start3A_62 = arith.constant 0 : i32
        %dma_start3A_63 = tpu.memref_slice %arg10[%mul3A_60, %dma_start3A_62] : memref<10000x64xf32, #tpu.memory_space<vmem_shared>> -> memref<200x64xf32, #tpu.memory_space<vmem_shared>>
        tpu.enqueue_dma source(%arg9 : memref<200x64xf32, #tpu.memory_space<vmem>>) target(%dma_start3A_63 : memref<200x64xf32, #tpu.memory_space<vmem_shared>>) target_semaphore(%run_scoped3A : memref<!tpu.dma_semaphore, #tpu.memory_space<semaphore_mem>>)
        %dma_wait3A = arith.constant 0 : i32
        %dma_wait3A_64 = tpu.memref_slice %arg10[%mul3A_60, %dma_wait3A] : memref<10000x64xf32, #tpu.memory_space<vmem_shared>> -> memref<200x64xf32, #tpu.memory_space<vmem_shared>>
        %dma_wait3A_65 = arith.constant 0 : i32
        %dma_wait3A_66 = tpu.memref_slice %arg10[%mul3A_60, %dma_wait3A_65] : memref<10000x64xf32, #tpu.memory_space<vmem_shared>> -> memref<200x64xf32, #tpu.memory_space<vmem_shared>>
        tpu.wait_dma2 semaphore(%run_scoped3A : memref<!tpu.dma_semaphore, #tpu.memory_space<semaphore_mem>>) src(%arg9 : memref<200x64xf32, #tpu.memory_space<vmem>>) dst(%dma_wait3A_66 : memref<200x64xf32, #tpu.memory_space<vmem_shared>>)
        tpu.yield
      }) : () -> ()
    } else {
    }
    %barrier3A = arith.constant 0 : index
    tpu.barrier barrier_id(%barrier3A)
    %scan3A = arith.constant 0 : i32
    %scan3A_24 = arith.constant 0 : i32
    %scan3A_25 = arith.constant 250 : i32
    %scan3A_26 = arith.addi %scan3A_24, %scan3A_25 : i32
    %scan3A_27 = arith.constant 1 : i32
    scf.for %scan3A_58 = %scan3A_24 to %scan3A_26 step %scan3A_27  : i32 {
      "tpu.region"() ({
        %run_scoped3A = tpu.sem_alloc : memref<!tpu.dma_semaphore, #tpu.memory_space<semaphore_mem>>
        %dma_start3A = arith.constant 0 : i32
        %dma_start3A_59 = tpu.memref_slice %arg6[%scan3A_58, %dma_start3A] : memref<250x80xi32, #tpu.memory_space<vmem>> -> memref<1x80xi32, #tpu.memory_space<vmem>>
        %dma_start3A_60 = tpu.memref_squeeze %dma_start3A_59 : memref<1x80xi32, #tpu.memory_space<vmem>> -> memref<80xi32, #tpu.memory_space<vmem>>
        %dma_start3A_61 = arith.constant 0 : i32
        %dma_start3A_62 = arith.constant 0 : i32
        %dma_start3A_63 = tpu.memref_slice %arg2[%arg0, %dma_start3A_61, %dma_start3A_62] : memref<2x10000x64xf32, #tpu.memory_space<hbm>> -> memref<1x10000x64xf32, #tpu.memory_space<hbm>>
        %dma_start3A_64 = tpu.memref_squeeze %dma_start3A_63 : memref<1x10000x64xf32, #tpu.memory_space<hbm>> -> memref<10000x64xf32, #tpu.memory_space<hbm>>
        %dma_start3A_65 = arith.constant 0 : i32
        %dma_start3A_66 = arith.constant 0 : i32
        %dma_start3A_67 = tpu.memref_slice %dma_start3A_64[%dma_start3A_65, %dma_start3A_66] : memref<10000x64xf32, #tpu.memory_space<hbm>> -> memref<10000x64xf32, #tpu.memory_space<hbm>>
        tpu.enqueue_indirect_dma source(%dma_start3A_67 : memref<10000x64xf32, #tpu.memory_space<hbm>>) target(%arg8 : memref<80x64xf32, #tpu.memory_space<vmem>>) offsets(%dma_start3A_60 : memref<80xi32, #tpu.memory_space<vmem>>) semaphore(%run_scoped3A : memref<!tpu.dma_semaphore, #tpu.memory_space<semaphore_mem>>)
        %dma_wait3A = arith.constant 0 : i32
        %dma_wait3A_68 = tpu.memref_slice %arg6[%scan3A_58, %dma_wait3A] : memref<250x80xi32, #tpu.memory_space<vmem>> -> memref<1x80xi32, #tpu.memory_space<vmem>>
        %dma_wait3A_69 = tpu.memref_squeeze %dma_wait3A_68 : memref<1x80xi32, #tpu.memory_space<vmem>> -> memref<80xi32, #tpu.memory_space<vmem>>
        %dma_wait3A_70 = arith.constant 0 : i32
        %dma_wait3A_71 = arith.constant 0 : i32
        %dma_wait3A_72 = tpu.memref_slice %arg2[%arg0, %dma_wait3A_70, %dma_wait3A_71] : memref<2x10000x64xf32, #tpu.memory_space<hbm>> -> memref<1x10000x64xf32, #tpu.memory_space<hbm>>
        %dma_wait3A_73 = tpu.memref_squeeze %dma_wait3A_72 : memref<1x10000x64xf32, #tpu.memory_space<hbm>> -> memref<10000x64xf32, #tpu.memory_space<hbm>>
        %dma_wait3A_74 = arith.constant 0 : i32
        %dma_wait3A_75 = arith.constant 0 : i32
        %dma_wait3A_76 = tpu.memref_slice %dma_wait3A_73[%dma_wait3A_74, %dma_wait3A_75] : memref<10000x64xf32, #tpu.memory_space<hbm>> -> memref<10000x64xf32, #tpu.memory_space<hbm>>
        tpu.wait_indirect_dma semaphore(%run_scoped3A : memref<!tpu.dma_semaphore, #tpu.memory_space<semaphore_mem>>) src(%dma_wait3A_76 : memref<10000x64xf32, #tpu.memory_space<hbm>>) dst(%arg8 : memref<80x64xf32, #tpu.memory_space<vmem>>)
        tpu.yield
      }) : () -> ()
      "tpu.region"() ({
        %run_scoped3A = tpu.sem_alloc : memref<!tpu.dma_semaphore, #tpu.memory_space<semaphore_mem>>
        %dma_start3A = arith.constant 0 : i32
        %dma_start3A_59 = tpu.memref_slice %arg7[%scan3A_58, %dma_start3A] : memref<250x80xi32, #tpu.memory_space<vmem>> -> memref<1x80xi32, #tpu.memory_space<vmem>>
        %dma_start3A_60 = tpu.memref_squeeze %dma_start3A_59 : memref<1x80xi32, #tpu.memory_space<vmem>> -> memref<80xi32, #tpu.memory_space<vmem>>
        %dma_start3A_61 = arith.constant 0 : i32
        %dma_start3A_62 = arith.constant 0 : i32
        %dma_start3A_63 = tpu.memref_slice %arg10[%dma_start3A_61, %dma_start3A_62] : memref<10000x64xf32, #tpu.memory_space<vmem_shared>> -> memref<10000x64xf32, #tpu.memory_space<vmem_shared>>
        tpu.enqueue_indirect_dma source(%arg8 : memref<80x64xf32, #tpu.memory_space<vmem>>) target(%dma_start3A_63 : memref<10000x64xf32, #tpu.memory_space<vmem_shared>>) offsets(%dma_start3A_60 : memref<80xi32, #tpu.memory_space<vmem>>) semaphore(%run_scoped3A : memref<!tpu.dma_semaphore, #tpu.memory_space<semaphore_mem>>) {add = true}
        %dma_wait3A = arith.constant 0 : i32
        %dma_wait3A_64 = tpu.memref_slice %arg7[%scan3A_58, %dma_wait3A] : memref<250x80xi32, #tpu.memory_space<vmem>> -> memref<1x80xi32, #tpu.memory_space<vmem>>
        %dma_wait3A_65 = tpu.memref_squeeze %dma_wait3A_64 : memref<1x80xi32, #tpu.memory_space<vmem>> -> memref<80xi32, #tpu.memory_space<vmem>>
        %dma_wait3A_66 = arith.constant 0 : i32
        %dma_wait3A_67 = arith.constant 0 : i32
        %dma_wait3A_68 = tpu.memref_slice %arg10[%dma_wait3A_66, %dma_wait3A_67] : memref<10000x64xf32, #tpu.memory_space<vmem_shared>> -> memref<10000x64xf32, #tpu.memory_space<vmem_shared>>
        tpu.wait_indirect_dma semaphore(%run_scoped3A : memref<!tpu.dma_semaphore, #tpu.memory_space<semaphore_mem>>) src(%arg8 : memref<80x64xf32, #tpu.memory_space<vmem>>) dst(%dma_wait3A_68 : memref<10000x64xf32, #tpu.memory_space<vmem_shared>>)
        tpu.yield
      }) : () -> ()
    }
    %scan3A_28 = arith.constant 250 : i32
    %barrier3A_29 = arith.constant 0 : index
    tpu.barrier barrier_id(%barrier3A_29)
    %add3A_30 = arith.constant 0 : i32
    %add3A_31 = arith.addi %arg1, %add3A_30 : i32
    %lt3A_32 = arith.constant 50 : i32
    %lt3A_33 = arith.cmpi slt, %add3A_31, %lt3A_32 : i32
    %convert_element_type3A_34 = arith.extui %lt3A_33 : i1 to i32
    %cond3A_35 = arith.constant 0 : i32
    %cond3A_36 = arith.cmpi ne, %convert_element_type3A_34, %cond3A_35 : i32
    scf.if %cond3A_36 {
      %mul3A = arith.constant 200 : i32
      %mul3A_58 = arith.muli %add3A_31, %mul3A : i32
      "tpu.region"() ({
        %run_scoped3A = tpu.sem_alloc : memref<!tpu.dma_semaphore, #tpu.memory_space<semaphore_mem>>
        %dma_start3A = arith.constant 0 : i32
        %dma_start3A_61 = tpu.memref_slice %arg10[%mul3A_58, %dma_start3A] : memref<10000x64xf32, #tpu.memory_space<vmem_shared>> -> memref<200x64xf32, #tpu.memory_space<vmem_shared>>
        %dma_start3A_62 = arith.constant 0 : i32
        %dma_start3A_63 = tpu.memref_slice %arg10[%mul3A_58, %dma_start3A_62] : memref<10000x64xf32, #tpu.memory_space<vmem_shared>> -> memref<200x64xf32, #tpu.memory_space<vmem_shared>>
        tpu.enqueue_dma source(%dma_start3A_63 : memref<200x64xf32, #tpu.memory_space<vmem_shared>>) target(%arg9 : memref<200x64xf32, #tpu.memory_space<vmem>>) target_semaphore(%run_scoped3A : memref<!tpu.dma_semaphore, #tpu.memory_space<semaphore_mem>>)
        %dma_wait3A = arith.constant 0 : i32
        %dma_wait3A_64 = tpu.memref_slice %arg10[%mul3A_58, %dma_wait3A] : memref<10000x64xf32, #tpu.memory_space<vmem_shared>> -> memref<200x64xf32, #tpu.memory_space<vmem_shared>>
        %dma_wait3A_65 = arith.constant 0 : i32
        %dma_wait3A_66 = tpu.memref_slice %arg10[%mul3A_58, %dma_wait3A_65] : memref<10000x64xf32, #tpu.memory_space<vmem_shared>> -> memref<200x64xf32, #tpu.memory_space<vmem_shared>>
        tpu.wait_dma2 semaphore(%run_scoped3A : memref<!tpu.dma_semaphore, #tpu.memory_space<semaphore_mem>>) src(%dma_wait3A_66 : memref<200x64xf32, #tpu.memory_space<vmem_shared>>) dst(%arg9 : memref<200x64xf32, #tpu.memory_space<vmem>>)
        tpu.yield
      }) : () -> ()
      %mul3A_59 = arith.constant 200 : i32
      %mul3A_60 = arith.muli %add3A_31, %mul3A_59 : i32
      "tpu.region"() ({
        %run_scoped3A = tpu.sem_alloc : memref<!tpu.dma_semaphore, #tpu.memory_space<semaphore_mem>>
        %dma_start3A = arith.constant 0 : i32
        %dma_start3A_61 = tpu.memref_slice %arg5[%arg0, %mul3A_60, %dma_start3A] : memref<2x10000x64xf32, #tpu.memory_space<hbm>> -> memref<1x200x64xf32, #tpu.memory_space<hbm>>
        %dma_start3A_62 = tpu.memref_squeeze %dma_start3A_61 : memref<1x200x64xf32, #tpu.memory_space<hbm>> -> memref<200x64xf32, #tpu.memory_space<hbm>>
        %dma_start3A_63 = arith.constant 0 : i32
        %dma_start3A_64 = tpu.memref_slice %arg5[%arg0, %mul3A_60, %dma_start3A_63] : memref<2x10000x64xf32, #tpu.memory_space<hbm>> -> memref<1x200x64xf32, #tpu.memory_space<hbm>>
        %dma_start3A_65 = tpu.memref_squeeze %dma_start3A_64 : memref<1x200x64xf32, #tpu.memory_space<hbm>> -> memref<200x64xf32, #tpu.memory_space<hbm>>
        tpu.enqueue_dma source(%arg9 : memref<200x64xf32, #tpu.memory_space<vmem>>) target(%dma_start3A_65 : memref<200x64xf32, #tpu.memory_space<hbm>>) target_semaphore(%run_scoped3A : memref<!tpu.dma_semaphore, #tpu.memory_space<semaphore_mem>>)
        %dma_wait3A = arith.constant 0 : i32
        %dma_wait3A_66 = tpu.memref_slice %arg5[%arg0, %mul3A_60, %dma_wait3A] : memref<2x10000x64xf32, #tpu.memory_space<hbm>> -> memref<1x200x64xf32, #tpu.memory_space<hbm>>
        %dma_wait3A_67 = tpu.memref_squeeze %dma_wait3A_66 : memref<1x200x64xf32, #tpu.memory_space<hbm>> -> memref<200x64xf32, #tpu.memory_space<hbm>>
        %dma_wait3A_68 = arith.constant 0 : i32
        %dma_wait3A_69 = tpu.memref_slice %arg5[%arg0, %mul3A_60, %dma_wait3A_68] : memref<2x10000x64xf32, #tpu.memory_space<hbm>> -> memref<1x200x64xf32, #tpu.memory_space<hbm>>
        %dma_wait3A_70 = tpu.memref_squeeze %dma_wait3A_69 : memref<1x200x64xf32, #tpu.memory_space<hbm>> -> memref<200x64xf32, #tpu.memory_space<hbm>>
        tpu.wait_dma2 semaphore(%run_scoped3A : memref<!tpu.dma_semaphore, #tpu.memory_space<semaphore_mem>>) src(%arg9 : memref<200x64xf32, #tpu.memory_space<vmem>>) dst(%dma_wait3A_70 : memref<200x64xf32, #tpu.memory_space<hbm>>)
        tpu.yield
      }) : () -> ()
    } else {
    }
    %add3A_37 = arith.constant 16 : i32
    %add3A_38 = arith.addi %arg1, %add3A_37 : i32
    %lt3A_39 = arith.constant 50 : i32
    %lt3A_40 = arith.cmpi slt, %add3A_38, %lt3A_39 : i32
    %convert_element_type3A_41 = arith.extui %lt3A_40 : i1 to i32
    %cond3A_42 = arith.constant 0 : i32
    %cond3A_43 = arith.cmpi ne, %convert_element_type3A_41, %cond3A_42 : i32
    scf.if %cond3A_43 {
      %mul3A = arith.constant 200 : i32
      %mul3A_58 = arith.muli %add3A_38, %mul3A : i32
      "tpu.region"() ({
        %run_scoped3A = tpu.sem_alloc : memref<!tpu.dma_semaphore, #tpu.memory_space<semaphore_mem>>
        %dma_start3A = arith.constant 0 : i32
        %dma_start3A_61 = tpu.memref_slice %arg10[%mul3A_58, %dma_start3A] : memref<10000x64xf32, #tpu.memory_space<vmem_shared>> -> memref<200x64xf32, #tpu.memory_space<vmem_shared>>
        %dma_start3A_62 = arith.constant 0 : i32
        %dma_start3A_63 = tpu.memref_slice %arg10[%mul3A_58, %dma_start3A_62] : memref<10000x64xf32, #tpu.memory_space<vmem_shared>> -> memref<200x64xf32, #tpu.memory_space<vmem_shared>>
        tpu.enqueue_dma source(%dma_start3A_63 : memref<200x64xf32, #tpu.memory_space<vmem_shared>>) target(%arg9 : memref<200x64xf32, #tpu.memory_space<vmem>>) target_semaphore(%run_scoped3A : memref<!tpu.dma_semaphore, #tpu.memory_space<semaphore_mem>>)
        %dma_wait3A = arith.constant 0 : i32
        %dma_wait3A_64 = tpu.memref_slice %arg10[%mul3A_58, %dma_wait3A] : memref<10000x64xf32, #tpu.memory_space<vmem_shared>> -> memref<200x64xf32, #tpu.memory_space<vmem_shared>>
        %dma_wait3A_65 = arith.constant 0 : i32
        %dma_wait3A_66 = tpu.memref_slice %arg10[%mul3A_58, %dma_wait3A_65] : memref<10000x64xf32, #tpu.memory_space<vmem_shared>> -> memref<200x64xf32, #tpu.memory_space<vmem_shared>>
        tpu.wait_dma2 semaphore(%run_scoped3A : memref<!tpu.dma_semaphore, #tpu.memory_space<semaphore_mem>>) src(%dma_wait3A_66 : memref<200x64xf32, #tpu.memory_space<vmem_shared>>) dst(%arg9 : memref<200x64xf32, #tpu.memory_space<vmem>>)
        tpu.yield
      }) : () -> ()
      %mul3A_59 = arith.constant 200 : i32
      %mul3A_60 = arith.muli %add3A_38, %mul3A_59 : i32
      "tpu.region"() ({
        %run_scoped3A = tpu.sem_alloc : memref<!tpu.dma_semaphore, #tpu.memory_space<semaphore_mem>>
        %dma_start3A = arith.constant 0 : i32
        %dma_start3A_61 = tpu.memref_slice %arg5[%arg0, %mul3A_60, %dma_start3A] : memref<2x10000x64xf32, #tpu.memory_space<hbm>> -> memref<1x200x64xf32, #tpu.memory_space<hbm>>
        %dma_start3A_62 = tpu.memref_squeeze %dma_start3A_61 : memref<1x200x64xf32, #tpu.memory_space<hbm>> -> memref<200x64xf32, #tpu.memory_space<hbm>>
        %dma_start3A_63 = arith.constant 0 : i32
        %dma_start3A_64 = tpu.memref_slice %arg5[%arg0, %mul3A_60, %dma_start3A_63] : memref<2x10000x64xf32, #tpu.memory_space<hbm>> -> memref<1x200x64xf32, #tpu.memory_space<hbm>>
        %dma_start3A_65 = tpu.memref_squeeze %dma_start3A_64 : memref<1x200x64xf32, #tpu.memory_space<hbm>> -> memref<200x64xf32, #tpu.memory_space<hbm>>
        tpu.enqueue_dma source(%arg9 : memref<200x64xf32, #tpu.memory_space<vmem>>) target(%dma_start3A_65 : memref<200x64xf32, #tpu.memory_space<hbm>>) target_semaphore(%run_scoped3A : memref<!tpu.dma_semaphore, #tpu.memory_space<semaphore_mem>>)
        %dma_wait3A = arith.constant 0 : i32
        %dma_wait3A_66 = tpu.memref_slice %arg5[%arg0, %mul3A_60, %dma_wait3A] : memref<2x10000x64xf32, #tpu.memory_space<hbm>> -> memref<1x200x64xf32, #tpu.memory_space<hbm>>
        %dma_wait3A_67 = tpu.memref_squeeze %dma_wait3A_66 : memref<1x200x64xf32, #tpu.memory_space<hbm>> -> memref<200x64xf32, #tpu.memory_space<hbm>>
        %dma_wait3A_68 = arith.constant 0 : i32
        %dma_wait3A_69 = tpu.memref_slice %arg5[%arg0, %mul3A_60, %dma_wait3A_68] : memref<2x10000x64xf32, #tpu.memory_space<hbm>> -> memref<1x200x64xf32, #tpu.memory_space<hbm>>
        %dma_wait3A_70 = tpu.memref_squeeze %dma_wait3A_69 : memref<1x200x64xf32, #tpu.memory_space<hbm>> -> memref<200x64xf32, #tpu.memory_space<hbm>>
        tpu.wait_dma2 semaphore(%run_scoped3A : memref<!tpu.dma_semaphore, #tpu.memory_space<semaphore_mem>>) src(%arg9 : memref<200x64xf32, #tpu.memory_space<vmem>>) dst(%dma_wait3A_70 : memref<200x64xf32, #tpu.memory_space<hbm>>)
        tpu.yield
      }) : () -> ()
    } else {
    }
    %add3A_44 = arith.constant 32 : i32
    %add3A_45 = arith.addi %arg1, %add3A_44 : i32
    %lt3A_46 = arith.constant 50 : i32
    %lt3A_47 = arith.cmpi slt, %add3A_45, %lt3A_46 : i32
    %convert_element_type3A_48 = arith.extui %lt3A_47 : i1 to i32
    %cond3A_49 = arith.constant 0 : i32
    %cond3A_50 = arith.cmpi ne, %convert_element_type3A_48, %cond3A_49 : i32
    scf.if %cond3A_50 {
      %mul3A = arith.constant 200 : i32
      %mul3A_58 = arith.muli %add3A_45, %mul3A : i32
      "tpu.region"() ({
        %run_scoped3A = tpu.sem_alloc : memref<!tpu.dma_semaphore, #tpu.memory_space<semaphore_mem>>
        %dma_start3A = arith.constant 0 : i32
        %dma_start3A_61 = tpu.memref_slice %arg10[%mul3A_58, %dma_start3A] : memref<10000x64xf32, #tpu.memory_space<vmem_shared>> -> memref<200x64xf32, #tpu.memory_space<vmem_shared>>
        %dma_start3A_62 = arith.constant 0 : i32
        %dma_start3A_63 = tpu.memref_slice %arg10[%mul3A_58, %dma_start3A_62] : memref<10000x64xf32, #tpu.memory_space<vmem_shared>> -> memref<200x64xf32, #tpu.memory_space<vmem_shared>>
        tpu.enqueue_dma source(%dma_start3A_63 : memref<200x64xf32, #tpu.memory_space<vmem_shared>>) target(%arg9 : memref<200x64xf32, #tpu.memory_space<vmem>>) target_semaphore(%run_scoped3A : memref<!tpu.dma_semaphore, #tpu.memory_space<semaphore_mem>>)
        %dma_wait3A = arith.constant 0 : i32
        %dma_wait3A_64 = tpu.memref_slice %arg10[%mul3A_58, %dma_wait3A] : memref<10000x64xf32, #tpu.memory_space<vmem_shared>> -> memref<200x64xf32, #tpu.memory_space<vmem_shared>>
        %dma_wait3A_65 = arith.constant 0 : i32
        %dma_wait3A_66 = tpu.memref_slice %arg10[%mul3A_58, %dma_wait3A_65] : memref<10000x64xf32, #tpu.memory_space<vmem_shared>> -> memref<200x64xf32, #tpu.memory_space<vmem_shared>>
        tpu.wait_dma2 semaphore(%run_scoped3A : memref<!tpu.dma_semaphore, #tpu.memory_space<semaphore_mem>>) src(%dma_wait3A_66 : memref<200x64xf32, #tpu.memory_space<vmem_shared>>) dst(%arg9 : memref<200x64xf32, #tpu.memory_space<vmem>>)
        tpu.yield
      }) : () -> ()
      %mul3A_59 = arith.constant 200 : i32
      %mul3A_60 = arith.muli %add3A_45, %mul3A_59 : i32
      "tpu.region"() ({
        %run_scoped3A = tpu.sem_alloc : memref<!tpu.dma_semaphore, #tpu.memory_space<semaphore_mem>>
        %dma_start3A = arith.constant 0 : i32
        %dma_start3A_61 = tpu.memref_slice %arg5[%arg0, %mul3A_60, %dma_start3A] : memref<2x10000x64xf32, #tpu.memory_space<hbm>> -> memref<1x200x64xf32, #tpu.memory_space<hbm>>
        %dma_start3A_62 = tpu.memref_squeeze %dma_start3A_61 : memref<1x200x64xf32, #tpu.memory_space<hbm>> -> memref<200x64xf32, #tpu.memory_space<hbm>>
        %dma_start3A_63 = arith.constant 0 : i32
        %dma_start3A_64 = tpu.memref_slice %arg5[%arg0, %mul3A_60, %dma_start3A_63] : memref<2x10000x64xf32, #tpu.memory_space<hbm>> -> memref<1x200x64xf32, #tpu.memory_space<hbm>>
        %dma_start3A_65 = tpu.memref_squeeze %dma_start3A_64 : memref<1x200x64xf32, #tpu.memory_space<hbm>> -> memref<200x64xf32, #tpu.memory_space<hbm>>
        tpu.enqueue_dma source(%arg9 : memref<200x64xf32, #tpu.memory_space<vmem>>) target(%dma_start3A_65 : memref<200x64xf32, #tpu.memory_space<hbm>>) target_semaphore(%run_scoped3A : memref<!tpu.dma_semaphore, #tpu.memory_space<semaphore_mem>>)
        %dma_wait3A = arith.constant 0 : i32
        %dma_wait3A_66 = tpu.memref_slice %arg5[%arg0, %mul3A_60, %dma_wait3A] : memref<2x10000x64xf32, #tpu.memory_space<hbm>> -> memref<1x200x64xf32, #tpu.memory_space<hbm>>
        %dma_wait3A_67 = tpu.memref_squeeze %dma_wait3A_66 : memref<1x200x64xf32, #tpu.memory_space<hbm>> -> memref<200x64xf32, #tpu.memory_space<hbm>>
        %dma_wait3A_68 = arith.constant 0 : i32
        %dma_wait3A_69 = tpu.memref_slice %arg5[%arg0, %mul3A_60, %dma_wait3A_68] : memref<2x10000x64xf32, #tpu.memory_space<hbm>> -> memref<1x200x64xf32, #tpu.memory_space<hbm>>
        %dma_wait3A_70 = tpu.memref_squeeze %dma_wait3A_69 : memref<1x200x64xf32, #tpu.memory_space<hbm>> -> memref<200x64xf32, #tpu.memory_space<hbm>>
        tpu.wait_dma2 semaphore(%run_scoped3A : memref<!tpu.dma_semaphore, #tpu.memory_space<semaphore_mem>>) src(%arg9 : memref<200x64xf32, #tpu.memory_space<vmem>>) dst(%dma_wait3A_70 : memref<200x64xf32, #tpu.memory_space<hbm>>)
        tpu.yield
      }) : () -> ()
    } else {
    }
    %add3A_51 = arith.constant 48 : i32
    %add3A_52 = arith.addi %arg1, %add3A_51 : i32
    %lt3A_53 = arith.constant 50 : i32
    %lt3A_54 = arith.cmpi slt, %add3A_52, %lt3A_53 : i32
    %convert_element_type3A_55 = arith.extui %lt3A_54 : i1 to i32
    %cond3A_56 = arith.constant 0 : i32
    %cond3A_57 = arith.cmpi ne, %convert_element_type3A_55, %cond3A_56 : i32
    scf.if %cond3A_57 {
      %mul3A = arith.constant 200 : i32
      %mul3A_58 = arith.muli %add3A_52, %mul3A : i32
      "tpu.region"() ({
        %run_scoped3A = tpu.sem_alloc : memref<!tpu.dma_semaphore, #tpu.memory_space<semaphore_mem>>
        %dma_start3A = arith.constant 0 : i32
        %dma_start3A_61 = tpu.memref_slice %arg10[%mul3A_58, %dma_start3A] : memref<10000x64xf32, #tpu.memory_space<vmem_shared>> -> memref<200x64xf32, #tpu.memory_space<vmem_shared>>
        %dma_start3A_62 = arith.constant 0 : i32
        %dma_start3A_63 = tpu.memref_slice %arg10[%mul3A_58, %dma_start3A_62] : memref<10000x64xf32, #tpu.memory_space<vmem_shared>> -> memref<200x64xf32, #tpu.memory_space<vmem_shared>>
        tpu.enqueue_dma source(%dma_start3A_63 : memref<200x64xf32, #tpu.memory_space<vmem_shared>>) target(%arg9 : memref<200x64xf32, #tpu.memory_space<vmem>>) target_semaphore(%run_scoped3A : memref<!tpu.dma_semaphore, #tpu.memory_space<semaphore_mem>>)
        %dma_wait3A = arith.constant 0 : i32
        %dma_wait3A_64 = tpu.memref_slice %arg10[%mul3A_58, %dma_wait3A] : memref<10000x64xf32, #tpu.memory_space<vmem_shared>> -> memref<200x64xf32, #tpu.memory_space<vmem_shared>>
        %dma_wait3A_65 = arith.constant 0 : i32
        %dma_wait3A_66 = tpu.memref_slice %arg10[%mul3A_58, %dma_wait3A_65] : memref<10000x64xf32, #tpu.memory_space<vmem_shared>> -> memref<200x64xf32, #tpu.memory_space<vmem_shared>>
        tpu.wait_dma2 semaphore(%run_scoped3A : memref<!tpu.dma_semaphore, #tpu.memory_space<semaphore_mem>>) src(%dma_wait3A_66 : memref<200x64xf32, #tpu.memory_space<vmem_shared>>) dst(%arg9 : memref<200x64xf32, #tpu.memory_space<vmem>>)
        tpu.yield
      }) : () -> ()
      %mul3A_59 = arith.constant 200 : i32
      %mul3A_60 = arith.muli %add3A_52, %mul3A_59 : i32
      "tpu.region"() ({
        %run_scoped3A = tpu.sem_alloc : memref<!tpu.dma_semaphore, #tpu.memory_space<semaphore_mem>>
        %dma_start3A = arith.constant 0 : i32
        %dma_start3A_61 = tpu.memref_slice %arg5[%arg0, %mul3A_60, %dma_start3A] : memref<2x10000x64xf32, #tpu.memory_space<hbm>> -> memref<1x200x64xf32, #tpu.memory_space<hbm>>
        %dma_start3A_62 = tpu.memref_squeeze %dma_start3A_61 : memref<1x200x64xf32, #tpu.memory_space<hbm>> -> memref<200x64xf32, #tpu.memory_space<hbm>>
        %dma_start3A_63 = arith.constant 0 : i32
        %dma_start3A_64 = tpu.memref_slice %arg5[%arg0, %mul3A_60, %dma_start3A_63] : memref<2x10000x64xf32, #tpu.memory_space<hbm>> -> memref<1x200x64xf32, #tpu.memory_space<hbm>>
        %dma_start3A_65 = tpu.memref_squeeze %dma_start3A_64 : memref<1x200x64xf32, #tpu.memory_space<hbm>> -> memref<200x64xf32, #tpu.memory_space<hbm>>
        tpu.enqueue_dma source(%arg9 : memref<200x64xf32, #tpu.memory_space<vmem>>) target(%dma_start3A_65 : memref<200x64xf32, #tpu.memory_space<hbm>>) target_semaphore(%run_scoped3A : memref<!tpu.dma_semaphore, #tpu.memory_space<semaphore_mem>>)
        %dma_wait3A = arith.constant 0 : i32
        %dma_wait3A_66 = tpu.memref_slice %arg5[%arg0, %mul3A_60, %dma_wait3A] : memref<2x10000x64xf32, #tpu.memory_space<hbm>> -> memref<1x200x64xf32, #tpu.memory_space<hbm>>
        %dma_wait3A_67 = tpu.memref_squeeze %dma_wait3A_66 : memref<1x200x64xf32, #tpu.memory_space<hbm>> -> memref<200x64xf32, #tpu.memory_space<hbm>>
        %dma_wait3A_68 = arith.constant 0 : i32
        %dma_wait3A_69 = tpu.memref_slice %arg5[%arg0, %mul3A_60, %dma_wait3A_68] : memref<2x10000x64xf32, #tpu.memory_space<hbm>> -> memref<1x200x64xf32, #tpu.memory_space<hbm>>
        %dma_wait3A_70 = tpu.memref_squeeze %dma_wait3A_69 : memref<1x200x64xf32, #tpu.memory_space<hbm>> -> memref<200x64xf32, #tpu.memory_space<hbm>>
        tpu.wait_dma2 semaphore(%run_scoped3A : memref<!tpu.dma_semaphore, #tpu.memory_space<semaphore_mem>>) src(%arg9 : memref<200x64xf32, #tpu.memory_space<vmem>>) dst(%dma_wait3A_70 : memref<200x64xf32, #tpu.memory_space<hbm>>)
        tpu.yield
      }) : () -> ()
    } else {
    }
    return
  }
}

#map = affine_map<(d0, d1) -> (0, 0, 0)>
module attributes {stable_mosaic.version = 14 : i64} {
  func.func @_sc_agg_body(%arg0: i32, %arg1: i32, %arg2: memref<2x10000x64xf32, #tpu.memory_space<hbm>>, %arg3: memref<16x250x80xi32, #tpu.memory_space<hbm>>, %arg4: memref<16x250x80xi32, #tpu.memory_space<hbm>>, %arg5: memref<2x10000x64xf32, #tpu.memory_space<hbm>>, %arg6: memref<250x80xi32, #tpu.memory_space<vmem>>, %arg7: memref<250x80xi32, #tpu.memory_space<vmem>>, %arg8: memref<80x64xf32, #tpu.memory_space<vmem>>, %arg9: memref<200x64xf32, #tpu.memory_space<vmem>>, %arg10: memref<10000x64xf32, #tpu.memory_space<vmem_shared>>) attributes {dimension_semantics = [#tpu.dimension_semantics<core_parallel>, #tpu.dimension_semantics<subcore_parallel>], iteration_bounds = array<i64: 2, 16>, scalar_prefetch = 0 : i64, scratch_operands = 5 : i64, tpu.core_type = #tpu.core_type<sc_vector_subcore>, window_params = [{transform_indices = #map}, {transform_indices = #map}, {transform_indices = #map}, {transform_indices = #map}]} {
    "tpu.region"() ({
      %run_scoped3A = tpu.sem_alloc : memref<!tpu.dma_semaphore, #tpu.memory_space<semaphore_mem>>
      %dma_start3A = arith.constant 0 : i32
      %dma_start3A_58 = arith.constant 0 : i32
      %dma_start3A_59 = tpu.memref_slice %arg3[%arg1, %dma_start3A, %dma_start3A_58] : memref<16x250x80xi32, #tpu.memory_space<hbm>> -> memref<1x250x80xi32, #tpu.memory_space<hbm>>
      %dma_start3A_60 = tpu.memref_squeeze %dma_start3A_59 : memref<1x250x80xi32, #tpu.memory_space<hbm>> -> memref<250x80xi32, #tpu.memory_space<hbm>>
      %dma_start3A_61 = arith.constant 0 : i32
      %dma_start3A_62 = arith.constant 0 : i32
      %dma_start3A_63 = tpu.memref_slice %arg3[%arg1, %dma_start3A_61, %dma_start3A_62] : memref<16x250x80xi32, #tpu.memory_space<hbm>> -> memref<1x250x80xi32, #tpu.memory_space<hbm>>
      %dma_start3A_64 = tpu.memref_squeeze %dma_start3A_63 : memref<1x250x80xi32, #tpu.memory_space<hbm>> -> memref<250x80xi32, #tpu.memory_space<hbm>>
      tpu.enqueue_dma source(%dma_start3A_64 : memref<250x80xi32, #tpu.memory_space<hbm>>) target(%arg6 : memref<250x80xi32, #tpu.memory_space<vmem>>) target_semaphore(%run_scoped3A : memref<!tpu.dma_semaphore, #tpu.memory_space<semaphore_mem>>)
      %dma_wait3A = arith.constant 0 : i32
      %dma_wait3A_65 = arith.constant 0 : i32
      %dma_wait3A_66 = tpu.memref_slice %arg3[%arg1, %dma_wait3A, %dma_wait3A_65] : memref<16x250x80xi32, #tpu.memory_space<hbm>> -> memref<1x250x80xi32, #tpu.memory_space<hbm>>
      %dma_wait3A_67 = tpu.memref_squeeze %dma_wait3A_66 : memref<1x250x80xi32, #tpu.memory_space<hbm>> -> memref<250x80xi32, #tpu.memory_space<hbm>>
      %dma_wait3A_68 = arith.constant 0 : i32
      %dma_wait3A_69 = arith.constant 0 : i32
      %dma_wait3A_70 = tpu.memref_slice %arg3[%arg1, %dma_wait3A_68, %dma_wait3A_69] : memref<16x250x80xi32, #tpu.memory_space<hbm>> -> memref<1x250x80xi32, #tpu.memory_space<hbm>>
      %dma_wait3A_71 = tpu.memref_squeeze %dma_wait3A_70 : memref<1x250x80xi32, #tpu.memory_space<hbm>> -> memref<250x80xi32, #tpu.memory_space<hbm>>
      tpu.wait_dma2 semaphore(%run_scoped3A : memref<!tpu.dma_semaphore, #tpu.memory_space<semaphore_mem>>) src(%dma_wait3A_71 : memref<250x80xi32, #tpu.memory_space<hbm>>) dst(%arg6 : memref<250x80xi32, #tpu.memory_space<vmem>>)
      tpu.yield
    }) : () -> ()
    "tpu.region"() ({
      %run_scoped3A = tpu.sem_alloc : memref<!tpu.dma_semaphore, #tpu.memory_space<semaphore_mem>>
      %dma_start3A = arith.constant 0 : i32
      %dma_start3A_58 = arith.constant 0 : i32
      %dma_start3A_59 = tpu.memref_slice %arg4[%arg1, %dma_start3A, %dma_start3A_58] : memref<16x250x80xi32, #tpu.memory_space<hbm>> -> memref<1x250x80xi32, #tpu.memory_space<hbm>>
      %dma_start3A_60 = tpu.memref_squeeze %dma_start3A_59 : memref<1x250x80xi32, #tpu.memory_space<hbm>> -> memref<250x80xi32, #tpu.memory_space<hbm>>
      %dma_start3A_61 = arith.constant 0 : i32
      %dma_start3A_62 = arith.constant 0 : i32
      %dma_start3A_63 = tpu.memref_slice %arg4[%arg1, %dma_start3A_61, %dma_start3A_62] : memref<16x250x80xi32, #tpu.memory_space<hbm>> -> memref<1x250x80xi32, #tpu.memory_space<hbm>>
      %dma_start3A_64 = tpu.memref_squeeze %dma_start3A_63 : memref<1x250x80xi32, #tpu.memory_space<hbm>> -> memref<250x80xi32, #tpu.memory_space<hbm>>
      tpu.enqueue_dma source(%dma_start3A_64 : memref<250x80xi32, #tpu.memory_space<hbm>>) target(%arg7 : memref<250x80xi32, #tpu.memory_space<vmem>>) target_semaphore(%run_scoped3A : memref<!tpu.dma_semaphore, #tpu.memory_space<semaphore_mem>>)
      %dma_wait3A = arith.constant 0 : i32
      %dma_wait3A_65 = arith.constant 0 : i32
      %dma_wait3A_66 = tpu.memref_slice %arg4[%arg1, %dma_wait3A, %dma_wait3A_65] : memref<16x250x80xi32, #tpu.memory_space<hbm>> -> memref<1x250x80xi32, #tpu.memory_space<hbm>>
      %dma_wait3A_67 = tpu.memref_squeeze %dma_wait3A_66 : memref<1x250x80xi32, #tpu.memory_space<hbm>> -> memref<250x80xi32, #tpu.memory_space<hbm>>
      %dma_wait3A_68 = arith.constant 0 : i32
      %dma_wait3A_69 = arith.constant 0 : i32
      %dma_wait3A_70 = tpu.memref_slice %arg4[%arg1, %dma_wait3A_68, %dma_wait3A_69] : memref<16x250x80xi32, #tpu.memory_space<hbm>> -> memref<1x250x80xi32, #tpu.memory_space<hbm>>
      %dma_wait3A_71 = tpu.memref_squeeze %dma_wait3A_70 : memref<1x250x80xi32, #tpu.memory_space<hbm>> -> memref<250x80xi32, #tpu.memory_space<hbm>>
      tpu.wait_dma2 semaphore(%run_scoped3A : memref<!tpu.dma_semaphore, #tpu.memory_space<semaphore_mem>>) src(%dma_wait3A_71 : memref<250x80xi32, #tpu.memory_space<hbm>>) dst(%arg7 : memref<250x80xi32, #tpu.memory_space<vmem>>)
      tpu.yield
    }) : () -> ()
    %add3A = arith.constant 0 : i32
    %add3A_0 = arith.addi %arg1, %add3A : i32
    %lt3A = arith.constant 50 : i32
    %lt3A_1 = arith.cmpi slt, %add3A_0, %lt3A : i32
    %convert_element_type3A = arith.extui %lt3A_1 : i1 to i32
    %cond3A = arith.constant 0 : i32
    %cond3A_2 = arith.cmpi ne, %convert_element_type3A, %cond3A : i32
    scf.if %cond3A_2 {
      %mul3A = arith.constant 200 : i32
      %mul3A_58 = arith.muli %add3A_0, %mul3A : i32
      "tpu.region"() ({
        %run_scoped3A = tpu.sem_alloc : memref<!tpu.dma_semaphore, #tpu.memory_space<semaphore_mem>>
        %dma_start3A = arith.constant 0 : i32
        %dma_start3A_61 = tpu.memref_slice %arg2[%arg0, %mul3A_58, %dma_start3A] : memref<2x10000x64xf32, #tpu.memory_space<hbm>> -> memref<1x200x64xf32, #tpu.memory_space<hbm>>
        %dma_start3A_62 = tpu.memref_squeeze %dma_start3A_61 : memref<1x200x64xf32, #tpu.memory_space<hbm>> -> memref<200x64xf32, #tpu.memory_space<hbm>>
        %dma_start3A_63 = arith.constant 0 : i32
        %dma_start3A_64 = tpu.memref_slice %arg2[%arg0, %mul3A_58, %dma_start3A_63] : memref<2x10000x64xf32, #tpu.memory_space<hbm>> -> memref<1x200x64xf32, #tpu.memory_space<hbm>>
        %dma_start3A_65 = tpu.memref_squeeze %dma_start3A_64 : memref<1x200x64xf32, #tpu.memory_space<hbm>> -> memref<200x64xf32, #tpu.memory_space<hbm>>
        tpu.enqueue_dma source(%dma_start3A_65 : memref<200x64xf32, #tpu.memory_space<hbm>>) target(%arg9 : memref<200x64xf32, #tpu.memory_space<vmem>>) target_semaphore(%run_scoped3A : memref<!tpu.dma_semaphore, #tpu.memory_space<semaphore_mem>>)
        %dma_wait3A = arith.constant 0 : i32
        %dma_wait3A_66 = tpu.memref_slice %arg2[%arg0, %mul3A_58, %dma_wait3A] : memref<2x10000x64xf32, #tpu.memory_space<hbm>> -> memref<1x200x64xf32, #tpu.memory_space<hbm>>
        %dma_wait3A_67 = tpu.memref_squeeze %dma_wait3A_66 : memref<1x200x64xf32, #tpu.memory_space<hbm>> -> memref<200x64xf32, #tpu.memory_space<hbm>>
        %dma_wait3A_68 = arith.constant 0 : i32
        %dma_wait3A_69 = tpu.memref_slice %arg2[%arg0, %mul3A_58, %dma_wait3A_68] : memref<2x10000x64xf32, #tpu.memory_space<hbm>> -> memref<1x200x64xf32, #tpu.memory_space<hbm>>
        %dma_wait3A_70 = tpu.memref_squeeze %dma_wait3A_69 : memref<1x200x64xf32, #tpu.memory_space<hbm>> -> memref<200x64xf32, #tpu.memory_space<hbm>>
        tpu.wait_dma2 semaphore(%run_scoped3A : memref<!tpu.dma_semaphore, #tpu.memory_space<semaphore_mem>>) src(%dma_wait3A_70 : memref<200x64xf32, #tpu.memory_space<hbm>>) dst(%arg9 : memref<200x64xf32, #tpu.memory_space<vmem>>)
        tpu.yield
      }) : () -> ()
      %mul3A_59 = arith.constant 200 : i32
      %mul3A_60 = arith.muli %add3A_0, %mul3A_59 : i32
      "tpu.region"() ({
        %run_scoped3A = tpu.sem_alloc : memref<!tpu.dma_semaphore, #tpu.memory_space<semaphore_mem>>
        %dma_start3A = arith.constant 0 : i32
        %dma_start3A_61 = tpu.memref_slice %arg10[%mul3A_60, %dma_start3A] : memref<10000x64xf32, #tpu.memory_space<vmem_shared>> -> memref<200x64xf32, #tpu.memory_space<vmem_shared>>
        %dma_start3A_62 = arith.constant 0 : i32
        %dma_start3A_63 = tpu.memref_slice %arg10[%mul3A_60, %dma_start3A_62] : memref<10000x64xf32, #tpu.memory_space<vmem_shared>> -> memref<200x64xf32, #tpu.memory_space<vmem_shared>>
        tpu.enqueue_dma source(%arg9 : memref<200x64xf32, #tpu.memory_space<vmem>>) target(%dma_start3A_63 : memref<200x64xf32, #tpu.memory_space<vmem_shared>>) target_semaphore(%run_scoped3A : memref<!tpu.dma_semaphore, #tpu.memory_space<semaphore_mem>>)
        %dma_wait3A = arith.constant 0 : i32
        %dma_wait3A_64 = tpu.memref_slice %arg10[%mul3A_60, %dma_wait3A] : memref<10000x64xf32, #tpu.memory_space<vmem_shared>> -> memref<200x64xf32, #tpu.memory_space<vmem_shared>>
        %dma_wait3A_65 = arith.constant 0 : i32
        %dma_wait3A_66 = tpu.memref_slice %arg10[%mul3A_60, %dma_wait3A_65] : memref<10000x64xf32, #tpu.memory_space<vmem_shared>> -> memref<200x64xf32, #tpu.memory_space<vmem_shared>>
        tpu.wait_dma2 semaphore(%run_scoped3A : memref<!tpu.dma_semaphore, #tpu.memory_space<semaphore_mem>>) src(%arg9 : memref<200x64xf32, #tpu.memory_space<vmem>>) dst(%dma_wait3A_66 : memref<200x64xf32, #tpu.memory_space<vmem_shared>>)
        tpu.yield
      }) : () -> ()
    } else {
    }
    %add3A_3 = arith.constant 16 : i32
    %add3A_4 = arith.addi %arg1, %add3A_3 : i32
    %lt3A_5 = arith.constant 50 : i32
    %lt3A_6 = arith.cmpi slt, %add3A_4, %lt3A_5 : i32
    %convert_element_type3A_7 = arith.extui %lt3A_6 : i1 to i32
    %cond3A_8 = arith.constant 0 : i32
    %cond3A_9 = arith.cmpi ne, %convert_element_type3A_7, %cond3A_8 : i32
    scf.if %cond3A_9 {
      %mul3A = arith.constant 200 : i32
      %mul3A_58 = arith.muli %add3A_4, %mul3A : i32
      "tpu.region"() ({
        %run_scoped3A = tpu.sem_alloc : memref<!tpu.dma_semaphore, #tpu.memory_space<semaphore_mem>>
        %dma_start3A = arith.constant 0 : i32
        %dma_start3A_61 = tpu.memref_slice %arg2[%arg0, %mul3A_58, %dma_start3A] : memref<2x10000x64xf32, #tpu.memory_space<hbm>> -> memref<1x200x64xf32, #tpu.memory_space<hbm>>
        %dma_start3A_62 = tpu.memref_squeeze %dma_start3A_61 : memref<1x200x64xf32, #tpu.memory_space<hbm>> -> memref<200x64xf32, #tpu.memory_space<hbm>>
        %dma_start3A_63 = arith.constant 0 : i32
        %dma_start3A_64 = tpu.memref_slice %arg2[%arg0, %mul3A_58, %dma_start3A_63] : memref<2x10000x64xf32, #tpu.memory_space<hbm>> -> memref<1x200x64xf32, #tpu.memory_space<hbm>>
        %dma_start3A_65 = tpu.memref_squeeze %dma_start3A_64 : memref<1x200x64xf32, #tpu.memory_space<hbm>> -> memref<200x64xf32, #tpu.memory_space<hbm>>
        tpu.enqueue_dma source(%dma_start3A_65 : memref<200x64xf32, #tpu.memory_space<hbm>>) target(%arg9 : memref<200x64xf32, #tpu.memory_space<vmem>>) target_semaphore(%run_scoped3A : memref<!tpu.dma_semaphore, #tpu.memory_space<semaphore_mem>>)
        %dma_wait3A = arith.constant 0 : i32
        %dma_wait3A_66 = tpu.memref_slice %arg2[%arg0, %mul3A_58, %dma_wait3A] : memref<2x10000x64xf32, #tpu.memory_space<hbm>> -> memref<1x200x64xf32, #tpu.memory_space<hbm>>
        %dma_wait3A_67 = tpu.memref_squeeze %dma_wait3A_66 : memref<1x200x64xf32, #tpu.memory_space<hbm>> -> memref<200x64xf32, #tpu.memory_space<hbm>>
        %dma_wait3A_68 = arith.constant 0 : i32
        %dma_wait3A_69 = tpu.memref_slice %arg2[%arg0, %mul3A_58, %dma_wait3A_68] : memref<2x10000x64xf32, #tpu.memory_space<hbm>> -> memref<1x200x64xf32, #tpu.memory_space<hbm>>
        %dma_wait3A_70 = tpu.memref_squeeze %dma_wait3A_69 : memref<1x200x64xf32, #tpu.memory_space<hbm>> -> memref<200x64xf32, #tpu.memory_space<hbm>>
        tpu.wait_dma2 semaphore(%run_scoped3A : memref<!tpu.dma_semaphore, #tpu.memory_space<semaphore_mem>>) src(%dma_wait3A_70 : memref<200x64xf32, #tpu.memory_space<hbm>>) dst(%arg9 : memref<200x64xf32, #tpu.memory_space<vmem>>)
        tpu.yield
      }) : () -> ()
      %mul3A_59 = arith.constant 200 : i32
      %mul3A_60 = arith.muli %add3A_4, %mul3A_59 : i32
      "tpu.region"() ({
        %run_scoped3A = tpu.sem_alloc : memref<!tpu.dma_semaphore, #tpu.memory_space<semaphore_mem>>
        %dma_start3A = arith.constant 0 : i32
        %dma_start3A_61 = tpu.memref_slice %arg10[%mul3A_60, %dma_start3A] : memref<10000x64xf32, #tpu.memory_space<vmem_shared>> -> memref<200x64xf32, #tpu.memory_space<vmem_shared>>
        %dma_start3A_62 = arith.constant 0 : i32
        %dma_start3A_63 = tpu.memref_slice %arg10[%mul3A_60, %dma_start3A_62] : memref<10000x64xf32, #tpu.memory_space<vmem_shared>> -> memref<200x64xf32, #tpu.memory_space<vmem_shared>>
        tpu.enqueue_dma source(%arg9 : memref<200x64xf32, #tpu.memory_space<vmem>>) target(%dma_start3A_63 : memref<200x64xf32, #tpu.memory_space<vmem_shared>>) target_semaphore(%run_scoped3A : memref<!tpu.dma_semaphore, #tpu.memory_space<semaphore_mem>>)
        %dma_wait3A = arith.constant 0 : i32
        %dma_wait3A_64 = tpu.memref_slice %arg10[%mul3A_60, %dma_wait3A] : memref<10000x64xf32, #tpu.memory_space<vmem_shared>> -> memref<200x64xf32, #tpu.memory_space<vmem_shared>>
        %dma_wait3A_65 = arith.constant 0 : i32
        %dma_wait3A_66 = tpu.memref_slice %arg10[%mul3A_60, %dma_wait3A_65] : memref<10000x64xf32, #tpu.memory_space<vmem_shared>> -> memref<200x64xf32, #tpu.memory_space<vmem_shared>>
        tpu.wait_dma2 semaphore(%run_scoped3A : memref<!tpu.dma_semaphore, #tpu.memory_space<semaphore_mem>>) src(%arg9 : memref<200x64xf32, #tpu.memory_space<vmem>>) dst(%dma_wait3A_66 : memref<200x64xf32, #tpu.memory_space<vmem_shared>>)
        tpu.yield
      }) : () -> ()
    } else {
    }
    %add3A_10 = arith.constant 32 : i32
    %add3A_11 = arith.addi %arg1, %add3A_10 : i32
    %lt3A_12 = arith.constant 50 : i32
    %lt3A_13 = arith.cmpi slt, %add3A_11, %lt3A_12 : i32
    %convert_element_type3A_14 = arith.extui %lt3A_13 : i1 to i32
    %cond3A_15 = arith.constant 0 : i32
    %cond3A_16 = arith.cmpi ne, %convert_element_type3A_14, %cond3A_15 : i32
    scf.if %cond3A_16 {
      %mul3A = arith.constant 200 : i32
      %mul3A_58 = arith.muli %add3A_11, %mul3A : i32
      "tpu.region"() ({
        %run_scoped3A = tpu.sem_alloc : memref<!tpu.dma_semaphore, #tpu.memory_space<semaphore_mem>>
        %dma_start3A = arith.constant 0 : i32
        %dma_start3A_61 = tpu.memref_slice %arg2[%arg0, %mul3A_58, %dma_start3A] : memref<2x10000x64xf32, #tpu.memory_space<hbm>> -> memref<1x200x64xf32, #tpu.memory_space<hbm>>
        %dma_start3A_62 = tpu.memref_squeeze %dma_start3A_61 : memref<1x200x64xf32, #tpu.memory_space<hbm>> -> memref<200x64xf32, #tpu.memory_space<hbm>>
        %dma_start3A_63 = arith.constant 0 : i32
        %dma_start3A_64 = tpu.memref_slice %arg2[%arg0, %mul3A_58, %dma_start3A_63] : memref<2x10000x64xf32, #tpu.memory_space<hbm>> -> memref<1x200x64xf32, #tpu.memory_space<hbm>>
        %dma_start3A_65 = tpu.memref_squeeze %dma_start3A_64 : memref<1x200x64xf32, #tpu.memory_space<hbm>> -> memref<200x64xf32, #tpu.memory_space<hbm>>
        tpu.enqueue_dma source(%dma_start3A_65 : memref<200x64xf32, #tpu.memory_space<hbm>>) target(%arg9 : memref<200x64xf32, #tpu.memory_space<vmem>>) target_semaphore(%run_scoped3A : memref<!tpu.dma_semaphore, #tpu.memory_space<semaphore_mem>>)
        %dma_wait3A = arith.constant 0 : i32
        %dma_wait3A_66 = tpu.memref_slice %arg2[%arg0, %mul3A_58, %dma_wait3A] : memref<2x10000x64xf32, #tpu.memory_space<hbm>> -> memref<1x200x64xf32, #tpu.memory_space<hbm>>
        %dma_wait3A_67 = tpu.memref_squeeze %dma_wait3A_66 : memref<1x200x64xf32, #tpu.memory_space<hbm>> -> memref<200x64xf32, #tpu.memory_space<hbm>>
        %dma_wait3A_68 = arith.constant 0 : i32
        %dma_wait3A_69 = tpu.memref_slice %arg2[%arg0, %mul3A_58, %dma_wait3A_68] : memref<2x10000x64xf32, #tpu.memory_space<hbm>> -> memref<1x200x64xf32, #tpu.memory_space<hbm>>
        %dma_wait3A_70 = tpu.memref_squeeze %dma_wait3A_69 : memref<1x200x64xf32, #tpu.memory_space<hbm>> -> memref<200x64xf32, #tpu.memory_space<hbm>>
        tpu.wait_dma2 semaphore(%run_scoped3A : memref<!tpu.dma_semaphore, #tpu.memory_space<semaphore_mem>>) src(%dma_wait3A_70 : memref<200x64xf32, #tpu.memory_space<hbm>>) dst(%arg9 : memref<200x64xf32, #tpu.memory_space<vmem>>)
        tpu.yield
      }) : () -> ()
      %mul3A_59 = arith.constant 200 : i32
      %mul3A_60 = arith.muli %add3A_11, %mul3A_59 : i32
      "tpu.region"() ({
        %run_scoped3A = tpu.sem_alloc : memref<!tpu.dma_semaphore, #tpu.memory_space<semaphore_mem>>
        %dma_start3A = arith.constant 0 : i32
        %dma_start3A_61 = tpu.memref_slice %arg10[%mul3A_60, %dma_start3A] : memref<10000x64xf32, #tpu.memory_space<vmem_shared>> -> memref<200x64xf32, #tpu.memory_space<vmem_shared>>
        %dma_start3A_62 = arith.constant 0 : i32
        %dma_start3A_63 = tpu.memref_slice %arg10[%mul3A_60, %dma_start3A_62] : memref<10000x64xf32, #tpu.memory_space<vmem_shared>> -> memref<200x64xf32, #tpu.memory_space<vmem_shared>>
        tpu.enqueue_dma source(%arg9 : memref<200x64xf32, #tpu.memory_space<vmem>>) target(%dma_start3A_63 : memref<200x64xf32, #tpu.memory_space<vmem_shared>>) target_semaphore(%run_scoped3A : memref<!tpu.dma_semaphore, #tpu.memory_space<semaphore_mem>>)
        %dma_wait3A = arith.constant 0 : i32
        %dma_wait3A_64 = tpu.memref_slice %arg10[%mul3A_60, %dma_wait3A] : memref<10000x64xf32, #tpu.memory_space<vmem_shared>> -> memref<200x64xf32, #tpu.memory_space<vmem_shared>>
        %dma_wait3A_65 = arith.constant 0 : i32
        %dma_wait3A_66 = tpu.memref_slice %arg10[%mul3A_60, %dma_wait3A_65] : memref<10000x64xf32, #tpu.memory_space<vmem_shared>> -> memref<200x64xf32, #tpu.memory_space<vmem_shared>>
        tpu.wait_dma2 semaphore(%run_scoped3A : memref<!tpu.dma_semaphore, #tpu.memory_space<semaphore_mem>>) src(%arg9 : memref<200x64xf32, #tpu.memory_space<vmem>>) dst(%dma_wait3A_66 : memref<200x64xf32, #tpu.memory_space<vmem_shared>>)
        tpu.yield
      }) : () -> ()
    } else {
    }
    %add3A_17 = arith.constant 48 : i32
    %add3A_18 = arith.addi %arg1, %add3A_17 : i32
    %lt3A_19 = arith.constant 50 : i32
    %lt3A_20 = arith.cmpi slt, %add3A_18, %lt3A_19 : i32
    %convert_element_type3A_21 = arith.extui %lt3A_20 : i1 to i32
    %cond3A_22 = arith.constant 0 : i32
    %cond3A_23 = arith.cmpi ne, %convert_element_type3A_21, %cond3A_22 : i32
    scf.if %cond3A_23 {
      %mul3A = arith.constant 200 : i32
      %mul3A_58 = arith.muli %add3A_18, %mul3A : i32
      "tpu.region"() ({
        %run_scoped3A = tpu.sem_alloc : memref<!tpu.dma_semaphore, #tpu.memory_space<semaphore_mem>>
        %dma_start3A = arith.constant 0 : i32
        %dma_start3A_61 = tpu.memref_slice %arg2[%arg0, %mul3A_58, %dma_start3A] : memref<2x10000x64xf32, #tpu.memory_space<hbm>> -> memref<1x200x64xf32, #tpu.memory_space<hbm>>
        %dma_start3A_62 = tpu.memref_squeeze %dma_start3A_61 : memref<1x200x64xf32, #tpu.memory_space<hbm>> -> memref<200x64xf32, #tpu.memory_space<hbm>>
        %dma_start3A_63 = arith.constant 0 : i32
        %dma_start3A_64 = tpu.memref_slice %arg2[%arg0, %mul3A_58, %dma_start3A_63] : memref<2x10000x64xf32, #tpu.memory_space<hbm>> -> memref<1x200x64xf32, #tpu.memory_space<hbm>>
        %dma_start3A_65 = tpu.memref_squeeze %dma_start3A_64 : memref<1x200x64xf32, #tpu.memory_space<hbm>> -> memref<200x64xf32, #tpu.memory_space<hbm>>
        tpu.enqueue_dma source(%dma_start3A_65 : memref<200x64xf32, #tpu.memory_space<hbm>>) target(%arg9 : memref<200x64xf32, #tpu.memory_space<vmem>>) target_semaphore(%run_scoped3A : memref<!tpu.dma_semaphore, #tpu.memory_space<semaphore_mem>>)
        %dma_wait3A = arith.constant 0 : i32
        %dma_wait3A_66 = tpu.memref_slice %arg2[%arg0, %mul3A_58, %dma_wait3A] : memref<2x10000x64xf32, #tpu.memory_space<hbm>> -> memref<1x200x64xf32, #tpu.memory_space<hbm>>
        %dma_wait3A_67 = tpu.memref_squeeze %dma_wait3A_66 : memref<1x200x64xf32, #tpu.memory_space<hbm>> -> memref<200x64xf32, #tpu.memory_space<hbm>>
        %dma_wait3A_68 = arith.constant 0 : i32
        %dma_wait3A_69 = tpu.memref_slice %arg2[%arg0, %mul3A_58, %dma_wait3A_68] : memref<2x10000x64xf32, #tpu.memory_space<hbm>> -> memref<1x200x64xf32, #tpu.memory_space<hbm>>
        %dma_wait3A_70 = tpu.memref_squeeze %dma_wait3A_69 : memref<1x200x64xf32, #tpu.memory_space<hbm>> -> memref<200x64xf32, #tpu.memory_space<hbm>>
        tpu.wait_dma2 semaphore(%run_scoped3A : memref<!tpu.dma_semaphore, #tpu.memory_space<semaphore_mem>>) src(%dma_wait3A_70 : memref<200x64xf32, #tpu.memory_space<hbm>>) dst(%arg9 : memref<200x64xf32, #tpu.memory_space<vmem>>)
        tpu.yield
      }) : () -> ()
      %mul3A_59 = arith.constant 200 : i32
      %mul3A_60 = arith.muli %add3A_18, %mul3A_59 : i32
      "tpu.region"() ({
        %run_scoped3A = tpu.sem_alloc : memref<!tpu.dma_semaphore, #tpu.memory_space<semaphore_mem>>
        %dma_start3A = arith.constant 0 : i32
        %dma_start3A_61 = tpu.memref_slice %arg10[%mul3A_60, %dma_start3A] : memref<10000x64xf32, #tpu.memory_space<vmem_shared>> -> memref<200x64xf32, #tpu.memory_space<vmem_shared>>
        %dma_start3A_62 = arith.constant 0 : i32
        %dma_start3A_63 = tpu.memref_slice %arg10[%mul3A_60, %dma_start3A_62] : memref<10000x64xf32, #tpu.memory_space<vmem_shared>> -> memref<200x64xf32, #tpu.memory_space<vmem_shared>>
        tpu.enqueue_dma source(%arg9 : memref<200x64xf32, #tpu.memory_space<vmem>>) target(%dma_start3A_63 : memref<200x64xf32, #tpu.memory_space<vmem_shared>>) target_semaphore(%run_scoped3A : memref<!tpu.dma_semaphore, #tpu.memory_space<semaphore_mem>>)
        %dma_wait3A = arith.constant 0 : i32
        %dma_wait3A_64 = tpu.memref_slice %arg10[%mul3A_60, %dma_wait3A] : memref<10000x64xf32, #tpu.memory_space<vmem_shared>> -> memref<200x64xf32, #tpu.memory_space<vmem_shared>>
        %dma_wait3A_65 = arith.constant 0 : i32
        %dma_wait3A_66 = tpu.memref_slice %arg10[%mul3A_60, %dma_wait3A_65] : memref<10000x64xf32, #tpu.memory_space<vmem_shared>> -> memref<200x64xf32, #tpu.memory_space<vmem_shared>>
        tpu.wait_dma2 semaphore(%run_scoped3A : memref<!tpu.dma_semaphore, #tpu.memory_space<semaphore_mem>>) src(%arg9 : memref<200x64xf32, #tpu.memory_space<vmem>>) dst(%dma_wait3A_66 : memref<200x64xf32, #tpu.memory_space<vmem_shared>>)
        tpu.yield
      }) : () -> ()
    } else {
    }
    %barrier3A = arith.constant 0 : index
    tpu.barrier barrier_id(%barrier3A)
    %scan3A = arith.constant 0 : i32
    %scan3A_24 = arith.constant 0 : i32
    %scan3A_25 = arith.constant 250 : i32
    %scan3A_26 = arith.addi %scan3A_24, %scan3A_25 : i32
    %scan3A_27 = arith.constant 1 : i32
    scf.for %scan3A_58 = %scan3A_24 to %scan3A_26 step %scan3A_27  : i32 {
      "tpu.region"() ({
        %run_scoped3A = tpu.sem_alloc : memref<!tpu.dma_semaphore, #tpu.memory_space<semaphore_mem>>
        %dma_start3A = arith.constant 0 : i32
        %dma_start3A_59 = tpu.memref_slice %arg6[%scan3A_58, %dma_start3A] : memref<250x80xi32, #tpu.memory_space<vmem>> -> memref<1x80xi32, #tpu.memory_space<vmem>>
        %dma_start3A_60 = tpu.memref_squeeze %dma_start3A_59 : memref<1x80xi32, #tpu.memory_space<vmem>> -> memref<80xi32, #tpu.memory_space<vmem>>
        %dma_start3A_61 = arith.constant 0 : i32
        %dma_start3A_62 = arith.constant 0 : i32
        %dma_start3A_63 = tpu.memref_slice %arg2[%arg0, %dma_start3A_61, %dma_start3A_62] : memref<2x10000x64xf32, #tpu.memory_space<hbm>> -> memref<1x10000x64xf32, #tpu.memory_space<hbm>>
        %dma_start3A_64 = tpu.memref_squeeze %dma_start3A_63 : memref<1x10000x64xf32, #tpu.memory_space<hbm>> -> memref<10000x64xf32, #tpu.memory_space<hbm>>
        %dma_start3A_65 = arith.constant 0 : i32
        %dma_start3A_66 = arith.constant 0 : i32
        %dma_start3A_67 = tpu.memref_slice %dma_start3A_64[%dma_start3A_65, %dma_start3A_66] : memref<10000x64xf32, #tpu.memory_space<hbm>> -> memref<10000x64xf32, #tpu.memory_space<hbm>>
        tpu.enqueue_indirect_dma source(%dma_start3A_67 : memref<10000x64xf32, #tpu.memory_space<hbm>>) target(%arg8 : memref<80x64xf32, #tpu.memory_space<vmem>>) offsets(%dma_start3A_60 : memref<80xi32, #tpu.memory_space<vmem>>) semaphore(%run_scoped3A : memref<!tpu.dma_semaphore, #tpu.memory_space<semaphore_mem>>)
        %dma_wait3A = arith.constant 0 : i32
        %dma_wait3A_68 = tpu.memref_slice %arg6[%scan3A_58, %dma_wait3A] : memref<250x80xi32, #tpu.memory_space<vmem>> -> memref<1x80xi32, #tpu.memory_space<vmem>>
        %dma_wait3A_69 = tpu.memref_squeeze %dma_wait3A_68 : memref<1x80xi32, #tpu.memory_space<vmem>> -> memref<80xi32, #tpu.memory_space<vmem>>
        %dma_wait3A_70 = arith.constant 0 : i32
        %dma_wait3A_71 = arith.constant 0 : i32
        %dma_wait3A_72 = tpu.memref_slice %arg2[%arg0, %dma_wait3A_70, %dma_wait3A_71] : memref<2x10000x64xf32, #tpu.memory_space<hbm>> -> memref<1x10000x64xf32, #tpu.memory_space<hbm>>
        %dma_wait3A_73 = tpu.memref_squeeze %dma_wait3A_72 : memref<1x10000x64xf32, #tpu.memory_space<hbm>> -> memref<10000x64xf32, #tpu.memory_space<hbm>>
        %dma_wait3A_74 = arith.constant 0 : i32
        %dma_wait3A_75 = arith.constant 0 : i32
        %dma_wait3A_76 = tpu.memref_slice %dma_wait3A_73[%dma_wait3A_74, %dma_wait3A_75] : memref<10000x64xf32, #tpu.memory_space<hbm>> -> memref<10000x64xf32, #tpu.memory_space<hbm>>
        tpu.wait_indirect_dma semaphore(%run_scoped3A : memref<!tpu.dma_semaphore, #tpu.memory_space<semaphore_mem>>) src(%dma_wait3A_76 : memref<10000x64xf32, #tpu.memory_space<hbm>>) dst(%arg8 : memref<80x64xf32, #tpu.memory_space<vmem>>)
        tpu.yield
      }) : () -> ()
      "tpu.region"() ({
        %run_scoped3A = tpu.sem_alloc : memref<!tpu.dma_semaphore, #tpu.memory_space<semaphore_mem>>
        %dma_start3A = arith.constant 0 : i32
        %dma_start3A_59 = tpu.memref_slice %arg7[%scan3A_58, %dma_start3A] : memref<250x80xi32, #tpu.memory_space<vmem>> -> memref<1x80xi32, #tpu.memory_space<vmem>>
        %dma_start3A_60 = tpu.memref_squeeze %dma_start3A_59 : memref<1x80xi32, #tpu.memory_space<vmem>> -> memref<80xi32, #tpu.memory_space<vmem>>
        %dma_start3A_61 = arith.constant 0 : i32
        %dma_start3A_62 = arith.constant 0 : i32
        %dma_start3A_63 = tpu.memref_slice %arg10[%dma_start3A_61, %dma_start3A_62] : memref<10000x64xf32, #tpu.memory_space<vmem_shared>> -> memref<10000x64xf32, #tpu.memory_space<vmem_shared>>
        tpu.enqueue_indirect_dma source(%arg8 : memref<80x64xf32, #tpu.memory_space<vmem>>) target(%dma_start3A_63 : memref<10000x64xf32, #tpu.memory_space<vmem_shared>>) offsets(%dma_start3A_60 : memref<80xi32, #tpu.memory_space<vmem>>) semaphore(%run_scoped3A : memref<!tpu.dma_semaphore, #tpu.memory_space<semaphore_mem>>) {add = true}
        %dma_wait3A = arith.constant 0 : i32
        %dma_wait3A_64 = tpu.memref_slice %arg7[%scan3A_58, %dma_wait3A] : memref<250x80xi32, #tpu.memory_space<vmem>> -> memref<1x80xi32, #tpu.memory_space<vmem>>
        %dma_wait3A_65 = tpu.memref_squeeze %dma_wait3A_64 : memref<1x80xi32, #tpu.memory_space<vmem>> -> memref<80xi32, #tpu.memory_space<vmem>>
        %dma_wait3A_66 = arith.constant 0 : i32
        %dma_wait3A_67 = arith.constant 0 : i32
        %dma_wait3A_68 = tpu.memref_slice %arg10[%dma_wait3A_66, %dma_wait3A_67] : memref<10000x64xf32, #tpu.memory_space<vmem_shared>> -> memref<10000x64xf32, #tpu.memory_space<vmem_shared>>
        tpu.wait_indirect_dma semaphore(%run_scoped3A : memref<!tpu.dma_semaphore, #tpu.memory_space<semaphore_mem>>) src(%arg8 : memref<80x64xf32, #tpu.memory_space<vmem>>) dst(%dma_wait3A_68 : memref<10000x64xf32, #tpu.memory_space<vmem_shared>>)
        tpu.yield
      }) : () -> ()
    }
    %scan3A_28 = arith.constant 250 : i32
    %barrier3A_29 = arith.constant 0 : index
    tpu.barrier barrier_id(%barrier3A_29)
    %add3A_30 = arith.constant 0 : i32
    %add3A_31 = arith.addi %arg1, %add3A_30 : i32
    %lt3A_32 = arith.constant 50 : i32
    %lt3A_33 = arith.cmpi slt, %add3A_31, %lt3A_32 : i32
    %convert_element_type3A_34 = arith.extui %lt3A_33 : i1 to i32
    %cond3A_35 = arith.constant 0 : i32
    %cond3A_36 = arith.cmpi ne, %convert_element_type3A_34, %cond3A_35 : i32
    scf.if %cond3A_36 {
      %mul3A = arith.constant 200 : i32
      %mul3A_58 = arith.muli %add3A_31, %mul3A : i32
      "tpu.region"() ({
        %run_scoped3A = tpu.sem_alloc : memref<!tpu.dma_semaphore, #tpu.memory_space<semaphore_mem>>
        %dma_start3A = arith.constant 0 : i32
        %dma_start3A_61 = tpu.memref_slice %arg10[%mul3A_58, %dma_start3A] : memref<10000x64xf32, #tpu.memory_space<vmem_shared>> -> memref<200x64xf32, #tpu.memory_space<vmem_shared>>
        %dma_start3A_62 = arith.constant 0 : i32
        %dma_start3A_63 = tpu.memref_slice %arg10[%mul3A_58, %dma_start3A_62] : memref<10000x64xf32, #tpu.memory_space<vmem_shared>> -> memref<200x64xf32, #tpu.memory_space<vmem_shared>>
        tpu.enqueue_dma source(%dma_start3A_63 : memref<200x64xf32, #tpu.memory_space<vmem_shared>>) target(%arg9 : memref<200x64xf32, #tpu.memory_space<vmem>>) target_semaphore(%run_scoped3A : memref<!tpu.dma_semaphore, #tpu.memory_space<semaphore_mem>>)
        %dma_wait3A = arith.constant 0 : i32
        %dma_wait3A_64 = tpu.memref_slice %arg10[%mul3A_58, %dma_wait3A] : memref<10000x64xf32, #tpu.memory_space<vmem_shared>> -> memref<200x64xf32, #tpu.memory_space<vmem_shared>>
        %dma_wait3A_65 = arith.constant 0 : i32
        %dma_wait3A_66 = tpu.memref_slice %arg10[%mul3A_58, %dma_wait3A_65] : memref<10000x64xf32, #tpu.memory_space<vmem_shared>> -> memref<200x64xf32, #tpu.memory_space<vmem_shared>>
        tpu.wait_dma2 semaphore(%run_scoped3A : memref<!tpu.dma_semaphore, #tpu.memory_space<semaphore_mem>>) src(%dma_wait3A_66 : memref<200x64xf32, #tpu.memory_space<vmem_shared>>) dst(%arg9 : memref<200x64xf32, #tpu.memory_space<vmem>>)
        tpu.yield
      }) : () -> ()
      %mul3A_59 = arith.constant 200 : i32
      %mul3A_60 = arith.muli %add3A_31, %mul3A_59 : i32
      "tpu.region"() ({
        %run_scoped3A = tpu.sem_alloc : memref<!tpu.dma_semaphore, #tpu.memory_space<semaphore_mem>>
        %dma_start3A = arith.constant 0 : i32
        %dma_start3A_61 = tpu.memref_slice %arg5[%arg0, %mul3A_60, %dma_start3A] : memref<2x10000x64xf32, #tpu.memory_space<hbm>> -> memref<1x200x64xf32, #tpu.memory_space<hbm>>
        %dma_start3A_62 = tpu.memref_squeeze %dma_start3A_61 : memref<1x200x64xf32, #tpu.memory_space<hbm>> -> memref<200x64xf32, #tpu.memory_space<hbm>>
        %dma_start3A_63 = arith.constant 0 : i32
        %dma_start3A_64 = tpu.memref_slice %arg5[%arg0, %mul3A_60, %dma_start3A_63] : memref<2x10000x64xf32, #tpu.memory_space<hbm>> -> memref<1x200x64xf32, #tpu.memory_space<hbm>>
        %dma_start3A_65 = tpu.memref_squeeze %dma_start3A_64 : memref<1x200x64xf32, #tpu.memory_space<hbm>> -> memref<200x64xf32, #tpu.memory_space<hbm>>
        tpu.enqueue_dma source(%arg9 : memref<200x64xf32, #tpu.memory_space<vmem>>) target(%dma_start3A_65 : memref<200x64xf32, #tpu.memory_space<hbm>>) target_semaphore(%run_scoped3A : memref<!tpu.dma_semaphore, #tpu.memory_space<semaphore_mem>>)
        %dma_wait3A = arith.constant 0 : i32
        %dma_wait3A_66 = tpu.memref_slice %arg5[%arg0, %mul3A_60, %dma_wait3A] : memref<2x10000x64xf32, #tpu.memory_space<hbm>> -> memref<1x200x64xf32, #tpu.memory_space<hbm>>
        %dma_wait3A_67 = tpu.memref_squeeze %dma_wait3A_66 : memref<1x200x64xf32, #tpu.memory_space<hbm>> -> memref<200x64xf32, #tpu.memory_space<hbm>>
        %dma_wait3A_68 = arith.constant 0 : i32
        %dma_wait3A_69 = tpu.memref_slice %arg5[%arg0, %mul3A_60, %dma_wait3A_68] : memref<2x10000x64xf32, #tpu.memory_space<hbm>> -> memref<1x200x64xf32, #tpu.memory_space<hbm>>
        %dma_wait3A_70 = tpu.memref_squeeze %dma_wait3A_69 : memref<1x200x64xf32, #tpu.memory_space<hbm>> -> memref<200x64xf32, #tpu.memory_space<hbm>>
        tpu.wait_dma2 semaphore(%run_scoped3A : memref<!tpu.dma_semaphore, #tpu.memory_space<semaphore_mem>>) src(%arg9 : memref<200x64xf32, #tpu.memory_space<vmem>>) dst(%dma_wait3A_70 : memref<200x64xf32, #tpu.memory_space<hbm>>)
        tpu.yield
      }) : () -> ()
    } else {
    }
    %add3A_37 = arith.constant 16 : i32
    %add3A_38 = arith.addi %arg1, %add3A_37 : i32
    %lt3A_39 = arith.constant 50 : i32
    %lt3A_40 = arith.cmpi slt, %add3A_38, %lt3A_39 : i32
    %convert_element_type3A_41 = arith.extui %lt3A_40 : i1 to i32
    %cond3A_42 = arith.constant 0 : i32
    %cond3A_43 = arith.cmpi ne, %convert_element_type3A_41, %cond3A_42 : i32
    scf.if %cond3A_43 {
      %mul3A = arith.constant 200 : i32
      %mul3A_58 = arith.muli %add3A_38, %mul3A : i32
      "tpu.region"() ({
        %run_scoped3A = tpu.sem_alloc : memref<!tpu.dma_semaphore, #tpu.memory_space<semaphore_mem>>
        %dma_start3A = arith.constant 0 : i32
        %dma_start3A_61 = tpu.memref_slice %arg10[%mul3A_58, %dma_start3A] : memref<10000x64xf32, #tpu.memory_space<vmem_shared>> -> memref<200x64xf32, #tpu.memory_space<vmem_shared>>
        %dma_start3A_62 = arith.constant 0 : i32
        %dma_start3A_63 = tpu.memref_slice %arg10[%mul3A_58, %dma_start3A_62] : memref<10000x64xf32, #tpu.memory_space<vmem_shared>> -> memref<200x64xf32, #tpu.memory_space<vmem_shared>>
        tpu.enqueue_dma source(%dma_start3A_63 : memref<200x64xf32, #tpu.memory_space<vmem_shared>>) target(%arg9 : memref<200x64xf32, #tpu.memory_space<vmem>>) target_semaphore(%run_scoped3A : memref<!tpu.dma_semaphore, #tpu.memory_space<semaphore_mem>>)
        %dma_wait3A = arith.constant 0 : i32
        %dma_wait3A_64 = tpu.memref_slice %arg10[%mul3A_58, %dma_wait3A] : memref<10000x64xf32, #tpu.memory_space<vmem_shared>> -> memref<200x64xf32, #tpu.memory_space<vmem_shared>>
        %dma_wait3A_65 = arith.constant 0 : i32
        %dma_wait3A_66 = tpu.memref_slice %arg10[%mul3A_58, %dma_wait3A_65] : memref<10000x64xf32, #tpu.memory_space<vmem_shared>> -> memref<200x64xf32, #tpu.memory_space<vmem_shared>>
        tpu.wait_dma2 semaphore(%run_scoped3A : memref<!tpu.dma_semaphore, #tpu.memory_space<semaphore_mem>>) src(%dma_wait3A_66 : memref<200x64xf32, #tpu.memory_space<vmem_shared>>) dst(%arg9 : memref<200x64xf32, #tpu.memory_space<vmem>>)
        tpu.yield
      }) : () -> ()
      %mul3A_59 = arith.constant 200 : i32
      %mul3A_60 = arith.muli %add3A_38, %mul3A_59 : i32
      "tpu.region"() ({
        %run_scoped3A = tpu.sem_alloc : memref<!tpu.dma_semaphore, #tpu.memory_space<semaphore_mem>>
        %dma_start3A = arith.constant 0 : i32
        %dma_start3A_61 = tpu.memref_slice %arg5[%arg0, %mul3A_60, %dma_start3A] : memref<2x10000x64xf32, #tpu.memory_space<hbm>> -> memref<1x200x64xf32, #tpu.memory_space<hbm>>
        %dma_start3A_62 = tpu.memref_squeeze %dma_start3A_61 : memref<1x200x64xf32, #tpu.memory_space<hbm>> -> memref<200x64xf32, #tpu.memory_space<hbm>>
        %dma_start3A_63 = arith.constant 0 : i32
        %dma_start3A_64 = tpu.memref_slice %arg5[%arg0, %mul3A_60, %dma_start3A_63] : memref<2x10000x64xf32, #tpu.memory_space<hbm>> -> memref<1x200x64xf32, #tpu.memory_space<hbm>>
        %dma_start3A_65 = tpu.memref_squeeze %dma_start3A_64 : memref<1x200x64xf32, #tpu.memory_space<hbm>> -> memref<200x64xf32, #tpu.memory_space<hbm>>
        tpu.enqueue_dma source(%arg9 : memref<200x64xf32, #tpu.memory_space<vmem>>) target(%dma_start3A_65 : memref<200x64xf32, #tpu.memory_space<hbm>>) target_semaphore(%run_scoped3A : memref<!tpu.dma_semaphore, #tpu.memory_space<semaphore_mem>>)
        %dma_wait3A = arith.constant 0 : i32
        %dma_wait3A_66 = tpu.memref_slice %arg5[%arg0, %mul3A_60, %dma_wait3A] : memref<2x10000x64xf32, #tpu.memory_space<hbm>> -> memref<1x200x64xf32, #tpu.memory_space<hbm>>
        %dma_wait3A_67 = tpu.memref_squeeze %dma_wait3A_66 : memref<1x200x64xf32, #tpu.memory_space<hbm>> -> memref<200x64xf32, #tpu.memory_space<hbm>>
        %dma_wait3A_68 = arith.constant 0 : i32
        %dma_wait3A_69 = tpu.memref_slice %arg5[%arg0, %mul3A_60, %dma_wait3A_68] : memref<2x10000x64xf32, #tpu.memory_space<hbm>> -> memref<1x200x64xf32, #tpu.memory_space<hbm>>
        %dma_wait3A_70 = tpu.memref_squeeze %dma_wait3A_69 : memref<1x200x64xf32, #tpu.memory_space<hbm>> -> memref<200x64xf32, #tpu.memory_space<hbm>>
        tpu.wait_dma2 semaphore(%run_scoped3A : memref<!tpu.dma_semaphore, #tpu.memory_space<semaphore_mem>>) src(%arg9 : memref<200x64xf32, #tpu.memory_space<vmem>>) dst(%dma_wait3A_70 : memref<200x64xf32, #tpu.memory_space<hbm>>)
        tpu.yield
      }) : () -> ()
    } else {
    }
    %add3A_44 = arith.constant 32 : i32
    %add3A_45 = arith.addi %arg1, %add3A_44 : i32
    %lt3A_46 = arith.constant 50 : i32
    %lt3A_47 = arith.cmpi slt, %add3A_45, %lt3A_46 : i32
    %convert_element_type3A_48 = arith.extui %lt3A_47 : i1 to i32
    %cond3A_49 = arith.constant 0 : i32
    %cond3A_50 = arith.cmpi ne, %convert_element_type3A_48, %cond3A_49 : i32
    scf.if %cond3A_50 {
      %mul3A = arith.constant 200 : i32
      %mul3A_58 = arith.muli %add3A_45, %mul3A : i32
      "tpu.region"() ({
        %run_scoped3A = tpu.sem_alloc : memref<!tpu.dma_semaphore, #tpu.memory_space<semaphore_mem>>
        %dma_start3A = arith.constant 0 : i32
        %dma_start3A_61 = tpu.memref_slice %arg10[%mul3A_58, %dma_start3A] : memref<10000x64xf32, #tpu.memory_space<vmem_shared>> -> memref<200x64xf32, #tpu.memory_space<vmem_shared>>
        %dma_start3A_62 = arith.constant 0 : i32
        %dma_start3A_63 = tpu.memref_slice %arg10[%mul3A_58, %dma_start3A_62] : memref<10000x64xf32, #tpu.memory_space<vmem_shared>> -> memref<200x64xf32, #tpu.memory_space<vmem_shared>>
        tpu.enqueue_dma source(%dma_start3A_63 : memref<200x64xf32, #tpu.memory_space<vmem_shared>>) target(%arg9 : memref<200x64xf32, #tpu.memory_space<vmem>>) target_semaphore(%run_scoped3A : memref<!tpu.dma_semaphore, #tpu.memory_space<semaphore_mem>>)
        %dma_wait3A = arith.constant 0 : i32
        %dma_wait3A_64 = tpu.memref_slice %arg10[%mul3A_58, %dma_wait3A] : memref<10000x64xf32, #tpu.memory_space<vmem_shared>> -> memref<200x64xf32, #tpu.memory_space<vmem_shared>>
        %dma_wait3A_65 = arith.constant 0 : i32
        %dma_wait3A_66 = tpu.memref_slice %arg10[%mul3A_58, %dma_wait3A_65] : memref<10000x64xf32, #tpu.memory_space<vmem_shared>> -> memref<200x64xf32, #tpu.memory_space<vmem_shared>>
        tpu.wait_dma2 semaphore(%run_scoped3A : memref<!tpu.dma_semaphore, #tpu.memory_space<semaphore_mem>>) src(%dma_wait3A_66 : memref<200x64xf32, #tpu.memory_space<vmem_shared>>) dst(%arg9 : memref<200x64xf32, #tpu.memory_space<vmem>>)
        tpu.yield
      }) : () -> ()
      %mul3A_59 = arith.constant 200 : i32
      %mul3A_60 = arith.muli %add3A_45, %mul3A_59 : i32
      "tpu.region"() ({
        %run_scoped3A = tpu.sem_alloc : memref<!tpu.dma_semaphore, #tpu.memory_space<semaphore_mem>>
        %dma_start3A = arith.constant 0 : i32
        %dma_start3A_61 = tpu.memref_slice %arg5[%arg0, %mul3A_60, %dma_start3A] : memref<2x10000x64xf32, #tpu.memory_space<hbm>> -> memref<1x200x64xf32, #tpu.memory_space<hbm>>
        %dma_start3A_62 = tpu.memref_squeeze %dma_start3A_61 : memref<1x200x64xf32, #tpu.memory_space<hbm>> -> memref<200x64xf32, #tpu.memory_space<hbm>>
        %dma_start3A_63 = arith.constant 0 : i32
        %dma_start3A_64 = tpu.memref_slice %arg5[%arg0, %mul3A_60, %dma_start3A_63] : memref<2x10000x64xf32, #tpu.memory_space<hbm>> -> memref<1x200x64xf32, #tpu.memory_space<hbm>>
        %dma_start3A_65 = tpu.memref_squeeze %dma_start3A_64 : memref<1x200x64xf32, #tpu.memory_space<hbm>> -> memref<200x64xf32, #tpu.memory_space<hbm>>
        tpu.enqueue_dma source(%arg9 : memref<200x64xf32, #tpu.memory_space<vmem>>) target(%dma_start3A_65 : memref<200x64xf32, #tpu.memory_space<hbm>>) target_semaphore(%run_scoped3A : memref<!tpu.dma_semaphore, #tpu.memory_space<semaphore_mem>>)
        %dma_wait3A = arith.constant 0 : i32
        %dma_wait3A_66 = tpu.memref_slice %arg5[%arg0, %mul3A_60, %dma_wait3A] : memref<2x10000x64xf32, #tpu.memory_space<hbm>> -> memref<1x200x64xf32, #tpu.memory_space<hbm>>
        %dma_wait3A_67 = tpu.memref_squeeze %dma_wait3A_66 : memref<1x200x64xf32, #tpu.memory_space<hbm>> -> memref<200x64xf32, #tpu.memory_space<hbm>>
        %dma_wait3A_68 = arith.constant 0 : i32
        %dma_wait3A_69 = tpu.memref_slice %arg5[%arg0, %mul3A_60, %dma_wait3A_68] : memref<2x10000x64xf32, #tpu.memory_space<hbm>> -> memref<1x200x64xf32, #tpu.memory_space<hbm>>
        %dma_wait3A_70 = tpu.memref_squeeze %dma_wait3A_69 : memref<1x200x64xf32, #tpu.memory_space<hbm>> -> memref<200x64xf32, #tpu.memory_space<hbm>>
        tpu.wait_dma2 semaphore(%run_scoped3A : memref<!tpu.dma_semaphore, #tpu.memory_space<semaphore_mem>>) src(%arg9 : memref<200x64xf32, #tpu.memory_space<vmem>>) dst(%dma_wait3A_70 : memref<200x64xf32, #tpu.memory_space<hbm>>)
        tpu.yield
      }) : () -> ()
    } else {
    }
    %add3A_51 = arith.constant 48 : i32
    %add3A_52 = arith.addi %arg1, %add3A_51 : i32
    %lt3A_53 = arith.constant 50 : i32
    %lt3A_54 = arith.cmpi slt, %add3A_52, %lt3A_53 : i32
    %convert_element_type3A_55 = arith.extui %lt3A_54 : i1 to i32
    %cond3A_56 = arith.constant 0 : i32
    %cond3A_57 = arith.cmpi ne, %convert_element_type3A_55, %cond3A_56 : i32
    scf.if %cond3A_57 {
      %mul3A = arith.constant 200 : i32
      %mul3A_58 = arith.muli %add3A_52, %mul3A : i32
      "tpu.region"() ({
        %run_scoped3A = tpu.sem_alloc : memref<!tpu.dma_semaphore, #tpu.memory_space<semaphore_mem>>
        %dma_start3A = arith.constant 0 : i32
        %dma_start3A_61 = tpu.memref_slice %arg10[%mul3A_58, %dma_start3A] : memref<10000x64xf32, #tpu.memory_space<vmem_shared>> -> memref<200x64xf32, #tpu.memory_space<vmem_shared>>
        %dma_start3A_62 = arith.constant 0 : i32
        %dma_start3A_63 = tpu.memref_slice %arg10[%mul3A_58, %dma_start3A_62] : memref<10000x64xf32, #tpu.memory_space<vmem_shared>> -> memref<200x64xf32, #tpu.memory_space<vmem_shared>>
        tpu.enqueue_dma source(%dma_start3A_63 : memref<200x64xf32, #tpu.memory_space<vmem_shared>>) target(%arg9 : memref<200x64xf32, #tpu.memory_space<vmem>>) target_semaphore(%run_scoped3A : memref<!tpu.dma_semaphore, #tpu.memory_space<semaphore_mem>>)
        %dma_wait3A = arith.constant 0 : i32
        %dma_wait3A_64 = tpu.memref_slice %arg10[%mul3A_58, %dma_wait3A] : memref<10000x64xf32, #tpu.memory_space<vmem_shared>> -> memref<200x64xf32, #tpu.memory_space<vmem_shared>>
        %dma_wait3A_65 = arith.constant 0 : i32
        %dma_wait3A_66 = tpu.memref_slice %arg10[%mul3A_58, %dma_wait3A_65] : memref<10000x64xf32, #tpu.memory_space<vmem_shared>> -> memref<200x64xf32, #tpu.memory_space<vmem_shared>>
        tpu.wait_dma2 semaphore(%run_scoped3A : memref<!tpu.dma_semaphore, #tpu.memory_space<semaphore_mem>>) src(%dma_wait3A_66 : memref<200x64xf32, #tpu.memory_space<vmem_shared>>) dst(%arg9 : memref<200x64xf32, #tpu.memory_space<vmem>>)
        tpu.yield
      }) : () -> ()
      %mul3A_59 = arith.constant 200 : i32
      %mul3A_60 = arith.muli %add3A_52, %mul3A_59 : i32
      "tpu.region"() ({
        %run_scoped3A = tpu.sem_alloc : memref<!tpu.dma_semaphore, #tpu.memory_space<semaphore_mem>>
        %dma_start3A = arith.constant 0 : i32
        %dma_start3A_61 = tpu.memref_slice %arg5[%arg0, %mul3A_60, %dma_start3A] : memref<2x10000x64xf32, #tpu.memory_space<hbm>> -> memref<1x200x64xf32, #tpu.memory_space<hbm>>
        %dma_start3A_62 = tpu.memref_squeeze %dma_start3A_61 : memref<1x200x64xf32, #tpu.memory_space<hbm>> -> memref<200x64xf32, #tpu.memory_space<hbm>>
        %dma_start3A_63 = arith.constant 0 : i32
        %dma_start3A_64 = tpu.memref_slice %arg5[%arg0, %mul3A_60, %dma_start3A_63] : memref<2x10000x64xf32, #tpu.memory_space<hbm>> -> memref<1x200x64xf32, #tpu.memory_space<hbm>>
        %dma_start3A_65 = tpu.memref_squeeze %dma_start3A_64 : memref<1x200x64xf32, #tpu.memory_space<hbm>> -> memref<200x64xf32, #tpu.memory_space<hbm>>
        tpu.enqueue_dma source(%arg9 : memref<200x64xf32, #tpu.memory_space<vmem>>) target(%dma_start3A_65 : memref<200x64xf32, #tpu.memory_space<hbm>>) target_semaphore(%run_scoped3A : memref<!tpu.dma_semaphore, #tpu.memory_space<semaphore_mem>>)
        %dma_wait3A = arith.constant 0 : i32
        %dma_wait3A_66 = tpu.memref_slice %arg5[%arg0, %mul3A_60, %dma_wait3A] : memref<2x10000x64xf32, #tpu.memory_space<hbm>> -> memref<1x200x64xf32, #tpu.memory_space<hbm>>
        %dma_wait3A_67 = tpu.memref_squeeze %dma_wait3A_66 : memref<1x200x64xf32, #tpu.memory_space<hbm>> -> memref<200x64xf32, #tpu.memory_space<hbm>>
        %dma_wait3A_68 = arith.constant 0 : i32
        %dma_wait3A_69 = tpu.memref_slice %arg5[%arg0, %mul3A_60, %dma_wait3A_68] : memref<2x10000x64xf32, #tpu.memory_space<hbm>> -> memref<1x200x64xf32, #tpu.memory_space<hbm>>
        %dma_wait3A_70 = tpu.memref_squeeze %dma_wait3A_69 : memref<1x200x64xf32, #tpu.memory_space<hbm>> -> memref<200x64xf32, #tpu.memory_space<hbm>>
        tpu.wait_dma2 semaphore(%run_scoped3A : memref<!tpu.dma_semaphore, #tpu.memory_space<semaphore_mem>>) src(%arg9 : memref<200x64xf32, #tpu.memory_space<vmem>>) dst(%dma_wait3A_70 : memref<200x64xf32, #tpu.memory_space<hbm>>)
        tpu.yield
      }) : () -> ()
    } else {
    }
    return
  }
}

module attributes {stable_mosaic.version = 14 : i64} {
  func.func @_tc_scale_body(%arg0: memref<2x10000x16xf32, #tpu.memory_space<vmem>>, %arg1: memref<10000x128xf32, #tpu.memory_space<vmem>>, %arg2: memref<2x10000x64xf32, #tpu.memory_space<vmem>>, %arg3: memref<10000x1xf32, #tpu.memory_space<vmem>>) attributes {dimension_semantics = [], scalar_prefetch = 0 : i64, scratch_operands = 0 : i64, tpu.core_type = #tpu.core_type<tc>} {
    %get3A = arith.constant 0 : index
    %get3A_0 = arith.constant 0 : index
    %get3A_1 = arith.constant 0 : index
    %get3A_2 = vector.load %arg0[%get3A, %get3A_0, %get3A_1] : memref<2x10000x16xf32, #tpu.memory_space<vmem>>, vector<1x10000x1xf32>
    %get3A_3 = vector.shape_cast %get3A_2 : vector<1x10000x1xf32> to vector<10000x1xf32>
    %get3A_4 = arith.constant 1 : index
    %get3A_5 = arith.constant 0 : index
    %get3A_6 = arith.constant 0 : index
    %get3A_7 = vector.load %arg0[%get3A_4, %get3A_5, %get3A_6] : memref<2x10000x16xf32, #tpu.memory_space<vmem>>, vector<1x10000x1xf32>
    %get3A_8 = vector.shape_cast %get3A_7 : vector<1x10000x1xf32> to vector<10000x1xf32>
    %add3A = arith.addf %get3A_3, %get3A_8 : vector<10000x1xf32>
    %sub3A = arith.constant 1.000000e+00 : f32
    %sub3A_9 = vector.broadcast %sub3A : f32 to vector<10000x1xf32>
    %sub3A_10 = arith.subf %add3A, %sub3A_9 : vector<10000x1xf32>
    %rsqrt3A = math.rsqrt %sub3A_10 : vector<10000x1xf32>
    %swap3A = arith.constant 0 : index
    %swap3A_11 = arith.constant 0 : index
    %swap3A_12 = vector.load %arg3[%swap3A, %swap3A_11] : memref<10000x1xf32, #tpu.memory_space<vmem>>, vector<10000x1xf32>
    tpu.vector_store %arg3[%swap3A, %swap3A_11], %rsqrt3A {strides = array<i32>} : memref<10000x1xf32, #tpu.memory_space<vmem>>, vector<10000x1xf32>,
    %get3A_13 = arith.constant 0 : index
    %get3A_14 = arith.constant 0 : index
    %get3A_15 = vector.load %arg1[%get3A_13, %get3A_14] : memref<10000x128xf32, #tpu.memory_space<vmem>>, vector<10000x128xf32>
    %mul3A = vector.broadcast %rsqrt3A : vector<10000x1xf32> to vector<10000x128xf32>
    %mul3A_16 = arith.mulf %get3A_15, %mul3A : vector<10000x128xf32>
    %slice3A = vector.extract_strided_slice %mul3A_16 {offsets = [0, 0], sizes = [10000, 64], strides = [1, 1]} : vector<10000x128xf32> to vector<10000x64xf32>
    %swap3A_17 = arith.constant 0 : index
    %swap3A_18 = arith.constant 0 : index
    %swap3A_19 = arith.constant 0 : index
    %swap3A_20 = vector.load %arg2[%swap3A_17, %swap3A_18, %swap3A_19] : memref<2x10000x64xf32, #tpu.memory_space<vmem>>, vector<1x10000x64xf32>
    %swap3A_21 = vector.shape_cast %swap3A_20 : vector<1x10000x64xf32> to vector<10000x64xf32>
    %swap3A_22 = vector.shape_cast %slice3A : vector<10000x64xf32> to vector<1x10000x64xf32>
    tpu.vector_store %arg2[%swap3A_17, %swap3A_18, %swap3A_19], %swap3A_22 {strides = array<i32>} : memref<2x10000x64xf32, #tpu.memory_space<vmem>>, vector<1x10000x64xf32>,
    %slice3A_23 = vector.extract_strided_slice %mul3A_16 {offsets = [0, 64], sizes = [10000, 64], strides = [1, 1]} : vector<10000x128xf32> to vector<10000x64xf32>
    %swap3A_24 = arith.constant 1 : index
    %swap3A_25 = arith.constant 0 : index
    %swap3A_26 = arith.constant 0 : index
    %swap3A_27 = vector.load %arg2[%swap3A_24, %swap3A_25, %swap3A_26] : memref<2x10000x64xf32, #tpu.memory_space<vmem>>, vector<1x10000x64xf32>
    %swap3A_28 = vector.shape_cast %swap3A_27 : vector<1x10000x64xf32> to vector<10000x64xf32>
    %swap3A_29 = vector.shape_cast %slice3A_23 : vector<10000x64xf32> to vector<1x10000x64xf32>
    tpu.vector_store %arg2[%swap3A_24, %swap3A_25, %swap3A_26], %swap3A_29 {strides = array<i32>} : memref<2x10000x64xf32, #tpu.memory_space<vmem>>, vector<1x10000x64xf32>,
    return
  }
}

module attributes {stable_mosaic.version = 14 : i64} {
  func.func @_tc_first_body(%arg0: memref<10000x128xf32, #tpu.memory_space<vmem>>, %arg1: memref<128x128xf32, #tpu.memory_space<vmem>>, %arg2: memref<10000x128xf32, #tpu.memory_space<vmem>>) attributes {dimension_semantics = [], scalar_prefetch = 0 : i64, scratch_operands = 0 : i64, tpu.core_type = #tpu.core_type<tc>} {
    %get3A = arith.constant 0 : index
    %get3A_0 = arith.constant 0 : index
    %get3A_1 = vector.load %arg0[%get3A, %get3A_0] : memref<10000x128xf32, #tpu.memory_space<vmem>>, vector<10000x128xf32>
    %get3A_2 = arith.constant 0 : index
    %get3A_3 = arith.constant 0 : index
    %get3A_4 = vector.load %arg1[%get3A_2, %get3A_3] : memref<128x128xf32, #tpu.memory_space<vmem>>, vector<128x128xf32>
    %dot_general3A = arith.constant dense<0.000000e+00> : vector<10000x128xf32>
    %dot_general3A_5 = tpu.matmul %get3A_1, %get3A_4, %dot_general3A {dimension_numbers = #tpu.dot_dimension_numbers<[1], [0], [0], [1], [0, 0, 1, 1], [], []>, transpose_lhs_hint = false} : vector<10000x128xf32>, vector<128x128xf32>, vector<10000x128xf32> -> vector<10000x128xf32>
    %swap3A = arith.constant 0 : index
    %swap3A_6 = arith.constant 0 : index
    %swap3A_7 = vector.load %arg2[%swap3A, %swap3A_6] : memref<10000x128xf32, #tpu.memory_space<vmem>>, vector<10000x128xf32>
    tpu.vector_store %arg2[%swap3A, %swap3A_6], %dot_general3A_5 {strides = array<i32>} : memref<10000x128xf32, #tpu.memory_space<vmem>>, vector<10000x128xf32>,
    return
  }
}

module attributes {stable_mosaic.version = 14 : i64} {
  func.func @_tc_mid_body(%arg0: memref<2x10000x64xf32, #tpu.memory_space<vmem>>, %arg1: memref<10000x1xf32, #tpu.memory_space<vmem>>, %arg2: memref<1x128xf32, #tpu.memory_space<vmem>>, %arg3: memref<128x128xf32, #tpu.memory_space<vmem>>, %arg4: memref<2x10000x64xf32, #tpu.memory_space<vmem>>) attributes {dimension_semantics = [], scalar_prefetch = 0 : i64, scratch_operands = 0 : i64, tpu.core_type = #tpu.core_type<tc>} {
    %get3A = arith.constant 0 : index
    %get3A_0 = arith.constant 0 : index
    %get3A_1 = vector.load %arg1[%get3A, %get3A_0] : memref<10000x1xf32, #tpu.memory_space<vmem>>, vector<10000x1xf32>
    %get3A_2 = arith.constant 0 : index
    %get3A_3 = arith.constant 0 : index
    %get3A_4 = arith.constant 0 : index
    %get3A_5 = vector.load %arg0[%get3A_2, %get3A_3, %get3A_4] : memref<2x10000x64xf32, #tpu.memory_space<vmem>>, vector<1x10000x64xf32>
    %get3A_6 = vector.shape_cast %get3A_5 : vector<1x10000x64xf32> to vector<10000x64xf32>
    %get3A_7 = arith.constant 1 : index
    %get3A_8 = arith.constant 0 : index
    %get3A_9 = arith.constant 0 : index
    %get3A_10 = vector.load %arg0[%get3A_7, %get3A_8, %get3A_9] : memref<2x10000x64xf32, #tpu.memory_space<vmem>>, vector<1x10000x64xf32>
    %get3A_11 = vector.shape_cast %get3A_10 : vector<1x10000x64xf32> to vector<10000x64xf32>
    %concatenate3A = tpu.concatenate %get3A_6, %get3A_11 in 1 : vector<10000x64xf32>, vector<10000x64xf32> -> vector<10000x128xf32>
    %mul3A = vector.broadcast %get3A_1 : vector<10000x1xf32> to vector<10000x128xf32>
    %mul3A_12 = arith.mulf %concatenate3A, %mul3A : vector<10000x128xf32>
    %get3A_13 = arith.constant 0 : index
    %get3A_14 = arith.constant 0 : index
    %get3A_15 = vector.load %arg2[%get3A_13, %get3A_14] : memref<1x128xf32, #tpu.memory_space<vmem>>, vector<1x128xf32>
    %add3A = vector.broadcast %get3A_15 : vector<1x128xf32> to vector<10000x128xf32>
    %add3A_16 = arith.addf %mul3A_12, %add3A : vector<10000x128xf32>
    %max3A = arith.constant 0.000000e+00 : f32
    %max3A_17 = vector.broadcast %max3A : f32 to vector<10000x128xf32>
    %max3A_18 = arith.maximumf %add3A_16, %max3A_17 : vector<10000x128xf32>
    %get3A_19 = arith.constant 0 : index
    %get3A_20 = arith.constant 0 : index
    %get3A_21 = vector.load %arg3[%get3A_19, %get3A_20] : memref<128x128xf32, #tpu.memory_space<vmem>>, vector<128x128xf32>
    %dot_general3A = arith.constant dense<0.000000e+00> : vector<10000x128xf32>
    %dot_general3A_22 = tpu.matmul %max3A_18, %get3A_21, %dot_general3A {dimension_numbers = #tpu.dot_dimension_numbers<[1], [0], [0], [1], [0, 0, 1, 1], [], []>, transpose_lhs_hint = false} : vector<10000x128xf32>, vector<128x128xf32>, vector<10000x128xf32> -> vector<10000x128xf32>
    %mul3A_23 = vector.broadcast %get3A_1 : vector<10000x1xf32> to vector<10000x128xf32>
    %mul3A_24 = arith.mulf %dot_general3A_22, %mul3A_23 : vector<10000x128xf32>
    %slice3A = vector.extract_strided_slice %mul3A_24 {offsets = [0, 0], sizes = [10000, 64], strides = [1, 1]} : vector<10000x128xf32> to vector<10000x64xf32>
    %swap3A = arith.constant 0 : index
    %swap3A_25 = arith.constant 0 : index
    %swap3A_26 = arith.constant 0 : index
    %swap3A_27 = vector.load %arg4[%swap3A, %swap3A_25, %swap3A_26] : memref<2x10000x64xf32, #tpu.memory_space<vmem>>, vector<1x10000x64xf32>
    %swap3A_28 = vector.shape_cast %swap3A_27 : vector<1x10000x64xf32> to vector<10000x64xf32>
    %swap3A_29 = vector.shape_cast %slice3A : vector<10000x64xf32> to vector<1x10000x64xf32>
    tpu.vector_store %arg4[%swap3A, %swap3A_25, %swap3A_26], %swap3A_29 {strides = array<i32>} : memref<2x10000x64xf32, #tpu.memory_space<vmem>>, vector<1x10000x64xf32>,
    %slice3A_30 = vector.extract_strided_slice %mul3A_24 {offsets = [0, 64], sizes = [10000, 64], strides = [1, 1]} : vector<10000x128xf32> to vector<10000x64xf32>
    %swap3A_31 = arith.constant 1 : index
    %swap3A_32 = arith.constant 0 : index
    %swap3A_33 = arith.constant 0 : index
    %swap3A_34 = vector.load %arg4[%swap3A_31, %swap3A_32, %swap3A_33] : memref<2x10000x64xf32, #tpu.memory_space<vmem>>, vector<1x10000x64xf32>
    %swap3A_35 = vector.shape_cast %swap3A_34 : vector<1x10000x64xf32> to vector<10000x64xf32>
    %swap3A_36 = vector.shape_cast %slice3A_30 : vector<10000x64xf32> to vector<1x10000x64xf32>
    tpu.vector_store %arg4[%swap3A_31, %swap3A_32, %swap3A_33], %swap3A_36 {strides = array<i32>} : memref<2x10000x64xf32, #tpu.memory_space<vmem>>, vector<1x10000x64xf32>,
    return
  }
}

module attributes {stable_mosaic.version = 14 : i64} {
  func.func @_tc_last_body(%arg0: memref<2x10000x64xf32, #tpu.memory_space<vmem>>, %arg1: memref<10000x1xf32, #tpu.memory_space<vmem>>, %arg2: memref<1x128xf32, #tpu.memory_space<vmem>>, %arg3: memref<128x1xf32, #tpu.memory_space<vmem>>, %arg4: memref<1x1xf32, #tpu.memory_space<vmem>>, %arg5: memref<10000x1xf32, #tpu.memory_space<vmem>>) attributes {dimension_semantics = [], scalar_prefetch = 0 : i64, scratch_operands = 0 : i64, tpu.core_type = #tpu.core_type<tc>} {
    %get3A = arith.constant 0 : index
    %get3A_0 = arith.constant 0 : index
    %get3A_1 = arith.constant 0 : index
    %get3A_2 = vector.load %arg0[%get3A, %get3A_0, %get3A_1] : memref<2x10000x64xf32, #tpu.memory_space<vmem>>, vector<1x10000x64xf32>
    %get3A_3 = vector.shape_cast %get3A_2 : vector<1x10000x64xf32> to vector<10000x64xf32>
    %get3A_4 = arith.constant 1 : index
    %get3A_5 = arith.constant 0 : index
    %get3A_6 = arith.constant 0 : index
    %get3A_7 = vector.load %arg0[%get3A_4, %get3A_5, %get3A_6] : memref<2x10000x64xf32, #tpu.memory_space<vmem>>, vector<1x10000x64xf32>
    %get3A_8 = vector.shape_cast %get3A_7 : vector<1x10000x64xf32> to vector<10000x64xf32>
    %concatenate3A = tpu.concatenate %get3A_3, %get3A_8 in 1 : vector<10000x64xf32>, vector<10000x64xf32> -> vector<10000x128xf32>
    %get3A_9 = arith.constant 0 : index
    %get3A_10 = arith.constant 0 : index
    %get3A_11 = vector.load %arg1[%get3A_9, %get3A_10] : memref<10000x1xf32, #tpu.memory_space<vmem>>, vector<10000x1xf32>
    %mul3A = vector.broadcast %get3A_11 : vector<10000x1xf32> to vector<10000x128xf32>
    %mul3A_12 = arith.mulf %concatenate3A, %mul3A : vector<10000x128xf32>
    %get3A_13 = arith.constant 0 : index
    %get3A_14 = arith.constant 0 : index
    %get3A_15 = vector.load %arg2[%get3A_13, %get3A_14] : memref<1x128xf32, #tpu.memory_space<vmem>>, vector<1x128xf32>
    %add3A = vector.broadcast %get3A_15 : vector<1x128xf32> to vector<10000x128xf32>
    %add3A_16 = arith.addf %mul3A_12, %add3A : vector<10000x128xf32>
    %max3A = arith.constant 0.000000e+00 : f32
    %max3A_17 = vector.broadcast %max3A : f32 to vector<10000x128xf32>
    %max3A_18 = arith.maximumf %add3A_16, %max3A_17 : vector<10000x128xf32>
    %get3A_19 = arith.constant 0 : index
    %get3A_20 = arith.constant 0 : index
    %get3A_21 = vector.load %arg3[%get3A_19, %get3A_20] : memref<128x1xf32, #tpu.memory_space<vmem>>, vector<128x1xf32>
    %dot_general3A = arith.constant dense<0.000000e+00> : vector<10000x1xf32>
    %dot_general3A_22 = tpu.matmul %max3A_18, %get3A_21, %dot_general3A {dimension_numbers = #tpu.dot_dimension_numbers<[1], [0], [0], [1], [0, 0, 1, 1], [], []>, transpose_lhs_hint = false} : vector<10000x128xf32>, vector<128x1xf32>, vector<10000x1xf32> -> vector<10000x1xf32>
    %get3A_23 = arith.constant 0 : index
    %get3A_24 = arith.constant 0 : index
    %get3A_25 = vector.load %arg4[%get3A_23, %get3A_24] : memref<1x1xf32, #tpu.memory_space<vmem>>, vector<1x1xf32>
    %add3A_26 = vector.broadcast %get3A_25 : vector<1x1xf32> to vector<10000x1xf32>
    %add3A_27 = arith.addf %dot_general3A_22, %add3A_26 : vector<10000x1xf32>
    %swap3A = arith.constant 0 : index
    %swap3A_28 = arith.constant 0 : index
    %swap3A_29 = vector.load %arg5[%swap3A, %swap3A_28] : memref<10000x1xf32, #tpu.memory_space<vmem>>, vector<10000x1xf32>
    tpu.vector_store %arg5[%swap3A, %swap3A_28], %add3A_27 {strides = array<i32>} : memref<10000x1xf32, #tpu.memory_space<vmem>>, vector<10000x1xf32>,
    return
  }
}

</mosaic_0001>

<sc_bundles>
// kernel: kernel.11.cloned.1.call-start
scs
__scs_entry_jumppad:
0x0: {  	(pc) =	sbr.rel $0x88, $3  }
0x1: {  	(tag) =	ssettag $0x0;
	lr =	simm.s32 $0x1  }
0x2: {  	[smem:$0x3F97] =	sst lr;
	_ =	strace $0xD0000000  }
0x3: {  	_ = 	snop  }
0x4: {  	_ = 	snop  }
0x5: {  	_ = 	snop  }
0x6: {  	_ = 	snop  }
0x7: {  	_ = 	snop  }
__scs_overlays_trampoline_lowered:
0x8: {  	[smem:$0x3FA6] =	sst s0  }
0x9: {  	[smem:$0x3FA7] =	sst s1  }
0xa: {  	[smem:$0x3FA8] =	sst s2  }
0xb: {  	[smem:$0x3FA9] =	sst s3  }
0xc: {  	[smem:$0x3FAA] =	sst s4  }
0xd: {  	[smem:$0x3FAB] =	sst s5  }
0xe: {  	[smem:$0x3FAC] =	sst s6  }
0xf: {  	[smem:$0x3FAD] =	sst s7  }
0x10: {  	[smem:$0x3FAE] =	sst s8  }
0x11: {  	[smem:$0x3FAF] =	sst s9;
	s0 =	simm.s32 @!p0 $0x0  }
0x12: {  	s1 =	sld [smem:$0x3F95];
	s0 =	simm.s32 @p0 $0x1  }
0x13: {  	[smem:$0x3FB0] =	sst s0;
	s0 =	simm.s32 @!p1 $0x0  }
0x14: {  	s2 =	sld [smem:$0x3F94];
	s0 =	simm.s32 @p1 $0x1  }
0x15: {  	[smem:$0x3FB1] =	sst s0;
	s0 =	simm.s32 @!p2 $0x0  }
0x16: {  	s3 =	sld [smem:$0x3FDB];
	s0 =	simm.s32 @p2 $0x1  }
0x17: {  	s4 =	simm.s32 $0x1BF5;
	[smem:$0x3FB3] =	sst s0  }
0x18: {  	s0 =	sld [smem:$0x3F96];
	_ =	swait.ge [sflag:s4], $0x0  }
0x19: {  	s7 =	sld [smem:$0x3F97]  }
0x1a: {  	s8 =	sadd.s32 $0xFFFFE003, lr  }
0x1b: {  	s9 =	sadd.s32 $0xFFFFFEF7, lr;
	s5 =	simm.s32 $0xFFFFFFFF;
	p2 =	slt.u32 s8, $0xFFFFF086  }
0x1c: {  	p1 =	slt.u32 s9, $0xF7A;
	s5 =	simm.s32 @!p2 $0x0  }
0x1d: {  	s5 =	simm.s32 @p1 $0x1;
	p0 =	seq.s32 s7, s2  }
0x1e: {  	s7 =	smul.u32 @!p0 $0xF7A, s2;
	p2 =	seq.s32 @!p0 s5, $0x0  }
0x1f: {  	s9 =	smul.u32 $0xF7A, s1;
	s8 =	simm.s32 @!p0 $0x1BF5;
	p2 =	por !p2, p0  }
0x20: {  	[sflag:s8] =	ssyncset.s32 @!p0 $0xFFFFF086;
	s6 =	sadd.s32 @!p0 s3, s7;
	s7 =	simm.s32 @!p0 $0x108  }
0x21: {  	s3 =	sadd.s32 s3, s9;
	s6 =	sadd.s32 @!p0 $0x88, s6;
	s7 =	simm.s32 @p2 $0x1082  }
0x22: {  	[simem:s7], [sflag:s8] =	dma.local @!p0 [hbm:s6], $0xF7A  }
0x23: {  	s9 =	sor.u32 $0xD0000000, s2;
	s6 =	simm.s32 $0x108;
	_ =	swait.ge @!p0 [sflag:s8], $0x0  }
0x24: {  	s3 =	sadd.s32 $0x88, s3;
	s6 =	simm.s32 @!p1 $0x1082;
	[sflag:s4] =	ssyncset.s32 $0xFFFFF086  }
0x25: {  	[simem:s6], [sflag:s4] =	dma.local [hbm:s3], $0xF7A  }
0x26: {  	[smem:$0x3F97] =	sst s1;
	(tag) =	ssettag s2;
	_ =	strace s9  }
0x27: {  	s1 =	sld [smem:$0x3FA7]  }
0x28: {  	s2 =	sld [smem:$0x3FA8]  }
0x29: {  	s4 =	sld [smem:$0x3FAA]  }
0x2a: {  	p0 =	seq.s32 s5, $0x0;
	s5 =	sld [smem:$0x3FAB]  }
0x2b: {  	s6 =	sld [smem:$0x3FAC]  }
0x2c: {  	s7 =	sld [smem:$0x3FAD]  }
0x2d: {  	s3 =	simm.s32 $0x108;
	s8 =	sld [smem:$0x3FAE]  }
0x2e: {  	s3 =	simm.s32 @!p0 $0x1082;
	s9 =	sld [smem:$0x3FAF]  }
0x2f: {  	lr =	sadd.s32 s0, s3;
	s0 =	sld [smem:$0x3FA6]  }
0x30: {  	s3 =	sld [smem:$0x3FA9]  }
0x31: {  	[smem:$0x3FB2] =	sst s10  }
0x32: {  	s10 =	sld [smem:$0x3FB0];
	_ =	sdelay $0x3  }
0x33: {  	p0 =	seq.s32 s10, $0x1;
	s10 =	sld [smem:$0x3FB2];
	_ =	sdelay $0x3  }
0x34: {  	[smem:$0x3FB2] =	sst s10  }
0x35: {  	s10 =	sld [smem:$0x3FB1];
	_ =	sdelay $0x3  }
0x36: {  	p1 =	seq.s32 s10, $0x1;
	s10 =	sld [smem:$0x3FB2];
	_ =	sdelay $0x3  }
0x37: {  	[smem:$0x3FB2] =	sst s10  }
0x38: {  	s10 =	sld [smem:$0x3FB3]  }
0x39: {  	_ = 	snop;
	(pc) =	sbr.ind lr, $3  }
0x3a: {  	_ = 	snop  }
0x3b: {  	_ = 	snop  }
0x3c: {  	p2 =	seq.s32 s10, $0x1;
	s10 =	sld [smem:$0x3FB2]  }
0x3d: {  	_ =	shalt  }
0x3e: {  	_ =	shalt  }
0x3f: {  	_ =	shalt  }
0x40: {  	_ =	shalt  }
0x41: {  	_ =	shalt  }
0x42: {  	_ =	shalt  }
0x43: {  	_ =	shalt  }
0x44: {  	_ =	shalt  }
0x45: {  	_ =	shalt  }
0x46: {  	_ =	shalt  }
0x47: {  	_ =	shalt  }
0x48: {  	_ =	shalt  }
0x49: {  	_ =	shalt  }
0x4a: {  	_ =	shalt  }
0x4b: {  	_ =	shalt  }
0x4c: {  	_ =	shalt  }
0x4d: {  	_ =	shalt  }
0x4e: {  	_ =	shalt  }
0x4f: {  	_ =	shalt  }
0x50: {  	_ =	shalt  }
0x51: {  	_ =	shalt  }
0x52: {  	_ =	shalt  }
0x53: {  	_ =	shalt  }
0x54: {  	_ =	shalt  }
0x55: {  	_ =	shalt  }
0x56: {  	_ =	shalt  }
0x57: {  	_ =	shalt  }
0x58: {  	_ =	shalt  }
0x59: {  	_ =	shalt  }
0x5a: {  	_ =	shalt  }
0x5b: {  	_ =	shalt  }
0x5c: {  	_ =	shalt  }
0x5d: {  	_ =	shalt  }
0x5e: {  	_ =	shalt  }
0x5f: {  	_ =	shalt  }
0x60: {  	_ =	shalt  }
0x61: {  	_ =	shalt  }
0x62: {  	_ =	shalt  }
0x63: {  	_ =	shalt  }
0x64: {  	_ =	shalt  }
0x65: {  	_ =	shalt  }
0x66: {  	_ =	shalt  }
0x67: {  	_ =	shalt  }
0x68: {  	_ =	shalt  }
0x69: {  	_ =	shalt  }
0x6a: {  	_ =	shalt  }
0x6b: {  	_ =	shalt  }
0x6c: {  	_ =	shalt  }
0x6d: {  	_ =	shalt  }
0x6e: {  	_ =	shalt  }
0x6f: {  	_ =	shalt  }
0x70: {  	_ =	shalt  }
0x71: {  	_ =	shalt  }
0x72: {  	_ =	shalt  }
0x73: {  	_ =	shalt  }
0x74: {  	_ =	shalt  }
0x75: {  	_ =	shalt  }
0x76: {  	_ =	shalt  }
0x77: {  	_ =	shalt  }
0x78: {  	_ =	shalt  }
0x79: {  	_ =	shalt  }
0x7a: {  	_ =	shalt  }
0x7b: {  	_ =	shalt  }
0x7c: {  	_ =	shalt  }
0x7d: {  	_ =	shalt  }
0x7e: {  	_ =	shalt  }
0x7f: {  	_ =	shalt  }
0x80: {  	_ =	shalt  }
0x81: {  	_ =	shalt  }
0x82: {  	_ =	shalt  }
0x83: {  	_ =	shalt  }
0x84: {  	_ =	shalt  }
0x85: {  	_ =	shalt  }
0x86: {  	_ =	shalt  }
0x87: {  	_ =	shalt  }
.Lfunc_end0:
.L_simem_size_0:
called_computation_lowered:
.L_overlay_start_0:
0x88: {  	s2 =	sld [smem:$0x3FD9]  }
0x89: {  	s3 =	sld [smem:$0x3FFE];
	_ =	sdelay $0x1  }
0x8a: {  	s1 =	srdreg.scid  }
0x8b: {  	s0 =	sand.u32 $0x1, s1  }
0x8c: {  	s17 =	sshll.u32 s0, $0xA;
	s2 =	sadd.s32 s3, s2  }
0x8d: {  	s2 =	sadd.s32 s2, s17  }
0x8e: {  	[smem:$0x3FBE] =	sst s2  }
0x8f: {  	_ = 	snop  }
0x90: {  	s2 =	sld [smem:$0x3FD0];
	(tm) =	ssettm $0x1  }
0x91: {  	s18 =	sld [smem:$0x3FFB];
	_ =	sdelay $0x3  }
0x92: {  	_ =	strace s18  }
0x93: {  	s3 =	sld [smem:$0x3FFC];
	_ =	sdelay $0x3  }
0x94: {  	_ =	strace s3  }
0x95: {  	s3 =	sld [smem:$0x3FFD];
	_ =	sdelay $0x3  }
0x96: {  	_ =	strace s3  }
0x97: {  	_ =	strace $0x8FFFFFFF  }
0x98: {  	s19 =	sld [smem:$0x3FDB];
	_ =	sdelay $0x1  }
0x99: {  	s4 =	simm.s32 $_scs_section_size  }
0x9a: {  	s5 =	simm.s32 $_size__tile_overlayer_lowered;
	s6 =	simm.s32 $_tile_overlayer_lowered  }
0x9b: {  	s22 =	simm.s32 $0x1BFF;
	s21 =	sshll.u32 s6, $0x1;
	s3 =	sadd.s32 s4, s19  }
0x9c: {  	s7 =	simm.s32 $0x0;
	s20 =	sshll.u32 s5, $0x1;
	s5 =	sadd.s32 s21, s3  }
0x9d: {  	[timem:s7], [sflag:s22] =	dma.local [hbm:s5], s20  }
0x9e: {  	_ =	swait.ge [sflag:s22], s20  }
0x9f: {  	s4 =	ssub.s32 $0x0, s20;
	[sflag:s22] =	ssyncset.done $0x0  }
0xa0: {  	[sflag:s22] =	ssyncadd.s32 s4;
	_ =	sdelay $0x1  }
0xa1: {  	s23 =	simm.s32 $0x1B8B  }
0xa2: {  	_ =	swait.ge [sflag:s23], $0x1  }
0xa3: {  	[sflag:s23] =	ssyncset.done $0x0  }
0xa4: {  	s25 =	simm.s32 $0x1B8E;
	s24 =	sld [smem:$0x3FFE];
	[sflag:s23] =	ssyncadd.s32 $0xFFFFFFFF  }
0xa5: {  	s26 =	simm.s32 $execute0_lowered;
	[smem:$0x3FD2] =	sst s25  }
0xa6: {  	s5 =	sshll.u32 s26, $0x1;
	_ =	strace $0x80000046;
	[dreg:$0x1] =	wrdreg $0xFFFFFFFF  }
0xa7: {  	s28 =	simm.s32 $_size_execute0_lowered;
	s3 =	sadd.s32 s3, s5;
	[dreg:$0x0] =	wrdreg $0x0  }
0xa8: {  	s5 =	sshll.u32 s28, $0x1;
	[dreg:$0x2] =	wrdreg s3  }
0xa9: {  	[dreg:$0x3] =	wrdreg s5  }
0xaa: {  	[dreg:$0x4] =	wrdreg $0xC0  }
0xab: {  	_ =	task [dreg:s7], $0x5FFFF  }
0xac: {  	[dreg:$0x1] =	wrdreg $0xFFFFFFFF  }
0xad: {  	[dreg:$0x0] =	wrdreg $0x60  }
0xae: {  	[dreg:$0x2] =	wrdreg s2  }
0xaf: {  	[dreg:$0x3] =	wrdreg s24  }
0xb0: {  	[dreg:$0x4] =	wrdreg $0x33900  }
0xb1: {  	[dreg:$0x5] =	wrdreg $0x9  }
0xb2: {  	_ =	task.clear_ibuf [dreg:s7], $0x6FFFF;
	_ =	strace $0x90000046  }
0xb3: {  	s29 =	simm.s32 $0x9;
	_ =	strace $0x80000048  }
0xb4: {  	_ =	swait.ge [sflag:s29], $0x1  }
0xb5: {  	[sflag:s29] =	ssyncadd.s32 $0xFFFFFFFF  }
0xb6: {  	_ =	strace $0x90000048  }
0xb7: {  	_ =	sfence  }
0xb8: {  	s30 =	sld [smem:$0x0];
	_ =	sdelay $0x2  }
0xb9: {  	s31 =	sshll.u32 s1, $0xD;
	s1 =	sshrl.u32 s1, $0x2  }
0xba: {  	s3 =	sand.u32 $0x4000, s31;
	s1 =	sadd.s32 s1, s30  }
0xbb: {  	s0 =	sor.u32 s3, s0;
	s1 =	sshll.u32 s1, $0x11  }
0xbc: {  	s0 =	sor.u32 s1, s0  }
0xbd: {  	s0 =	sadd.s32 $0x8F2B, s0  }
0xbe: {  	[sflag:s0] =	ssyncadd.remote.s32 $0x1  }
0xbf: {  	_ =	sfence.sel $0xFFFF  }
0xc0: {  	[dreg:$0x0] =	wrdreg $0xFFFFFFFF;
	(pc) =	sbr.abs _section_cstart, $3  }
0xc1: {  	[dreg:$0x1] =	wrdreg $0xFFFFFFFF  }
0xc2: {  	_ =	task.clear_ibuf [dreg:s7], $0x2FFFF;
	_ =	strace $0x9FFFFFFF  }
0xc3: {  	(tm) =	ssettm $0x7FFFFFFF  }
tec
execute0_lowered:
.L_overlay_start_1:
0x0: {  	(tag) =	ssettag $0x1  }
0x1: {  	s0 =	rddreg [dreg:$0x0];
	s2 =	stileid.u32  }
0x2: {  	s1 =	srdreg.scid;
	s9 =	smul.u32 $0x3200, s2  }
0x3: {  	s5 =	rddreg [dreg:$0x1];
	s10 =	sor.u32 $0x10, s2;
	s14 =	smul.u32 $0xC80, s2  }
0x4: {  	s3 =	rddreg [dreg:$0x2];
	s11 =	sor.u32 $0x20, s2;
	s22 =	smul.u32 $0x3200, s10  }
0x5: {  	s4 =	simm.s32 $0x0;
	s13 =	sor.u32 $0x30, s2;
	s12 =	smul.u32 $0x3200, s11  }
0x6: {  	s8 =	sand.u32 $0x1, s1;
	s1 =	rddreg [dreg:$0x3];
	s24 =	smul.u32 $0x3200, s13  }
0x7: {  	[smem:$0x7FF] =	sst s4;
	s17 =	sadd.s32 $0x15C00, s5;
	s15 =	smul.u32 $0x27100, s8  }
0x8: {  	p0 =	sgt.u32 s2, $0x1;
	s6 =	sshll.u32 s8, $0x4;
	s25 =	smul.u32 $0xC80, s10  }
0x9: {  	_ =	strace $0x80000047;
	s21 =	ssub.s32 $0x2, s8;
	s16 =	smul.u32 $0xC80, s11  }
0xa: {  	s19 =	smul.u32 $0xC80, s13;
	s6 =	sor.u32 s2, s6;
	s7 =	sshrl.u32 s21, $0x1  }
0xb: {  	s23 =	sshrl.u32 s9, $0x2;
	s10 =	sadd.s32 s14, s3;
	s6 =	smul.u32 $0x4E2, s6  }
0xc: {  	s18 =	ssub.s32 s21, s7;
	s7 =	sshrl.u32 s22, $0x2;
	s12 =	sshrl.u32 s12, $0x2  }
0xd: {  	s9 =	sshrl.u32 s24, $0x2;
	s14 =	sadd.s32 s14, s15;
	s28 =	sadd.s32 s15, s25  }
0xe: {  	s20 =	sadd.s32 s15, s16;
	s15 =	sadd.s32 s15, s19;
	s21 =	simm.s32 $0x50  }
0xf: {  	s22 =	simm.s32 $0x0;
	s7 =	sadd.s32 s7, s3;
	s8 =	sadd.s32 s12, s3  }
0x10: {  	s9 =	sadd.s32 s9, s3;
	s26 =	sshrl.u32 s14, $0x3;
	s12 =	sadd.s32 s25, s3  }
0x11: {  	s29 =	sshrl.u32 s28, $0x3;
	s14 =	sadd.s32 s16, s3;
	s30 =	sshrl.u32 s20, $0x3  }
0x12: {  	s31 =	sshrl.u32 s15, $0x3;
	s16 =	sadd.s32 s19, s3;
	s18 =	smax.u32 s18, $0x1  }
0x13: {  	s19 =	simm.s32 $0x1;
	s20 =	simm.s32 $0x2710;
	s6 =	sadd.s32 s6, s5  }
0x14: {  	s11 =	sadd.s32 s17, s26;
	s13 =	sadd.s32 s17, s29;
	s15 =	sadd.s32 s17, s30  }
0x15: {  	s17 =	sadd.s32 s17, s31;
	s5 =	sadd.s32 $0xBE00, s6;
	s6 =	sadd.s32 s23, s3  }
.LBB2_1:
0x16: {  	[tilespmem:s4], [sflag:$0x1] =	stream.linear.gather [hbm4b:s5+s4], $0x2710, $0x38;
	[tilespmem:$0x5AA0] =	vst v63  }
0x17: {  	_ =	swait.ge [sflag:s19], $0x2710  }
0x18: {  	[sflag:s19] =	ssyncset.done $0x0  }
0x19: {  	[sflag:s19] =	ssyncadd.s32 $0xFFFFD8F0  }
0x1a: {  	[tilespmem:s20], [sflag:$0x1] =	stream.linear.gather [hbm4b:s0+s4], $0xC80, $0x38;
	[tilespmem:$0x5AA0] =	vst v63  }
0x1b: {  	_ =	swait.ge [sflag:s19], $0xC80  }
0x1c: {  	[sflag:s19] =	ssyncset.done $0x0  }
0x1d: {  	[sflag:s19] =	ssyncadd.s32 $0xFFFFF380  }
0x1e: {  	[spmem:s6] =	stream.linear.scatter [tilespmem:s20], [sflag:$0x1], $0xC80, $0x38;
	[tilespmem:$0x5AA0] =	vst v63  }
0x1f: {  	_ =	swait.ge [sflag:s19], $0xC80  }
0x20: {  	[sflag:s19] =	ssyncset.done $0x0  }
0x21: {  	[sflag:s19] =	ssyncadd.s32 $0xFFFFF380  }
0x22: {  	[spmem:s7] =	stream.linear.scatter [tilespmem:s20], [sflag:$0x1], $0xC80, $0x38;
	[tilespmem:$0x5AA0] =	vst v63  }
0x23: {  	_ =	swait.ge [sflag:s19], $0xC80  }
0x24: {  	[sflag:s19] =	ssyncset.done $0x0  }
0x25: {  	[sflag:s19] =	ssyncadd.s32 $0xFFFFF380  }
0x26: {  	[spmem:s8] =	stream.linear.scatter [tilespmem:s20], [sflag:$0x1], $0xC80, $0x38;
	[tilespmem:$0x5AA0] =	vst v63  }
0x27: {  	_ =	swait.ge [sflag:s19], $0xC80  }
0x28: {  	[sflag:s19] =	ssyncset.done $0x0  }
0x29: {  	s23 =	simm.s32 @!p0 $0x2710;
	[sflag:s19] =	ssyncadd.s32 $0xFFFFF380  }
0x2a: {  	[spmem:s9] =	stream.linear.scatter @!p0 [tilespmem:s23], [sflag:$0x1], $0xC80, $0x38;
	[tilespmem:$0x5AA0] =	vst v63  }
0x2b: {  	s23 =	simm.s32 @!p0 $0x1  }
0x2c: {  	_ =	swait.ge @!p0 [sflag:s23], $0xC80  }
0x2d: {  	[sflag:s23] =	ssyncset.done @!p0 $0x0  }
0x2e: {  	[sflag:s23] =	ssyncadd.s32 @!p0 $0xFFFFF380  }
0x2f: {  	s31 =	simm.s32 $0x0;
	[bflag:$0x0] =	sbarrier.arrive $0xFFFF  }
0x30: {  	[spmem:s3] =	stream.indirect.scatter.add.f32 [tilespmem:s20], [sflag:$0x1], $0x10, s31, s21, $0xb8;
	[tilespmem:$0x5AA0] =	vst v63  }
0x31: {  	_ =	swait.ge [sflag:s19], $0x500  }
0x32: {  	s23 =	simm.s32 $0x140;
	[sflag:s19] =	ssyncset.done $0x0  }
.LBB2_2:
0x33: {  	s24 =	sshra.s32 s23, $0x2;
	[sflag:s19] =	ssyncadd.s32 $0xFFFFFB00;
	p1 =	sne.s32 s23, $0x9B00  }
0x34: {  	[spmem:s3] =	stream.indirect.scatter.add.f32 [tilespmem:s20], [sflag:$0x1], $0x10, s24, s21, $0xb8;
	[tilespmem:$0x5AA0] =	vst v63  }
.Ltmp0:
0x35: {  	_ = 	snop;
	(pc) =	sbr.rel @p1 .LBB2_2-.Ltmp0, $4  }
0x36: {  	_ = 	snop  }
0x37: {  	s23 =	sadd.s32 $0x140, s23  }
0x38: {  	_ =	swait.ge [sflag:s19], $0x500  }
0x39: {  	[sflag:s19] =	ssyncset.done $0x0  }
0x3a: {  	[sflag:s19] =	ssyncadd.s32 $0xFFFFFB00  }
0x3b: {  	[bflag:$0x0] =	sbarrier.arrive $0xFFFF  }
0x3c: {  	[tilespmem:s20], [sflag:$0x1] =	stream.linear.gather [spmem:s10], $0xC80, $0x38;
	[tilespmem:$0x5AA0] =	vst v63  }
0x3d: {  	_ =	swait.ge [sflag:s19], $0xC80  }
0x3e: {  	[sflag:s19] =	ssyncset.done $0x0  }
0x3f: {  	[sflag:s19] =	ssyncadd.s32 $0xFFFFF380  }
0x40: {  	[hbm4b:s11+s4] =	stream.linear.scatter [tilespmem:s20], [sflag:$0x1], $0xC80, $0x38;
	[tilespmem:$0x5AA0] =	vst v63  }
0x41: {  	_ =	swait.ge [sflag:s19], $0xC80  }
0x42: {  	[sflag:s19] =	ssyncset.done $0x0  }
0x43: {  	[sflag:s19] =	ssyncadd.s32 $0xFFFFF380  }
0x44: {  	[tilespmem:s20], [sflag:$0x1] =	stream.linear.gather [hbm4b:s0+s4], $0xC80, $0x38;
	[tilespmem:$0x5AA0] =	vst v63  }
0x45: {  	_ =	swait.ge [sflag:s19], $0xC80  }
0x46: {  	[sflag:s19] =	ssyncset.done $0x0  }
0x47: {  	[sflag:s19] =	ssyncadd.s32 $0xFFFFF380  }
0x48: {  	[tilespmem:s20], [sflag:$0x1] =	stream.linear.gather [spmem:s12], $0xC80, $0x38;
	[tilespmem:$0x5AA0] =	vst v63  }
0x49: {  	_ =	swait.ge [sflag:s19], $0xC80  }
0x4a: {  	[sflag:s19] =	ssyncset.done $0x0  }
0x4b: {  	[sflag:s19] =	ssyncadd.s32 $0xFFFFF380  }
0x4c: {  	[hbm4b:s13+s4] =	stream.linear.scatter [tilespmem:s20], [sflag:$0x1], $0xC80, $0x38;
	[tilespmem:$0x5AA0] =	vst v63  }
0x4d: {  	_ =	swait.ge [sflag:s19], $0xC80  }
0x4e: {  	[sflag:s19] =	ssyncset.done $0x0  }
0x4f: {  	[sflag:s19] =	ssyncadd.s32 $0xFFFFF380  }
0x50: {  	[tilespmem:s20], [sflag:$0x1] =	stream.linear.gather [hbm4b:s0+s4], $0xC80, $0x38;
	[tilespmem:$0x5AA0] =	vst v63  }
0x51: {  	_ =	swait.ge [sflag:s19], $0xC80  }
0x52: {  	[sflag:s19] =	ssyncset.done $0x0  }
0x53: {  	[sflag:s19] =	ssyncadd.s32 $0xFFFFF380  }
0x54: {  	[tilespmem:s20], [sflag:$0x1] =	stream.linear.gather [spmem:s14], $0xC80, $0x38;
	[tilespmem:$0x5AA0] =	vst v63  }
0x55: {  	_ =	swait.ge [sflag:s19], $0xC80  }
0x56: {  	[sflag:s19] =	ssyncset.done $0x0  }
0x57: {  	[sflag:s19] =	ssyncadd.s32 $0xFFFFF380  }
0x58: {  	[hbm4b:s15+s4] =	stream.linear.scatter [tilespmem:s20], [sflag:$0x1], $0xC80, $0x38;
	[tilespmem:$0x5AA0] =	vst v63  }
0x59: {  	_ =	swait.ge [sflag:s19], $0xC80  }
0x5a: {  	[sflag:s19] =	ssyncset.done $0x0  }
0x5b: {  	[sflag:s19] =	ssyncadd.s32 $0xFFFFF380  }
0x5c: {  	[tilespmem:s20], [sflag:$0x1] =	stream.linear.gather [hbm4b:s0+s4], $0xC80, $0x38;
	[tilespmem:$0x5AA0] =	vst v63  }
0x5d: {  	_ =	swait.ge [sflag:s19], $0xC80  }
0x5e: {  	[sflag:s19] =	ssyncset.done $0x0  }
0x5f: {  	s23 =	simm.s32 @!p0 $0x2710;
	s24 =	simm.s32 @!p0 $0x1;
	[sflag:s19] =	ssyncadd.s32 $0xFFFFF380  }
0x60: {  	[tilespmem:s23], [sflag:$0x1] =	stream.linear.gather @!p0 [spmem:s16], $0xC80, $0x38;
	[tilespmem:$0x5AA0] =	vst v63  }
0x61: {  	_ =	swait.ge @!p0 [sflag:s24], $0xC80  }
0x62: {  	[sflag:s24] =	ssyncset.done @!p0 $0x0  }
0x63: {  	s25 =	simm.s32 @!p0 $0x0;
	[sflag:s24] =	ssyncadd.s32 @!p0 $0xFFFFF380  }
0x64: {  	[hbm4b:s17+s25] =	stream.linear.scatter @!p0 [tilespmem:s23], [sflag:$0x1], $0xC80, $0x38;
	[tilespmem:$0x5AA0] =	vst v63  }
0x65: {  	s22 =	sadd.s32 $0x1, s22;
	_ =	swait.ge @!p0 [sflag:s24], $0xC80  }
0x66: {  	p1 =	sne.s32 s22, s18;
	[sflag:s24] =	ssyncset.done @!p0 $0x0  }
.Ltmp1:
0x67: {  	[sflag:s24] =	ssyncadd.s32 @!p0 $0xFFFFF380;
	(pc) =	sbr.rel @p1 .LBB2_1-.Ltmp1, $4  }
0x68: {  	[tilespmem:s23], [sflag:$0x1] =	stream.linear.gather @!p0 [hbm4b:s0+s25], $0xC80, $0x38;
	[tilespmem:$0x5AA0] =	vst v63  }
0x69: {  	_ =	swait.ge @!p0 [sflag:s24], $0xC80  }
0x6a: {  	[sflag:s24] =	ssyncset.done @!p0 $0x0  }
0x6b: {  	[sflag:s24] =	ssyncadd.s32 @!p0 $0xFFFFF380  }
0x6c: {  	_ =	sfence.sel $0x180000  }
0x6d: {  	[bflag:$0x0] =	sbarrier.arrive $0xFFFF  }
0x6e: {  	p0 =	sne.s32 s2, $0x0;
	_ =	strace $0x90000047  }
0x6f: {  	s0 =	sadd.s32 @!p0 $0x100000, s1;
	[bflag:$0x2] =	sbarrier.arrive $0xFFFF  }
0x70: {  	[sflag:s0] =	ssyncadd.tile.s32 @!p0 $0x1;
	_ =	shalt  }
.Lfunc_end2:
_tile_overlayer_lowered:
.L_overlay_start_2:
0x71: {  	(tag) =	ssettag $0x2  }
0x72: {  	s0 =	rddreg [dreg:$0x0];
	s2 =	stileid.u32  }
0x73: {  	s1 =	rddreg [dreg:$0x1];
	p0 =	sne.s32 s2, $0x0  }
0x74: {  	s3 =	rddreg [dreg:$0x2];
	[bflag:$0x3] =	sbarrier.arrive $0xFFFF;
	s2 =	simm.s32 @!p0 $0x1C01  }
0x75: {  	[timem:s3], [sflag:s2] =	dma.local @!p0 [hbm:s0], s1  }
0x76: {  	s0 =	simm.s32 @!p0 $0x1  }
0x77: {  	_ =	swait.ge @!p0 [sflag:s0], s1  }
0x78: {  	s1 =	ssub.s32 @!p0 $0x0, s1;
	[sflag:s0] =	ssyncset.done @!p0 $0x0  }
0x79: {  	[sflag:s0] =	ssyncadd.s32 @!p0 s1  }
0x7a: {  	[bflag:$0x3] =	sbarrier.arrive $0xFFFF  }
0x7b: {  	_ =	shalt  }

// kernel: kernel.14.cloned.1.call-start
scs
__scs_entry_jumppad:
0x0: {  	(pc) =	sbr.rel $0x88, $3  }
0x1: {  	(tag) =	ssettag $0x0;
	lr =	simm.s32 $0x1  }
0x2: {  	[smem:$0x3F97] =	sst lr;
	_ =	strace $0xD0000000  }
0x3: {  	_ = 	snop  }
0x4: {  	_ = 	snop  }
0x5: {  	_ = 	snop  }
0x6: {  	_ = 	snop  }
0x7: {  	_ = 	snop  }
__scs_overlays_trampoline_lowered:
0x8: {  	[smem:$0x3FA6] =	sst s0  }
0x9: {  	[smem:$0x3FA7] =	sst s1  }
0xa: {  	[smem:$0x3FA8] =	sst s2  }
0xb: {  	[smem:$0x3FA9] =	sst s3  }
0xc: {  	[smem:$0x3FAA] =	sst s4  }
0xd: {  	[smem:$0x3FAB] =	sst s5  }
0xe: {  	[smem:$0x3FAC] =	sst s6  }
0xf: {  	[smem:$0x3FAD] =	sst s7  }
0x10: {  	[smem:$0x3FAE] =	sst s8  }
0x11: {  	[smem:$0x3FAF] =	sst s9;
	s0 =	simm.s32 @!p0 $0x0  }
0x12: {  	s1 =	sld [smem:$0x3F95];
	s0 =	simm.s32 @p0 $0x1  }
0x13: {  	[smem:$0x3FB0] =	sst s0;
	s0 =	simm.s32 @!p1 $0x0  }
0x14: {  	s2 =	sld [smem:$0x3F94];
	s0 =	simm.s32 @p1 $0x1  }
0x15: {  	[smem:$0x3FB1] =	sst s0;
	s0 =	simm.s32 @!p2 $0x0  }
0x16: {  	s3 =	sld [smem:$0x3FDB];
	s0 =	simm.s32 @p2 $0x1  }
0x17: {  	s4 =	simm.s32 $0x1BF5;
	[smem:$0x3FB3] =	sst s0  }
0x18: {  	s0 =	sld [smem:$0x3F96];
	_ =	swait.ge [sflag:s4], $0x0  }
0x19: {  	s7 =	sld [smem:$0x3F97]  }
0x1a: {  	s8 =	sadd.s32 $0xFFFFE003, lr  }
0x1b: {  	s9 =	sadd.s32 $0xFFFFFEF7, lr;
	s5 =	simm.s32 $0xFFFFFFFF;
	p2 =	slt.u32 s8, $0xFFFFF086  }
0x1c: {  	p1 =	slt.u32 s9, $0xF7A;
	s5 =	simm.s32 @!p2 $0x0  }
0x1d: {  	s5 =	simm.s32 @p1 $0x1;
	p0 =	seq.s32 s7, s2  }
0x1e: {  	s7 =	smul.u32 @!p0 $0xF7A, s2;
	p2 =	seq.s32 @!p0 s5, $0x0  }
0x1f: {  	s9 =	smul.u32 $0xF7A, s1;
	s8 =	simm.s32 @!p0 $0x1BF5;
	p2 =	por !p2, p0  }
0x20: {  	[sflag:s8] =	ssyncset.s32 @!p0 $0xFFFFF086;
	s6 =	sadd.s32 @!p0 s3, s7;
	s7 =	simm.s32 @!p0 $0x108  }
0x21: {  	s3 =	sadd.s32 s3, s9;
	s6 =	sadd.s32 @!p0 $0x88, s6;
	s7 =	simm.s32 @p2 $0x1082  }
0x22: {  	[simem:s7], [sflag:s8] =	dma.local @!p0 [hbm:s6], $0xF7A  }
0x23: {  	s9 =	sor.u32 $0xD0000000, s2;
	s6 =	simm.s32 $0x108;
	_ =	swait.ge @!p0 [sflag:s8], $0x0  }
0x24: {  	s3 =	sadd.s32 $0x88, s3;
	s6 =	simm.s32 @!p1 $0x1082;
	[sflag:s4] =	ssyncset.s32 $0xFFFFF086  }
0x25: {  	[simem:s6], [sflag:s4] =	dma.local [hbm:s3], $0xF7A  }
0x26: {  	[smem:$0x3F97] =	sst s1;
	(tag) =	ssettag s2;
	_ =	strace s9  }
0x27: {  	s1 =	sld [smem:$0x3FA7]  }
0x28: {  	s2 =	sld [smem:$0x3FA8]  }
0x29: {  	s4 =	sld [smem:$0x3FAA]  }
0x2a: {  	p0 =	seq.s32 s5, $0x0;
	s5 =	sld [smem:$0x3FAB]  }
0x2b: {  	s6 =	sld [smem:$0x3FAC]  }
0x2c: {  	s7 =	sld [smem:$0x3FAD]  }
0x2d: {  	s3 =	simm.s32 $0x108;
	s8 =	sld [smem:$0x3FAE]  }
0x2e: {  	s3 =	simm.s32 @!p0 $0x1082;
	s9 =	sld [smem:$0x3FAF]  }
0x2f: {  	lr =	sadd.s32 s0, s3;
	s0 =	sld [smem:$0x3FA6]  }
0x30: {  	s3 =	sld [smem:$0x3FA9]  }
0x31: {  	[smem:$0x3FB2] =	sst s10  }
0x32: {  	s10 =	sld [smem:$0x3FB0];
	_ =	sdelay $0x3  }
0x33: {  	p0 =	seq.s32 s10, $0x1;
	s10 =	sld [smem:$0x3FB2];
	_ =	sdelay $0x3  }
0x34: {  	[smem:$0x3FB2] =	sst s10  }
0x35: {  	s10 =	sld [smem:$0x3FB1];
	_ =	sdelay $0x3  }
0x36: {  	p1 =	seq.s32 s10, $0x1;
	s10 =	sld [smem:$0x3FB2];
	_ =	sdelay $0x3  }
0x37: {  	[smem:$0x3FB2] =	sst s10  }
0x38: {  	s10 =	sld [smem:$0x3FB3]  }
0x39: {  	_ = 	snop;
	(pc) =	sbr.ind lr, $3  }
0x3a: {  	_ = 	snop  }
0x3b: {  	_ = 	snop  }
0x3c: {  	p2 =	seq.s32 s10, $0x1;
	s10 =	sld [smem:$0x3FB2]  }
0x3d: {  	_ =	shalt  }
0x3e: {  	_ =	shalt  }
0x3f: {  	_ =	shalt  }
0x40: {  	_ =	shalt  }
0x41: {  	_ =	shalt  }
0x42: {  	_ =	shalt  }
0x43: {  	_ =	shalt  }
0x44: {  	_ =	shalt  }
0x45: {  	_ =	shalt  }
0x46: {  	_ =	shalt  }
0x47: {  	_ =	shalt  }
0x48: {  	_ =	shalt  }
0x49: {  	_ =	shalt  }
0x4a: {  	_ =	shalt  }
0x4b: {  	_ =	shalt  }
0x4c: {  	_ =	shalt  }
0x4d: {  	_ =	shalt  }
0x4e: {  	_ =	shalt  }
0x4f: {  	_ =	shalt  }
0x50: {  	_ =	shalt  }
0x51: {  	_ =	shalt  }
0x52: {  	_ =	shalt  }
0x53: {  	_ =	shalt  }
0x54: {  	_ =	shalt  }
0x55: {  	_ =	shalt  }
0x56: {  	_ =	shalt  }
0x57: {  	_ =	shalt  }
0x58: {  	_ =	shalt  }
0x59: {  	_ =	shalt  }
0x5a: {  	_ =	shalt  }
0x5b: {  	_ =	shalt  }
0x5c: {  	_ =	shalt  }
0x5d: {  	_ =	shalt  }
0x5e: {  	_ =	shalt  }
0x5f: {  	_ =	shalt  }
0x60: {  	_ =	shalt  }
0x61: {  	_ =	shalt  }
0x62: {  	_ =	shalt  }
0x63: {  	_ =	shalt  }
0x64: {  	_ =	shalt  }
0x65: {  	_ =	shalt  }
0x66: {  	_ =	shalt  }
0x67: {  	_ =	shalt  }
0x68: {  	_ =	shalt  }
0x69: {  	_ =	shalt  }
0x6a: {  	_ =	shalt  }
0x6b: {  	_ =	shalt  }
0x6c: {  	_ =	shalt  }
0x6d: {  	_ =	shalt  }
0x6e: {  	_ =	shalt  }
0x6f: {  	_ =	shalt  }
0x70: {  	_ =	shalt  }
0x71: {  	_ =	shalt  }
0x72: {  	_ =	shalt  }
0x73: {  	_ =	shalt  }
0x74: {  	_ =	shalt  }
0x75: {  	_ =	shalt  }
0x76: {  	_ =	shalt  }
0x77: {  	_ =	shalt  }
0x78: {  	_ =	shalt  }
0x79: {  	_ =	shalt  }
0x7a: {  	_ =	shalt  }
0x7b: {  	_ =	shalt  }
0x7c: {  	_ =	shalt  }
0x7d: {  	_ =	shalt  }
0x7e: {  	_ =	shalt  }
0x7f: {  	_ =	shalt  }
0x80: {  	_ =	shalt  }
0x81: {  	_ =	shalt  }
0x82: {  	_ =	shalt  }
0x83: {  	_ =	shalt  }
0x84: {  	_ =	shalt  }
0x85: {  	_ =	shalt  }
0x86: {  	_ =	shalt  }
0x87: {  	_ =	shalt  }
.Lfunc_end0:
.L_simem_size_0:
called_computation.1_lowered:
.L_overlay_start_0:
0x88: {  	s2 =	sld [smem:$0x3FD9]  }
0x89: {  	s3 =	sld [smem:$0x3FFE];
	_ =	sdelay $0x1  }
0x8a: {  	s1 =	srdreg.scid  }
0x8b: {  	s0 =	sand.u32 $0x1, s1  }
0x8c: {  	s16 =	sshll.u32 s0, $0xA;
	s2 =	sadd.s32 s3, s2  }
0x8d: {  	s2 =	sadd.s32 s2, s16  }
0x8e: {  	[smem:$0x3FBE] =	sst s2  }
0x8f: {  	_ = 	snop  }
0x90: {  	(tm) =	ssettm $0x1  }
0x91: {  	s17 =	sld [smem:$0x3FFB];
	_ =	sdelay $0x3  }
0x92: {  	_ =	strace s17  }
0x93: {  	s2 =	sld [smem:$0x3FFC];
	_ =	sdelay $0x3  }
0x94: {  	_ =	strace s2  }
0x95: {  	s2 =	sld [smem:$0x3FFD];
	_ =	sdelay $0x3  }
0x96: {  	_ =	strace s2  }
0x97: {  	_ =	strace $0x8FFFFFFF  }
0x98: {  	s18 =	sld [smem:$0x3FDB];
	_ =	sdelay $0x1  }
0x99: {  	s19 =	simm.s32 $_scs_section_size  }
0x9a: {  	s4 =	simm.s32 $_size__tile_overlayer_lowered;
	s5 =	simm.s32 $_tile_overlayer_lowered  }
0x9b: {  	s22 =	simm.s32 $0x1BFF;
	s21 =	sshll.u32 s5, $0x1;
	s2 =	sadd.s32 s19, s18  }
0x9c: {  	s6 =	simm.s32 $0x0;
	s20 =	sshll.u32 s4, $0x1;
	s4 =	sadd.s32 s21, s2  }
0x9d: {  	[timem:s6], [sflag:s22] =	dma.local [hbm:s4], s20  }
0x9e: {  	_ =	swait.ge [sflag:s22], s20  }
0x9f: {  	s3 =	ssub.s32 $0x0, s20;
	[sflag:s22] =	ssyncset.done $0x0  }
0xa0: {  	[sflag:s22] =	ssyncadd.s32 s3;
	_ =	sdelay $0x1  }
0xa1: {  	s23 =	simm.s32 $0x1B8B  }
0xa2: {  	_ =	swait.ge [sflag:s23], $0x1  }
0xa3: {  	[sflag:s23] =	ssyncset.done $0x0  }
0xa4: {  	s25 =	simm.s32 $0x1B8E;
	s24 =	sld [smem:$0x3FFE];
	[sflag:s23] =	ssyncadd.s32 $0xFFFFFFFF  }
0xa5: {  	s26 =	simm.s32 $execute0_lowered;
	[smem:$0x3FD2] =	sst s25  }
0xa6: {  	s4 =	sshll.u32 s26, $0x1;
	_ =	strace $0x80000049;
	[dreg:$0x1] =	wrdreg $0xFFFFFFFF  }
0xa7: {  	s28 =	simm.s32 $_size_execute0_lowered;
	s2 =	sadd.s32 s2, s4;
	[dreg:$0x0] =	wrdreg $0x0  }
0xa8: {  	s4 =	sshll.u32 s28, $0x1;
	[dreg:$0x2] =	wrdreg s2  }
0xa9: {  	[dreg:$0x3] =	wrdreg s4  }
0xaa: {  	[dreg:$0x4] =	wrdreg $0xC0  }
0xab: {  	_ =	task [dreg:s6], $0x5FFFF  }
0xac: {  	[dreg:$0x1] =	wrdreg $0xFFFFFFFF  }
0xad: {  	[dreg:$0x0] =	wrdreg $0x60  }
0xae: {  	[dreg:$0x2] =	wrdreg s24  }
0xaf: {  	[dreg:$0x3] =	wrdreg $0xE2400  }
0xb0: {  	[dreg:$0x4] =	wrdreg $0x9  }
0xb1: {  	_ =	task.clear_ibuf [dreg:s6], $0x5FFFF;
	_ =	strace $0x90000049  }
0xb2: {  	s29 =	simm.s32 $0x9;
	_ =	strace $0x8000004B  }
0xb3: {  	_ =	swait.ge [sflag:s29], $0x1  }
0xb4: {  	[sflag:s29] =	ssyncadd.s32 $0xFFFFFFFF  }
0xb5: {  	_ =	strace $0x9000004B  }
0xb6: {  	_ =	sfence  }
0xb7: {  	s30 =	sld [smem:$0x0];
	_ =	sdelay $0x2  }
0xb8: {  	s31 =	sshll.u32 s1, $0xD;
	s1 =	sshrl.u32 s1, $0x2  }
0xb9: {  	s3 =	sand.u32 $0x4000, s31;
	s1 =	sadd.s32 s1, s30  }
0xba: {  	s0 =	sor.u32 s3, s0;
	s1 =	sshll.u32 s1, $0x11  }
0xbb: {  	s0 =	sor.u32 s1, s0  }
0xbc: {  	s0 =	sadd.s32 $0x8F2B, s0  }
0xbd: {  	[sflag:s0] =	ssyncadd.remote.s32 $0x1  }
0xbe: {  	_ =	sfence.sel $0xFFFF  }
0xbf: {  	[dreg:$0x0] =	wrdreg $0xFFFFFFFF;
	(pc) =	sbr.abs _section_cstart, $3  }
0xc0: {  	[dreg:$0x1] =	wrdreg $0xFFFFFFFF  }
0xc1: {  	_ =	task.clear_ibuf [dreg:s6], $0x2FFFF;
	_ =	strace $0x9FFFFFFF  }
0xc2: {  	(tm) =	ssettm $0x7FFFFFFF  }
0xc3: {  	_ =	shalt  }
tec
execute0_lowered:
.L_overlay_start_1:
0x0: {  	(tag) =	ssettag $0x1  }
0x1: {  	s4 =	rddreg [dreg:$0x0]  }
0x2: {  	s2 =	rddreg [dreg:$0x1]  }
0x3: {  	s0 =	rddreg [dreg:$0x2];
	s3 =	simm.s32 $0x0;
	s1 =	stileid.u32  }
0x4: {  	s5 =	srdreg.scid;
	s23 =	simm.s32 $0x50;
	s24 =	simm.s32 $0x9C40  }
0x5: {  	s25 =	simm.s32 $0x0;
	[smem:$0x7FF] =	sst s3;
	s6 =	smul.u32 $0x9C4, s1  }
0x6: {  	s10 =	sand.u32 $0x1, s5;
	s14 =	sadd.s32 $0x15C00, s4;
	s12 =	smul.u32 $0x3200, s1  }
0x7: {  	s18 =	sadd.s32 $0x3CE00, s4;
	p0 =	sgt.u32 s1, $0x1;
	s11 =	smul.u32 $0x9C400, s10  }
0x8: {  	_ =	strace $0x8000004A;
	s5 =	ssub.s32 $0x2, s10;
	s21 =	smul.u32 $0x13880, s10  }
0x9: {  	s6 =	sadd.s32 s6, s4;
	s30 =	sshrl.u32 s5, $0x1;
	s9 =	sadd.s32 $0x32000, s12  }
0xa: {  	s13 =	sadd.s32 $0x64000, s12;
	s20 =	sadd.s32 $0x96000, s12;
	s19 =	ssub.s32 s5, s30  }
0xb: {  	s31 =	sadd.s32 s12, s11;
	s4 =	sadd.s32 $0x2000, s6;
	s7 =	sadd.s32 s11, s9  }
0xc: {  	s5 =	sadd.s32 $0xBE00, s6;
	s9 =	sadd.s32 s9, s2;
	s17 =	sadd.s32 s11, s13  }
0xd: {  	s15 =	sshrl.u32 s31, $0x3;
	s16 =	sshrl.u32 s7, $0x3;
	s7 =	sadd.s32 s12, s2  }
0xe: {  	s17 =	sshrl.u32 s17, $0x3;
	s12 =	sadd.s32 s11, s20;
	s11 =	sadd.s32 s13, s2  }
0xf: {  	s13 =	sadd.s32 s20, s2;
	s19 =	smax.u32 s19, $0x1;
	s20 =	simm.s32 $0x1  }
0x10: {  	s6 =	sadd.s32 s14, s15;
	s8 =	sadd.s32 s14, s16;
	s10 =	sadd.s32 s14, s17  }
0x11: {  	s22 =	sshrl.u32 s12, $0x3;
	s15 =	sadd.s32 s18, s15;
	s16 =	sadd.s32 s18, s16  }
0x12: {  	s17 =	sadd.s32 s18, s17;
	s12 =	sadd.s32 s14, s22;
	s14 =	sadd.s32 s14, s21  }
0x13: {  	s18 =	sadd.s32 s18, s22;
	s21 =	simm.s32 $0x4E20;
	s22 =	simm.s32 $0xB040  }
.LBB2_1:
0x14: {  	[tilespmem:s3], [sflag:$0x1] =	stream.linear.gather [hbm4b:s4+s3], $0x4E20, $0x38;
	[tilespmem:$0x17E80] =	vst v63  }
0x15: {  	_ =	swait.ge [sflag:s20], $0x4E20  }
0x16: {  	[sflag:s20] =	ssyncset.done $0x0  }
0x17: {  	[sflag:s20] =	ssyncadd.s32 $0xFFFFB1E0  }
0x18: {  	[tilespmem:s21], [sflag:$0x1] =	stream.linear.gather [hbm4b:s5+s3], $0x4E20, $0x38;
	[tilespmem:$0x17E80] =	vst v63  }
0x19: {  	_ =	swait.ge [sflag:s20], $0x4E20  }
0x1a: {  	[sflag:s20] =	ssyncset.done $0x0  }
0x1b: {  	[sflag:s20] =	ssyncadd.s32 $0xFFFFB1E0  }
0x1c: {  	[tilespmem:s22], [sflag:$0x1] =	stream.linear.gather [hbm4b:s6+s3], $0x3200, $0x38;
	[tilespmem:$0x17E80] =	vst v63  }
0x1d: {  	_ =	swait.ge [sflag:s20], $0x3200  }
0x1e: {  	[sflag:s20] =	ssyncset.done $0x0  }
0x1f: {  	[sflag:s20] =	ssyncadd.s32 $0xFFFFCE00  }
0x20: {  	[spmem:s7] =	stream.linear.scatter [tilespmem:s22], [sflag:$0x1], $0x3200, $0x38;
	[tilespmem:$0x17E80] =	vst v63  }
0x21: {  	_ =	swait.ge [sflag:s20], $0x3200  }
0x22: {  	[sflag:s20] =	ssyncset.done $0x0  }
0x23: {  	[sflag:s20] =	ssyncadd.s32 $0xFFFFCE00  }
0x24: {  	[tilespmem:s22], [sflag:$0x1] =	stream.linear.gather [hbm4b:s8+s3], $0x3200, $0x38;
	[tilespmem:$0x17E80] =	vst v63  }
0x25: {  	_ =	swait.ge [sflag:s20], $0x3200  }
0x26: {  	[sflag:s20] =	ssyncset.done $0x0  }
0x27: {  	[sflag:s20] =	ssyncadd.s32 $0xFFFFCE00  }
0x28: {  	[spmem:s9] =	stream.linear.scatter [tilespmem:s22], [sflag:$0x1], $0x3200, $0x38;
	[tilespmem:$0x17E80] =	vst v63  }
0x29: {  	_ =	swait.ge [sflag:s20], $0x3200  }
0x2a: {  	[sflag:s20] =	ssyncset.done $0x0  }
0x2b: {  	[sflag:s20] =	ssyncadd.s32 $0xFFFFCE00  }
0x2c: {  	[tilespmem:s22], [sflag:$0x1] =	stream.linear.gather [hbm4b:s10+s3], $0x3200, $0x38;
	[tilespmem:$0x17E80] =	vst v63  }
0x2d: {  	_ =	swait.ge [sflag:s20], $0x3200  }
0x2e: {  	[sflag:s20] =	ssyncset.done $0x0  }
0x2f: {  	[sflag:s20] =	ssyncadd.s32 $0xFFFFCE00  }
0x30: {  	[spmem:s11] =	stream.linear.scatter [tilespmem:s22], [sflag:$0x1], $0x3200, $0x38;
	[tilespmem:$0x17E80] =	vst v63  }
0x31: {  	_ =	swait.ge [sflag:s20], $0x3200  }
0x32: {  	[sflag:s20] =	ssyncset.done $0x0  }
0x33: {  	s26 =	simm.s32 @!p0 $0x0;
	s28 =	simm.s32 @!p0 $0xB040;
	[sflag:s20] =	ssyncadd.s32 $0xFFFFCE00  }
0x34: {  	[tilespmem:s28], [sflag:$0x1] =	stream.linear.gather @!p0 [hbm4b:s12+s26], $0x3200, $0x38;
	[tilespmem:$0x17E80] =	vst v63  }
0x35: {  	s26 =	simm.s32 @!p0 $0x1  }
0x36: {  	_ =	swait.ge @!p0 [sflag:s26], $0x3200  }
0x37: {  	[sflag:s26] =	ssyncset.done @!p0 $0x0  }
0x38: {  	[sflag:s26] =	ssyncadd.s32 @!p0 $0xFFFFCE00  }
0x39: {  	[spmem:s13] =	stream.linear.scatter @!p0 [tilespmem:s28], [sflag:$0x1], $0x3200, $0x38;
	[tilespmem:$0x17E80] =	vst v63  }
0x3a: {  	_ =	swait.ge @!p0 [sflag:s26], $0x3200  }
0x3b: {  	[sflag:s26] =	ssyncset.done @!p0 $0x0  }
0x3c: {  	[sflag:s26] =	ssyncadd.s32 @!p0 $0xFFFFCE00  }
0x3d: {  	s30 =	simm.s32 $0x0;
	[bflag:$0x0] =	sbarrier.arrive $0xFFFF  }
0x3e: {  	[tilespmem:s24], [sflag:$0x1] =	stream.indirect.gather [hbm4b:s14+s23], $0x40, s30, s23, $0xb8;
	[tilespmem:$0x17E80] =	vst v63  }
0x3f: {  	_ =	swait.ge [sflag:s20], $0x1400  }
0x40: {  	[sflag:s20] =	ssyncset.done $0x0  }
0x41: {  	s31 =	simm.s32 $0x4E20;
	[sflag:s20] =	ssyncadd.s32 $0xFFFFEC00  }
0x42: {  	[spmem:s2] =	stream.indirect.scatter.add.f32 [tilespmem:s24], [sflag:$0x1], $0x40, s31, s23, $0xb8;
	[tilespmem:$0x17E80] =	vst v63  }
0x43: {  	_ =	swait.ge [sflag:s20], $0x1400  }
0x44: {  	s28 =	simm.s32 $0x280;
	s26 =	simm.s32 $0x140;
	[sflag:s20] =	ssyncset.done $0x0  }
.LBB2_2:
0x45: {  	s29 =	sshra.s32 s26, $0x2  }
0x46: {  	[sflag:s20] =	ssyncadd.s32 $0xFFFFEC00;
	s26 =	smov.u32 s28;
	s30 =	sadd.s32 $0x140, s28  }
0x47: {  	[tilespmem:s24], [sflag:$0x1] =	stream.indirect.gather [hbm4b:s14+s23], $0x40, s29, s23, $0xb8;
	[tilespmem:$0x17E80] =	vst v63  }
0x48: {  	p1 =	sne.s32 s28, $0x13740;
	_ =	swait.ge [sflag:s20], $0x1400  }
.Ltmp0:
0x49: {  	[sflag:s20] =	ssyncset.done $0x0;
	(pc) =	sbr.rel @p1 .LBB2_2-.Ltmp0, $4  }
0x4a: {  	s28 =	sadd.s32 $0x4E20, s29;
	[sflag:s20] =	ssyncadd.s32 $0xFFFFEC00  }
0x4b: {  	[spmem:s2] =	stream.indirect.scatter.add.f32 [tilespmem:s24], [sflag:$0x1], $0x40, s28, s23, $0xb8;
	[tilespmem:$0x17E80] =	vst v63  }
0x4c: {  	_ =	swait.ge [sflag:s20], $0x1400  }
0x4d: {  	s28 =	smov.u32 s30;
	[sflag:s20] =	ssyncset.done $0x0  }
0x4e: {  	s26 =	sshra.s32 s26, $0x2;
	[sflag:s20] =	ssyncadd.s32 $0xFFFFEC00  }
0x4f: {  	[tilespmem:s24], [sflag:$0x1] =	stream.indirect.gather [hbm4b:s14+s23], $0x40, s26, s23, $0xb8;
	[tilespmem:$0x17E80] =	vst v63  }
0x50: {  	_ =	swait.ge [sflag:s20], $0x1400  }
0x51: {  	[sflag:s20] =	ssyncset.done $0x0  }
0x52: {  	s26 =	sadd.s32 $0x4E20, s26;
	[sflag:s20] =	ssyncadd.s32 $0xFFFFEC00  }
0x53: {  	[spmem:s2] =	stream.indirect.scatter.add.f32 [tilespmem:s24], [sflag:$0x1], $0x40, s26, s23, $0xb8;
	[tilespmem:$0x17E80] =	vst v63  }
0x54: {  	_ =	swait.ge [sflag:s20], $0x1400  }
0x55: {  	[sflag:s20] =	ssyncset.done $0x0  }
0x56: {  	[sflag:s20] =	ssyncadd.s32 $0xFFFFEC00  }
0x57: {  	[bflag:$0x0] =	sbarrier.arrive $0xFFFF  }
0x58: {  	[tilespmem:s22], [sflag:$0x1] =	stream.linear.gather [spmem:s7], $0x3200, $0x38;
	[tilespmem:$0x17E80] =	vst v63  }
0x59: {  	_ =	swait.ge [sflag:s20], $0x3200  }
0x5a: {  	[sflag:s20] =	ssyncset.done $0x0  }
0x5b: {  	[sflag:s20] =	ssyncadd.s32 $0xFFFFCE00  }
0x5c: {  	[hbm4b:s15+s3] =	stream.linear.scatter [tilespmem:s22], [sflag:$0x1], $0x3200, $0x38;
	[tilespmem:$0x17E80] =	vst v63  }
0x5d: {  	_ =	swait.ge [sflag:s20], $0x3200  }
0x5e: {  	[sflag:s20] =	ssyncset.done $0x0  }
0x5f: {  	[sflag:s20] =	ssyncadd.s32 $0xFFFFCE00  }
0x60: {  	[tilespmem:s22], [sflag:$0x1] =	stream.linear.gather [spmem:s9], $0x3200, $0x38;
	[tilespmem:$0x17E80] =	vst v63  }
0x61: {  	_ =	swait.ge [sflag:s20], $0x3200  }
0x62: {  	[sflag:s20] =	ssyncset.done $0x0  }
0x63: {  	[sflag:s20] =	ssyncadd.s32 $0xFFFFCE00  }
0x64: {  	[hbm4b:s16+s3] =	stream.linear.scatter [tilespmem:s22], [sflag:$0x1], $0x3200, $0x38;
	[tilespmem:$0x17E80] =	vst v63  }
0x65: {  	_ =	swait.ge [sflag:s20], $0x3200  }
0x66: {  	[sflag:s20] =	ssyncset.done $0x0  }
0x67: {  	[sflag:s20] =	ssyncadd.s32 $0xFFFFCE00  }
0x68: {  	[tilespmem:s22], [sflag:$0x1] =	stream.linear.gather [spmem:s11], $0x3200, $0x38;
	[tilespmem:$0x17E80] =	vst v63  }
0x69: {  	_ =	swait.ge [sflag:s20], $0x3200  }
0x6a: {  	[sflag:s20] =	ssyncset.done $0x0  }
0x6b: {  	[sflag:s20] =	ssyncadd.s32 $0xFFFFCE00  }
0x6c: {  	[hbm4b:s17+s3] =	stream.linear.scatter [tilespmem:s22], [sflag:$0x1], $0x3200, $0x38;
	[tilespmem:$0x17E80] =	vst v63  }
0x6d: {  	_ =	swait.ge [sflag:s20], $0x3200  }
0x6e: {  	[sflag:s20] =	ssyncset.done $0x0  }
0x6f: {  	s28 =	simm.s32 @!p0 $0x1;
	s26 =	simm.s32 @!p0 $0xB040;
	[sflag:s20] =	ssyncadd.s32 $0xFFFFCE00  }
0x70: {  	[tilespmem:s26], [sflag:$0x1] =	stream.linear.gather @!p0 [spmem:s13], $0x3200, $0x38;
	[tilespmem:$0x17E80] =	vst v63  }
0x71: {  	s25 =	sadd.s32 $0x1, s25;
	_ =	swait.ge @!p0 [sflag:s28], $0x3200  }
0x72: {  	p1 =	sne.s32 s25, s19;
	[sflag:s28] =	ssyncset.done @!p0 $0x0  }
.Ltmp1:
0x73: {  	s29 =	simm.s32 @!p0 $0x0;
	[sflag:s28] =	ssyncadd.s32 @!p0 $0xFFFFCE00;
	(pc) =	sbr.rel @p1 .LBB2_1-.Ltmp1, $4  }
0x74: {  	[hbm4b:s18+s29] =	stream.linear.scatter @!p0 [tilespmem:s26], [sflag:$0x1], $0x3200, $0x38;
	[tilespmem:$0x17E80] =	vst v63  }
0x75: {  	_ =	swait.ge @!p0 [sflag:s28], $0x3200  }
0x76: {  	[sflag:s28] =	ssyncset.done @!p0 $0x0  }
0x77: {  	[sflag:s28] =	ssyncadd.s32 @!p0 $0xFFFFCE00  }
0x78: {  	_ =	sfence.sel $0x180000  }
0x79: {  	[bflag:$0x0] =	sbarrier.arrive $0xFFFF  }
0x7a: {  	p0 =	sne.s32 s1, $0x0;
	_ =	strace $0x9000004A  }
0x7b: {  	s0 =	sadd.s32 @!p0 $0x100000, s0;
	[bflag:$0x2] =	sbarrier.arrive $0xFFFF  }
0x7c: {  	[sflag:s0] =	ssyncadd.tile.s32 @!p0 $0x1;
	_ =	shalt  }
.Lfunc_end2:
_tile_overlayer_lowered:
.L_overlay_start_2:
0x7d: {  	(tag) =	ssettag $0x2  }
0x7e: {  	s0 =	rddreg [dreg:$0x0];
	s2 =	stileid.u32  }
0x7f: {  	s1 =	rddreg [dreg:$0x1];
	p0 =	sne.s32 s2, $0x0  }
0x80: {  	s3 =	rddreg [dreg:$0x2];
	[bflag:$0x3] =	sbarrier.arrive $0xFFFF;
	s2 =	simm.s32 @!p0 $0x1C01  }
0x81: {  	[timem:s3], [sflag:s2] =	dma.local @!p0 [hbm:s0], s1  }
0x82: {  	s0 =	simm.s32 @!p0 $0x1  }
0x83: {  	_ =	swait.ge @!p0 [sflag:s0], s1  }
0x84: {  	s1 =	ssub.s32 @!p0 $0x0, s1;
	[sflag:s0] =	ssyncset.done @!p0 $0x0  }
0x85: {  	[sflag:s0] =	ssyncadd.s32 @!p0 s1  }
0x86: {  	[bflag:$0x3] =	sbarrier.arrive $0xFFFF  }
0x87: {  	_ =	shalt  }

// kernel: kernel.17.cloned.1.call-start
scs
__scs_entry_jumppad:
0x0: {  	(pc) =	sbr.rel $0x88, $3  }
0x1: {  	(tag) =	ssettag $0x0;
	lr =	simm.s32 $0x1  }
0x2: {  	[smem:$0x3F97] =	sst lr;
	_ =	strace $0xD0000000  }
0x3: {  	_ = 	snop  }
0x4: {  	_ = 	snop  }
0x5: {  	_ = 	snop  }
0x6: {  	_ = 	snop  }
0x7: {  	_ = 	snop  }
__scs_overlays_trampoline_lowered:
0x8: {  	[smem:$0x3FA6] =	sst s0  }
0x9: {  	[smem:$0x3FA7] =	sst s1  }
0xa: {  	[smem:$0x3FA8] =	sst s2  }
0xb: {  	[smem:$0x3FA9] =	sst s3  }
0xc: {  	[smem:$0x3FAA] =	sst s4  }
0xd: {  	[smem:$0x3FAB] =	sst s5  }
0xe: {  	[smem:$0x3FAC] =	sst s6  }
0xf: {  	[smem:$0x3FAD] =	sst s7  }
0x10: {  	[smem:$0x3FAE] =	sst s8  }
0x11: {  	[smem:$0x3FAF] =	sst s9;
	s0 =	simm.s32 @!p0 $0x0  }
0x12: {  	s1 =	sld [smem:$0x3F95];
	s0 =	simm.s32 @p0 $0x1  }
0x13: {  	[smem:$0x3FB0] =	sst s0;
	s0 =	simm.s32 @!p1 $0x0  }
0x14: {  	s2 =	sld [smem:$0x3F94];
	s0 =	simm.s32 @p1 $0x1  }
0x15: {  	[smem:$0x3FB1] =	sst s0;
	s0 =	simm.s32 @!p2 $0x0  }
0x16: {  	s3 =	sld [smem:$0x3FDB];
	s0 =	simm.s32 @p2 $0x1  }
0x17: {  	s4 =	simm.s32 $0x1BF5;
	[smem:$0x3FB3] =	sst s0  }
0x18: {  	s0 =	sld [smem:$0x3F96];
	_ =	swait.ge [sflag:s4], $0x0  }
0x19: {  	s7 =	sld [smem:$0x3F97]  }
0x1a: {  	s8 =	sadd.s32 $0xFFFFE003, lr  }
0x1b: {  	s9 =	sadd.s32 $0xFFFFFEF7, lr;
	s5 =	simm.s32 $0xFFFFFFFF;
	p2 =	slt.u32 s8, $0xFFFFF086  }
0x1c: {  	p1 =	slt.u32 s9, $0xF7A;
	s5 =	simm.s32 @!p2 $0x0  }
0x1d: {  	s5 =	simm.s32 @p1 $0x1;
	p0 =	seq.s32 s7, s2  }
0x1e: {  	s7 =	smul.u32 @!p0 $0xF7A, s2;
	p2 =	seq.s32 @!p0 s5, $0x0  }
0x1f: {  	s9 =	smul.u32 $0xF7A, s1;
	s8 =	simm.s32 @!p0 $0x1BF5;
	p2 =	por !p2, p0  }
0x20: {  	[sflag:s8] =	ssyncset.s32 @!p0 $0xFFFFF086;
	s6 =	sadd.s32 @!p0 s3, s7;
	s7 =	simm.s32 @!p0 $0x108  }
0x21: {  	s3 =	sadd.s32 s3, s9;
	s6 =	sadd.s32 @!p0 $0x88, s6;
	s7 =	simm.s32 @p2 $0x1082  }
0x22: {  	[simem:s7], [sflag:s8] =	dma.local @!p0 [hbm:s6], $0xF7A  }
0x23: {  	s9 =	sor.u32 $0xD0000000, s2;
	s6 =	simm.s32 $0x108;
	_ =	swait.ge @!p0 [sflag:s8], $0x0  }
0x24: {  	s3 =	sadd.s32 $0x88, s3;
	s6 =	simm.s32 @!p1 $0x1082;
	[sflag:s4] =	ssyncset.s32 $0xFFFFF086  }
0x25: {  	[simem:s6], [sflag:s4] =	dma.local [hbm:s3], $0xF7A  }
0x26: {  	[smem:$0x3F97] =	sst s1;
	(tag) =	ssettag s2;
	_ =	strace s9  }
0x27: {  	s1 =	sld [smem:$0x3FA7]  }
0x28: {  	s2 =	sld [smem:$0x3FA8]  }
0x29: {  	s4 =	sld [smem:$0x3FAA]  }
0x2a: {  	p0 =	seq.s32 s5, $0x0;
	s5 =	sld [smem:$0x3FAB]  }
0x2b: {  	s6 =	sld [smem:$0x3FAC]  }
0x2c: {  	s7 =	sld [smem:$0x3FAD]  }
0x2d: {  	s3 =	simm.s32 $0x108;
	s8 =	sld [smem:$0x3FAE]  }
0x2e: {  	s3 =	simm.s32 @!p0 $0x1082;
	s9 =	sld [smem:$0x3FAF]  }
0x2f: {  	lr =	sadd.s32 s0, s3;
	s0 =	sld [smem:$0x3FA6]  }
0x30: {  	s3 =	sld [smem:$0x3FA9]  }
0x31: {  	[smem:$0x3FB2] =	sst s10  }
0x32: {  	s10 =	sld [smem:$0x3FB0];
	_ =	sdelay $0x3  }
0x33: {  	p0 =	seq.s32 s10, $0x1;
	s10 =	sld [smem:$0x3FB2];
	_ =	sdelay $0x3  }
0x34: {  	[smem:$0x3FB2] =	sst s10  }
0x35: {  	s10 =	sld [smem:$0x3FB1];
	_ =	sdelay $0x3  }
0x36: {  	p1 =	seq.s32 s10, $0x1;
	s10 =	sld [smem:$0x3FB2];
	_ =	sdelay $0x3  }
0x37: {  	[smem:$0x3FB2] =	sst s10  }
0x38: {  	s10 =	sld [smem:$0x3FB3]  }
0x39: {  	_ = 	snop;
	(pc) =	sbr.ind lr, $3  }
0x3a: {  	_ = 	snop  }
0x3b: {  	_ = 	snop  }
0x3c: {  	p2 =	seq.s32 s10, $0x1;
	s10 =	sld [smem:$0x3FB2]  }
0x3d: {  	_ =	shalt  }
0x3e: {  	_ =	shalt  }
0x3f: {  	_ =	shalt  }
0x40: {  	_ =	shalt  }
0x41: {  	_ =	shalt  }
0x42: {  	_ =	shalt  }
0x43: {  	_ =	shalt  }
0x44: {  	_ =	shalt  }
0x45: {  	_ =	shalt  }
0x46: {  	_ =	shalt  }
0x47: {  	_ =	shalt  }
0x48: {  	_ =	shalt  }
0x49: {  	_ =	shalt  }
0x4a: {  	_ =	shalt  }
0x4b: {  	_ =	shalt  }
0x4c: {  	_ =	shalt  }
0x4d: {  	_ =	shalt  }
0x4e: {  	_ =	shalt  }
0x4f: {  	_ =	shalt  }
0x50: {  	_ =	shalt  }
0x51: {  	_ =	shalt  }
0x52: {  	_ =	shalt  }
0x53: {  	_ =	shalt  }
0x54: {  	_ =	shalt  }
0x55: {  	_ =	shalt  }
0x56: {  	_ =	shalt  }
0x57: {  	_ =	shalt  }
0x58: {  	_ =	shalt  }
0x59: {  	_ =	shalt  }
0x5a: {  	_ =	shalt  }
0x5b: {  	_ =	shalt  }
0x5c: {  	_ =	shalt  }
0x5d: {  	_ =	shalt  }
0x5e: {  	_ =	shalt  }
0x5f: {  	_ =	shalt  }
0x60: {  	_ =	shalt  }
0x61: {  	_ =	shalt  }
0x62: {  	_ =	shalt  }
0x63: {  	_ =	shalt  }
0x64: {  	_ =	shalt  }
0x65: {  	_ =	shalt  }
0x66: {  	_ =	shalt  }
0x67: {  	_ =	shalt  }
0x68: {  	_ =	shalt  }
0x69: {  	_ =	shalt  }
0x6a: {  	_ =	shalt  }
0x6b: {  	_ =	shalt  }
0x6c: {  	_ =	shalt  }
0x6d: {  	_ =	shalt  }
0x6e: {  	_ =	shalt  }
0x6f: {  	_ =	shalt  }
0x70: {  	_ =	shalt  }
0x71: {  	_ =	shalt  }
0x72: {  	_ =	shalt  }
0x73: {  	_ =	shalt  }
0x74: {  	_ =	shalt  }
0x75: {  	_ =	shalt  }
0x76: {  	_ =	shalt  }
0x77: {  	_ =	shalt  }
0x78: {  	_ =	shalt  }
0x79: {  	_ =	shalt  }
0x7a: {  	_ =	shalt  }
0x7b: {  	_ =	shalt  }
0x7c: {  	_ =	shalt  }
0x7d: {  	_ =	shalt  }
0x7e: {  	_ =	shalt  }
0x7f: {  	_ =	shalt  }
0x80: {  	_ =	shalt  }
0x81: {  	_ =	shalt  }
0x82: {  	_ =	shalt  }
0x83: {  	_ =	shalt  }
0x84: {  	_ =	shalt  }
0x85: {  	_ =	shalt  }
0x86: {  	_ =	shalt  }
0x87: {  	_ =	shalt  }
.Lfunc_end0:
.L_simem_size_0:
called_computation.2_lowered:
.L_overlay_start_0:
0x88: {  	s2 =	sld [smem:$0x3FD9]  }
0x89: {  	s3 =	sld [smem:$0x3FFE];
	_ =	sdelay $0x1  }
0x8a: {  	s1 =	srdreg.scid  }
0x8b: {  	s0 =	sand.u32 $0x1, s1  }
0x8c: {  	s16 =	sshll.u32 s0, $0xA;
	s2 =	sadd.s32 s3, s2  }
0x8d: {  	s2 =	sadd.s32 s2, s16  }
0x8e: {  	[smem:$0x3FBE] =	sst s2  }
0x8f: {  	_ = 	snop  }
0x90: {  	(tm) =	ssettm $0x1  }
0x91: {  	s17 =	sld [smem:$0x3FFB];
	_ =	sdelay $0x3  }
0x92: {  	_ =	strace s17  }
0x93: {  	s2 =	sld [smem:$0x3FFC];
	_ =	sdelay $0x3  }
0x94: {  	_ =	strace s2  }
0x95: {  	s2 =	sld [smem:$0x3FFD];
	_ =	sdelay $0x3  }
0x96: {  	_ =	strace s2  }
0x97: {  	_ =	strace $0x8FFFFFFF  }
0x98: {  	s18 =	sld [smem:$0x3FDB];
	_ =	sdelay $0x1  }
0x99: {  	s19 =	simm.s32 $_scs_section_size  }
0x9a: {  	s4 =	simm.s32 $_size__tile_overlayer_lowered;
	s5 =	simm.s32 $_tile_overlayer_lowered  }
0x9b: {  	s22 =	simm.s32 $0x1BFF;
	s21 =	sshll.u32 s5, $0x1;
	s2 =	sadd.s32 s19, s18  }
0x9c: {  	s6 =	simm.s32 $0x0;
	s20 =	sshll.u32 s4, $0x1;
	s4 =	sadd.s32 s21, s2  }
0x9d: {  	[timem:s6], [sflag:s22] =	dma.local [hbm:s4], s20  }
0x9e: {  	_ =	swait.ge [sflag:s22], s20  }
0x9f: {  	s3 =	ssub.s32 $0x0, s20;
	[sflag:s22] =	ssyncset.done $0x0  }
0xa0: {  	[sflag:s22] =	ssyncadd.s32 s3;
	_ =	sdelay $0x1  }
0xa1: {  	s23 =	simm.s32 $0x1B8B  }
0xa2: {  	_ =	swait.ge [sflag:s23], $0x1  }
0xa3: {  	[sflag:s23] =	ssyncset.done $0x0  }
0xa4: {  	s25 =	simm.s32 $0x1B8E;
	s24 =	sld [smem:$0x3FFE];
	[sflag:s23] =	ssyncadd.s32 $0xFFFFFFFF  }
0xa5: {  	s26 =	simm.s32 $execute0_lowered;
	[smem:$0x3FD2] =	sst s25  }
0xa6: {  	s4 =	sshll.u32 s26, $0x1;
	_ =	strace $0x8000004C;
	[dreg:$0x1] =	wrdreg $0xFFFFFFFF  }
0xa7: {  	s28 =	simm.s32 $_size_execute0_lowered;
	s2 =	sadd.s32 s2, s4;
	[dreg:$0x0] =	wrdreg $0x0  }
0xa8: {  	s4 =	sshll.u32 s28, $0x1;
	[dreg:$0x2] =	wrdreg s2  }
0xa9: {  	[dreg:$0x3] =	wrdreg s4  }
0xaa: {  	[dreg:$0x4] =	wrdreg $0xC0  }
0xab: {  	_ =	task [dreg:s6], $0x5FFFF  }
0xac: {  	[dreg:$0x1] =	wrdreg $0xFFFFFFFF  }
0xad: {  	[dreg:$0x0] =	wrdreg $0x60  }
0xae: {  	[dreg:$0x2] =	wrdreg s24  }
0xaf: {  	[dreg:$0x3] =	wrdreg $0xE2400  }
0xb0: {  	[dreg:$0x4] =	wrdreg $0x9  }
0xb1: {  	_ =	task.clear_ibuf [dreg:s6], $0x5FFFF;
	_ =	strace $0x9000004C  }
0xb2: {  	s29 =	simm.s32 $0x9;
	_ =	strace $0x8000004E  }
0xb3: {  	_ =	swait.ge [sflag:s29], $0x1  }
0xb4: {  	[sflag:s29] =	ssyncadd.s32 $0xFFFFFFFF  }
0xb5: {  	_ =	strace $0x9000004E  }
0xb6: {  	_ =	sfence  }
0xb7: {  	s30 =	sld [smem:$0x0];
	_ =	sdelay $0x2  }
0xb8: {  	s31 =	sshll.u32 s1, $0xD;
	s1 =	sshrl.u32 s1, $0x2  }
0xb9: {  	s3 =	sand.u32 $0x4000, s31;
	s1 =	sadd.s32 s1, s30  }
0xba: {  	s0 =	sor.u32 s3, s0;
	s1 =	sshll.u32 s1, $0x11  }
0xbb: {  	s0 =	sor.u32 s1, s0  }
0xbc: {  	s0 =	sadd.s32 $0x8F2B, s0  }
0xbd: {  	[sflag:s0] =	ssyncadd.remote.s32 $0x1  }
0xbe: {  	_ =	sfence.sel $0xFFFF  }
0xbf: {  	[dreg:$0x0] =	wrdreg $0xFFFFFFFF;
	(pc) =	sbr.abs _section_cstart, $3  }
0xc0: {  	[dreg:$0x1] =	wrdreg $0xFFFFFFFF  }
0xc1: {  	_ =	task.clear_ibuf [dreg:s6], $0x2FFFF;
	_ =	strace $0x9FFFFFFF  }
0xc2: {  	(tm) =	ssettm $0x7FFFFFFF  }
0xc3: {  	_ =	shalt  }
tec
execute0_lowered:
.L_overlay_start_1:
0x0: {  	(tag) =	ssettag $0x1  }
0x1: {  	s4 =	rddreg [dreg:$0x0]  }
0x2: {  	s2 =	rddreg [dreg:$0x1]  }
0x3: {  	s0 =	rddreg [dreg:$0x2];
	s3 =	simm.s32 $0x0;
	s1 =	stileid.u32  }
0x4: {  	s5 =	srdreg.scid;
	s23 =	simm.s32 $0x50;
	s24 =	simm.s32 $0x9C40  }
0x5: {  	s25 =	simm.s32 $0x0;
	[smem:$0x7FF] =	sst s3;
	s6 =	smul.u32 $0x9C4, s1  }
0x6: {  	s10 =	sand.u32 $0x1, s5;
	s14 =	sadd.s32 $0x15C00, s4;
	s12 =	smul.u32 $0x3200, s1  }
0x7: {  	s18 =	sadd.s32 $0x3CE00, s4;
	p0 =	sgt.u32 s1, $0x1;
	s11 =	smul.u32 $0x9C400, s10  }
0x8: {  	_ =	strace $0x8000004D;
	s5 =	ssub.s32 $0x2, s10;
	s21 =	smul.u32 $0x13880, s10  }
0x9: {  	s6 =	sadd.s32 s6, s4;
	s30 =	sshrl.u32 s5, $0x1;
	s9 =	sadd.s32 $0x32000, s12  }
0xa: {  	s13 =	sadd.s32 $0x64000, s12;
	s20 =	sadd.s32 $0x96000, s12;
	s19 =	ssub.s32 s5, s30  }
0xb: {  	s31 =	sadd.s32 s12, s11;
	s4 =	sadd.s32 $0x2000, s6;
	s7 =	sadd.s32 s11, s9  }
0xc: {  	s5 =	sadd.s32 $0xBE00, s6;
	s9 =	sadd.s32 s9, s2;
	s17 =	sadd.s32 s11, s13  }
0xd: {  	s15 =	sshrl.u32 s31, $0x3;
	s16 =	sshrl.u32 s7, $0x3;
	s7 =	sadd.s32 s12, s2  }
0xe: {  	s17 =	sshrl.u32 s17, $0x3;
	s12 =	sadd.s32 s11, s20;
	s11 =	sadd.s32 s13, s2  }
0xf: {  	s13 =	sadd.s32 s20, s2;
	s19 =	smax.u32 s19, $0x1;
	s20 =	simm.s32 $0x1  }
0x10: {  	s6 =	sadd.s32 s14, s15;
	s8 =	sadd.s32 s14, s16;
	s10 =	sadd.s32 s14, s17  }
0x11: {  	s22 =	sshrl.u32 s12, $0x3;
	s15 =	sadd.s32 s18, s15;
	s16 =	sadd.s32 s18, s16  }
0x12: {  	s17 =	sadd.s32 s18, s17;
	s12 =	sadd.s32 s14, s22;
	s14 =	sadd.s32 s14, s21  }
0x13: {  	s18 =	sadd.s32 s18, s22;
	s21 =	simm.s32 $0x4E20;
	s22 =	simm.s32 $0xB040  }
.LBB2_1:
0x14: {  	[tilespmem:s3], [sflag:$0x1] =	stream.linear.gather [hbm4b:s4+s3], $0x4E20, $0x38;
	[tilespmem:$0x17E80] =	vst v63  }
0x15: {  	_ =	swait.ge [sflag:s20], $0x4E20  }
0x16: {  	[sflag:s20] =	ssyncset.done $0x0  }
0x17: {  	[sflag:s20] =	ssyncadd.s32 $0xFFFFB1E0  }
0x18: {  	[tilespmem:s21], [sflag:$0x1] =	stream.linear.gather [hbm4b:s5+s3], $0x4E20, $0x38;
	[tilespmem:$0x17E80] =	vst v63  }
0x19: {  	_ =	swait.ge [sflag:s20], $0x4E20  }
0x1a: {  	[sflag:s20] =	ssyncset.done $0x0  }
0x1b: {  	[sflag:s20] =	ssyncadd.s32 $0xFFFFB1E0  }
0x1c: {  	[tilespmem:s22], [sflag:$0x1] =	stream.linear.gather [hbm4b:s6+s3], $0x3200, $0x38;
	[tilespmem:$0x17E80] =	vst v63  }
0x1d: {  	_ =	swait.ge [sflag:s20], $0x3200  }
0x1e: {  	[sflag:s20] =	ssyncset.done $0x0  }
0x1f: {  	[sflag:s20] =	ssyncadd.s32 $0xFFFFCE00  }
0x20: {  	[spmem:s7] =	stream.linear.scatter [tilespmem:s22], [sflag:$0x1], $0x3200, $0x38;
	[tilespmem:$0x17E80] =	vst v63  }
0x21: {  	_ =	swait.ge [sflag:s20], $0x3200  }
0x22: {  	[sflag:s20] =	ssyncset.done $0x0  }
0x23: {  	[sflag:s20] =	ssyncadd.s32 $0xFFFFCE00  }
0x24: {  	[tilespmem:s22], [sflag:$0x1] =	stream.linear.gather [hbm4b:s8+s3], $0x3200, $0x38;
	[tilespmem:$0x17E80] =	vst v63  }
0x25: {  	_ =	swait.ge [sflag:s20], $0x3200  }
0x26: {  	[sflag:s20] =	ssyncset.done $0x0  }
0x27: {  	[sflag:s20] =	ssyncadd.s32 $0xFFFFCE00  }
0x28: {  	[spmem:s9] =	stream.linear.scatter [tilespmem:s22], [sflag:$0x1], $0x3200, $0x38;
	[tilespmem:$0x17E80] =	vst v63  }
0x29: {  	_ =	swait.ge [sflag:s20], $0x3200  }
0x2a: {  	[sflag:s20] =	ssyncset.done $0x0  }
0x2b: {  	[sflag:s20] =	ssyncadd.s32 $0xFFFFCE00  }
0x2c: {  	[tilespmem:s22], [sflag:$0x1] =	stream.linear.gather [hbm4b:s10+s3], $0x3200, $0x38;
	[tilespmem:$0x17E80] =	vst v63  }
0x2d: {  	_ =	swait.ge [sflag:s20], $0x3200  }
0x2e: {  	[sflag:s20] =	ssyncset.done $0x0  }
0x2f: {  	[sflag:s20] =	ssyncadd.s32 $0xFFFFCE00  }
0x30: {  	[spmem:s11] =	stream.linear.scatter [tilespmem:s22], [sflag:$0x1], $0x3200, $0x38;
	[tilespmem:$0x17E80] =	vst v63  }
0x31: {  	_ =	swait.ge [sflag:s20], $0x3200  }
0x32: {  	[sflag:s20] =	ssyncset.done $0x0  }
0x33: {  	s26 =	simm.s32 @!p0 $0x0;
	s28 =	simm.s32 @!p0 $0xB040;
	[sflag:s20] =	ssyncadd.s32 $0xFFFFCE00  }
0x34: {  	[tilespmem:s28], [sflag:$0x1] =	stream.linear.gather @!p0 [hbm4b:s12+s26], $0x3200, $0x38;
	[tilespmem:$0x17E80] =	vst v63  }
0x35: {  	s26 =	simm.s32 @!p0 $0x1  }
0x36: {  	_ =	swait.ge @!p0 [sflag:s26], $0x3200  }
0x37: {  	[sflag:s26] =	ssyncset.done @!p0 $0x0  }
0x38: {  	[sflag:s26] =	ssyncadd.s32 @!p0 $0xFFFFCE00  }
0x39: {  	[spmem:s13] =	stream.linear.scatter @!p0 [tilespmem:s28], [sflag:$0x1], $0x3200, $0x38;
	[tilespmem:$0x17E80] =	vst v63  }
0x3a: {  	_ =	swait.ge @!p0 [sflag:s26], $0x3200  }
0x3b: {  	[sflag:s26] =	ssyncset.done @!p0 $0x0  }
0x3c: {  	[sflag:s26] =	ssyncadd.s32 @!p0 $0xFFFFCE00  }
0x3d: {  	s30 =	simm.s32 $0x0;
	[bflag:$0x0] =	sbarrier.arrive $0xFFFF  }
0x3e: {  	[tilespmem:s24], [sflag:$0x1] =	stream.indirect.gather [hbm4b:s14+s23], $0x40, s30, s23, $0xb8;
	[tilespmem:$0x17E80] =	vst v63  }
0x3f: {  	_ =	swait.ge [sflag:s20], $0x1400  }
0x40: {  	[sflag:s20] =	ssyncset.done $0x0  }
0x41: {  	s31 =	simm.s32 $0x4E20;
	[sflag:s20] =	ssyncadd.s32 $0xFFFFEC00  }
0x42: {  	[spmem:s2] =	stream.indirect.scatter.add.f32 [tilespmem:s24], [sflag:$0x1], $0x40, s31, s23, $0xb8;
	[tilespmem:$0x17E80] =	vst v63  }
0x43: {  	_ =	swait.ge [sflag:s20], $0x1400  }
0x44: {  	s28 =	simm.s32 $0x280;
	s26 =	simm.s32 $0x140;
	[sflag:s20] =	ssyncset.done $0x0  }
.LBB2_2:
0x45: {  	s29 =	sshra.s32 s26, $0x2  }
0x46: {  	[sflag:s20] =	ssyncadd.s32 $0xFFFFEC00;
	s26 =	smov.u32 s28;
	s30 =	sadd.s32 $0x140, s28  }
0x47: {  	[tilespmem:s24], [sflag:$0x1] =	stream.indirect.gather [hbm4b:s14+s23], $0x40, s29, s23, $0xb8;
	[tilespmem:$0x17E80] =	vst v63  }
0x48: {  	p1 =	sne.s32 s28, $0x13740;
	_ =	swait.ge [sflag:s20], $0x1400  }
.Ltmp0:
0x49: {  	[sflag:s20] =	ssyncset.done $0x0;
	(pc) =	sbr.rel @p1 .LBB2_2-.Ltmp0, $4  }
0x4a: {  	s28 =	sadd.s32 $0x4E20, s29;
	[sflag:s20] =	ssyncadd.s32 $0xFFFFEC00  }
0x4b: {  	[spmem:s2] =	stream.indirect.scatter.add.f32 [tilespmem:s24], [sflag:$0x1], $0x40, s28, s23, $0xb8;
	[tilespmem:$0x17E80] =	vst v63  }
0x4c: {  	_ =	swait.ge [sflag:s20], $0x1400  }
0x4d: {  	s28 =	smov.u32 s30;
	[sflag:s20] =	ssyncset.done $0x0  }
0x4e: {  	s26 =	sshra.s32 s26, $0x2;
	[sflag:s20] =	ssyncadd.s32 $0xFFFFEC00  }
0x4f: {  	[tilespmem:s24], [sflag:$0x1] =	stream.indirect.gather [hbm4b:s14+s23], $0x40, s26, s23, $0xb8;
	[tilespmem:$0x17E80] =	vst v63  }
0x50: {  	_ =	swait.ge [sflag:s20], $0x1400  }
0x51: {  	[sflag:s20] =	ssyncset.done $0x0  }
0x52: {  	s26 =	sadd.s32 $0x4E20, s26;
	[sflag:s20] =	ssyncadd.s32 $0xFFFFEC00  }
0x53: {  	[spmem:s2] =	stream.indirect.scatter.add.f32 [tilespmem:s24], [sflag:$0x1], $0x40, s26, s23, $0xb8;
	[tilespmem:$0x17E80] =	vst v63  }
0x54: {  	_ =	swait.ge [sflag:s20], $0x1400  }
0x55: {  	[sflag:s20] =	ssyncset.done $0x0  }
0x56: {  	[sflag:s20] =	ssyncadd.s32 $0xFFFFEC00  }
0x57: {  	[bflag:$0x0] =	sbarrier.arrive $0xFFFF  }
0x58: {  	[tilespmem:s22], [sflag:$0x1] =	stream.linear.gather [spmem:s7], $0x3200, $0x38;
	[tilespmem:$0x17E80] =	vst v63  }
0x59: {  	_ =	swait.ge [sflag:s20], $0x3200  }
0x5a: {  	[sflag:s20] =	ssyncset.done $0x0  }
0x5b: {  	[sflag:s20] =	ssyncadd.s32 $0xFFFFCE00  }
0x5c: {  	[hbm4b:s15+s3] =	stream.linear.scatter [tilespmem:s22], [sflag:$0x1], $0x3200, $0x38;
	[tilespmem:$0x17E80] =	vst v63  }
0x5d: {  	_ =	swait.ge [sflag:s20], $0x3200  }
0x5e: {  	[sflag:s20] =	ssyncset.done $0x0  }
0x5f: {  	[sflag:s20] =	ssyncadd.s32 $0xFFFFCE00  }
0x60: {  	[tilespmem:s22], [sflag:$0x1] =	stream.linear.gather [spmem:s9], $0x3200, $0x38;
	[tilespmem:$0x17E80] =	vst v63  }
0x61: {  	_ =	swait.ge [sflag:s20], $0x3200  }
0x62: {  	[sflag:s20] =	ssyncset.done $0x0  }
0x63: {  	[sflag:s20] =	ssyncadd.s32 $0xFFFFCE00  }
0x64: {  	[hbm4b:s16+s3] =	stream.linear.scatter [tilespmem:s22], [sflag:$0x1], $0x3200, $0x38;
	[tilespmem:$0x17E80] =	vst v63  }
0x65: {  	_ =	swait.ge [sflag:s20], $0x3200  }
0x66: {  	[sflag:s20] =	ssyncset.done $0x0  }
0x67: {  	[sflag:s20] =	ssyncadd.s32 $0xFFFFCE00  }
0x68: {  	[tilespmem:s22], [sflag:$0x1] =	stream.linear.gather [spmem:s11], $0x3200, $0x38;
	[tilespmem:$0x17E80] =	vst v63  }
0x69: {  	_ =	swait.ge [sflag:s20], $0x3200  }
0x6a: {  	[sflag:s20] =	ssyncset.done $0x0  }
0x6b: {  	[sflag:s20] =	ssyncadd.s32 $0xFFFFCE00  }
0x6c: {  	[hbm4b:s17+s3] =	stream.linear.scatter [tilespmem:s22], [sflag:$0x1], $0x3200, $0x38;
	[tilespmem:$0x17E80] =	vst v63  }
0x6d: {  	_ =	swait.ge [sflag:s20], $0x3200  }
0x6e: {  	[sflag:s20] =	ssyncset.done $0x0  }
0x6f: {  	s28 =	simm.s32 @!p0 $0x1;
	s26 =	simm.s32 @!p0 $0xB040;
	[sflag:s20] =	ssyncadd.s32 $0xFFFFCE00  }
0x70: {  	[tilespmem:s26], [sflag:$0x1] =	stream.linear.gather @!p0 [spmem:s13], $0x3200, $0x38;
	[tilespmem:$0x17E80] =	vst v63  }
0x71: {  	s25 =	sadd.s32 $0x1, s25;
	_ =	swait.ge @!p0 [sflag:s28], $0x3200  }
0x72: {  	p1 =	sne.s32 s25, s19;
	[sflag:s28] =	ssyncset.done @!p0 $0x0  }
.Ltmp1:
0x73: {  	s29 =	simm.s32 @!p0 $0x0;
	[sflag:s28] =	ssyncadd.s32 @!p0 $0xFFFFCE00;
	(pc) =	sbr.rel @p1 .LBB2_1-.Ltmp1, $4  }
0x74: {  	[hbm4b:s18+s29] =	stream.linear.scatter @!p0 [tilespmem:s26], [sflag:$0x1], $0x3200, $0x38;
	[tilespmem:$0x17E80] =	vst v63  }
0x75: {  	_ =	swait.ge @!p0 [sflag:s28], $0x3200  }
0x76: {  	[sflag:s28] =	ssyncset.done @!p0 $0x0  }
0x77: {  	[sflag:s28] =	ssyncadd.s32 @!p0 $0xFFFFCE00  }
0x78: {  	_ =	sfence.sel $0x180000  }
0x79: {  	[bflag:$0x0] =	sbarrier.arrive $0xFFFF  }
0x7a: {  	p0 =	sne.s32 s1, $0x0;
	_ =	strace $0x9000004D  }
0x7b: {  	s0 =	sadd.s32 @!p0 $0x100000, s0;
	[bflag:$0x2] =	sbarrier.arrive $0xFFFF  }
0x7c: {  	[sflag:s0] =	ssyncadd.tile.s32 @!p0 $0x1;
	_ =	shalt  }
.Lfunc_end2:
_tile_overlayer_lowered:
.L_overlay_start_2:
0x7d: {  	(tag) =	ssettag $0x2  }
0x7e: {  	s0 =	rddreg [dreg:$0x0];
	s2 =	stileid.u32  }
0x7f: {  	s1 =	rddreg [dreg:$0x1];
	p0 =	sne.s32 s2, $0x0  }
0x80: {  	s3 =	rddreg [dreg:$0x2];
	[bflag:$0x3] =	sbarrier.arrive $0xFFFF;
	s2 =	simm.s32 @!p0 $0x1C01  }
0x81: {  	[timem:s3], [sflag:s2] =	dma.local @!p0 [hbm:s0], s1  }
0x82: {  	s0 =	simm.s32 @!p0 $0x1  }
0x83: {  	_ =	swait.ge @!p0 [sflag:s0], s1  }
0x84: {  	s1 =	ssub.s32 @!p0 $0x0, s1;
	[sflag:s0] =	ssyncset.done @!p0 $0x0  }
0x85: {  	[sflag:s0] =	ssyncadd.s32 @!p0 s1  }
0x86: {  	[bflag:$0x3] =	sbarrier.arrive $0xFFFF  }
0x87: {  	_ =	shalt  }

// kernel: kernel.20.cloned.1.call-start
scs
__scs_entry_jumppad:
0x0: {  	(pc) =	sbr.rel $0x88, $3  }
0x1: {  	(tag) =	ssettag $0x0;
	lr =	simm.s32 $0x1  }
0x2: {  	[smem:$0x3F97] =	sst lr;
	_ =	strace $0xD0000000  }
0x3: {  	_ = 	snop  }
0x4: {  	_ = 	snop  }
0x5: {  	_ = 	snop  }
0x6: {  	_ = 	snop  }
0x7: {  	_ = 	snop  }
__scs_overlays_trampoline_lowered:
0x8: {  	[smem:$0x3FA6] =	sst s0  }
0x9: {  	[smem:$0x3FA7] =	sst s1  }
0xa: {  	[smem:$0x3FA8] =	sst s2  }
0xb: {  	[smem:$0x3FA9] =	sst s3  }
0xc: {  	[smem:$0x3FAA] =	sst s4  }
0xd: {  	[smem:$0x3FAB] =	sst s5  }
0xe: {  	[smem:$0x3FAC] =	sst s6  }
0xf: {  	[smem:$0x3FAD] =	sst s7  }
0x10: {  	[smem:$0x3FAE] =	sst s8  }
0x11: {  	[smem:$0x3FAF] =	sst s9;
	s0 =	simm.s32 @!p0 $0x0  }
0x12: {  	s1 =	sld [smem:$0x3F95];
	s0 =	simm.s32 @p0 $0x1  }
0x13: {  	[smem:$0x3FB0] =	sst s0;
	s0 =	simm.s32 @!p1 $0x0  }
0x14: {  	s2 =	sld [smem:$0x3F94];
	s0 =	simm.s32 @p1 $0x1  }
0x15: {  	[smem:$0x3FB1] =	sst s0;
	s0 =	simm.s32 @!p2 $0x0  }
0x16: {  	s3 =	sld [smem:$0x3FDB];
	s0 =	simm.s32 @p2 $0x1  }
0x17: {  	s4 =	simm.s32 $0x1BF5;
	[smem:$0x3FB3] =	sst s0  }
0x18: {  	s0 =	sld [smem:$0x3F96];
	_ =	swait.ge [sflag:s4], $0x0  }
0x19: {  	s7 =	sld [smem:$0x3F97]  }
0x1a: {  	s8 =	sadd.s32 $0xFFFFE003, lr  }
0x1b: {  	s9 =	sadd.s32 $0xFFFFFEF7, lr;
	s5 =	simm.s32 $0xFFFFFFFF;
	p2 =	slt.u32 s8, $0xFFFFF086  }
0x1c: {  	p1 =	slt.u32 s9, $0xF7A;
	s5 =	simm.s32 @!p2 $0x0  }
0x1d: {  	s5 =	simm.s32 @p1 $0x1;
	p0 =	seq.s32 s7, s2  }
0x1e: {  	s7 =	smul.u32 @!p0 $0xF7A, s2;
	p2 =	seq.s32 @!p0 s5, $0x0  }
0x1f: {  	s9 =	smul.u32 $0xF7A, s1;
	s8 =	simm.s32 @!p0 $0x1BF5;
	p2 =	por !p2, p0  }
0x20: {  	[sflag:s8] =	ssyncset.s32 @!p0 $0xFFFFF086;
	s6 =	sadd.s32 @!p0 s3, s7;
	s7 =	simm.s32 @!p0 $0x108  }
0x21: {  	s3 =	sadd.s32 s3, s9;
	s6 =	sadd.s32 @!p0 $0x88, s6;
	s7 =	simm.s32 @p2 $0x1082  }
0x22: {  	[simem:s7], [sflag:s8] =	dma.local @!p0 [hbm:s6], $0xF7A  }
0x23: {  	s9 =	sor.u32 $0xD0000000, s2;
	s6 =	simm.s32 $0x108;
	_ =	swait.ge @!p0 [sflag:s8], $0x0  }
0x24: {  	s3 =	sadd.s32 $0x88, s3;
	s6 =	simm.s32 @!p1 $0x1082;
	[sflag:s4] =	ssyncset.s32 $0xFFFFF086  }
0x25: {  	[simem:s6], [sflag:s4] =	dma.local [hbm:s3], $0xF7A  }
0x26: {  	[smem:$0x3F97] =	sst s1;
	(tag) =	ssettag s2;
	_ =	strace s9  }
0x27: {  	s1 =	sld [smem:$0x3FA7]  }
0x28: {  	s2 =	sld [smem:$0x3FA8]  }
0x29: {  	s4 =	sld [smem:$0x3FAA]  }
0x2a: {  	p0 =	seq.s32 s5, $0x0;
	s5 =	sld [smem:$0x3FAB]  }
0x2b: {  	s6 =	sld [smem:$0x3FAC]  }
0x2c: {  	s7 =	sld [smem:$0x3FAD]  }
0x2d: {  	s3 =	simm.s32 $0x108;
	s8 =	sld [smem:$0x3FAE]  }
0x2e: {  	s3 =	simm.s32 @!p0 $0x1082;
	s9 =	sld [smem:$0x3FAF]  }
0x2f: {  	lr =	sadd.s32 s0, s3;
	s0 =	sld [smem:$0x3FA6]  }
0x30: {  	s3 =	sld [smem:$0x3FA9]  }
0x31: {  	[smem:$0x3FB2] =	sst s10  }
0x32: {  	s10 =	sld [smem:$0x3FB0];
	_ =	sdelay $0x3  }
0x33: {  	p0 =	seq.s32 s10, $0x1;
	s10 =	sld [smem:$0x3FB2];
	_ =	sdelay $0x3  }
0x34: {  	[smem:$0x3FB2] =	sst s10  }
0x35: {  	s10 =	sld [smem:$0x3FB1];
	_ =	sdelay $0x3  }
0x36: {  	p1 =	seq.s32 s10, $0x1;
	s10 =	sld [smem:$0x3FB2];
	_ =	sdelay $0x3  }
0x37: {  	[smem:$0x3FB2] =	sst s10  }
0x38: {  	s10 =	sld [smem:$0x3FB3]  }
0x39: {  	_ = 	snop;
	(pc) =	sbr.ind lr, $3  }
0x3a: {  	_ = 	snop  }
0x3b: {  	_ = 	snop  }
0x3c: {  	p2 =	seq.s32 s10, $0x1;
	s10 =	sld [smem:$0x3FB2]  }
0x3d: {  	_ =	shalt  }
0x3e: {  	_ =	shalt  }
0x3f: {  	_ =	shalt  }
0x40: {  	_ =	shalt  }
0x41: {  	_ =	shalt  }
0x42: {  	_ =	shalt  }
0x43: {  	_ =	shalt  }
0x44: {  	_ =	shalt  }
0x45: {  	_ =	shalt  }
0x46: {  	_ =	shalt  }
0x47: {  	_ =	shalt  }
0x48: {  	_ =	shalt  }
0x49: {  	_ =	shalt  }
0x4a: {  	_ =	shalt  }
0x4b: {  	_ =	shalt  }
0x4c: {  	_ =	shalt  }
0x4d: {  	_ =	shalt  }
0x4e: {  	_ =	shalt  }
0x4f: {  	_ =	shalt  }
0x50: {  	_ =	shalt  }
0x51: {  	_ =	shalt  }
0x52: {  	_ =	shalt  }
0x53: {  	_ =	shalt  }
0x54: {  	_ =	shalt  }
0x55: {  	_ =	shalt  }
0x56: {  	_ =	shalt  }
0x57: {  	_ =	shalt  }
0x58: {  	_ =	shalt  }
0x59: {  	_ =	shalt  }
0x5a: {  	_ =	shalt  }
0x5b: {  	_ =	shalt  }
0x5c: {  	_ =	shalt  }
0x5d: {  	_ =	shalt  }
0x5e: {  	_ =	shalt  }
0x5f: {  	_ =	shalt  }
0x60: {  	_ =	shalt  }
0x61: {  	_ =	shalt  }
0x62: {  	_ =	shalt  }
0x63: {  	_ =	shalt  }
0x64: {  	_ =	shalt  }
0x65: {  	_ =	shalt  }
0x66: {  	_ =	shalt  }
0x67: {  	_ =	shalt  }
0x68: {  	_ =	shalt  }
0x69: {  	_ =	shalt  }
0x6a: {  	_ =	shalt  }
0x6b: {  	_ =	shalt  }
0x6c: {  	_ =	shalt  }
0x6d: {  	_ =	shalt  }
0x6e: {  	_ =	shalt  }
0x6f: {  	_ =	shalt  }
0x70: {  	_ =	shalt  }
0x71: {  	_ =	shalt  }
0x72: {  	_ =	shalt  }
0x73: {  	_ =	shalt  }
0x74: {  	_ =	shalt  }
0x75: {  	_ =	shalt  }
0x76: {  	_ =	shalt  }
0x77: {  	_ =	shalt  }
0x78: {  	_ =	shalt  }
0x79: {  	_ =	shalt  }
0x7a: {  	_ =	shalt  }
0x7b: {  	_ =	shalt  }
0x7c: {  	_ =	shalt  }
0x7d: {  	_ =	shalt  }
0x7e: {  	_ =	shalt  }
0x7f: {  	_ =	shalt  }
0x80: {  	_ =	shalt  }
0x81: {  	_ =	shalt  }
0x82: {  	_ =	shalt  }
0x83: {  	_ =	shalt  }
0x84: {  	_ =	shalt  }
0x85: {  	_ =	shalt  }
0x86: {  	_ =	shalt  }
0x87: {  	_ =	shalt  }
.Lfunc_end0:
.L_simem_size_0:
called_computation.3_lowered:
.L_overlay_start_0:
0x88: {  	s2 =	sld [smem:$0x3FD9]  }
0x89: {  	s3 =	sld [smem:$0x3FFE];
	_ =	sdelay $0x1  }
0x8a: {  	s1 =	srdreg.scid  }
0x8b: {  	s0 =	sand.u32 $0x1, s1  }
0x8c: {  	s16 =	sshll.u32 s0, $0xA;
	s2 =	sadd.s32 s3, s2  }
0x8d: {  	s2 =	sadd.s32 s2, s16  }
0x8e: {  	[smem:$0x3FBE] =	sst s2  }
0x8f: {  	_ = 	snop  }
0x90: {  	(tm) =	ssettm $0x1  }
0x91: {  	s17 =	sld [smem:$0x3FFB];
	_ =	sdelay $0x3  }
0x92: {  	_ =	strace s17  }
0x93: {  	s2 =	sld [smem:$0x3FFC];
	_ =	sdelay $0x3  }
0x94: {  	_ =	strace s2  }
0x95: {  	s2 =	sld [smem:$0x3FFD];
	_ =	sdelay $0x3  }
0x96: {  	_ =	strace s2  }
0x97: {  	_ =	strace $0x8FFFFFFF  }
0x98: {  	s18 =	sld [smem:$0x3FDB];
	_ =	sdelay $0x1  }
0x99: {  	s19 =	simm.s32 $_scs_section_size  }
0x9a: {  	s4 =	simm.s32 $_size__tile_overlayer_lowered;
	s5 =	simm.s32 $_tile_overlayer_lowered  }
0x9b: {  	s22 =	simm.s32 $0x1BFF;
	s21 =	sshll.u32 s5, $0x1;
	s2 =	sadd.s32 s19, s18  }
0x9c: {  	s6 =	simm.s32 $0x0;
	s20 =	sshll.u32 s4, $0x1;
	s4 =	sadd.s32 s21, s2  }
0x9d: {  	[timem:s6], [sflag:s22] =	dma.local [hbm:s4], s20  }
0x9e: {  	_ =	swait.ge [sflag:s22], s20  }
0x9f: {  	s3 =	ssub.s32 $0x0, s20;
	[sflag:s22] =	ssyncset.done $0x0  }
0xa0: {  	[sflag:s22] =	ssyncadd.s32 s3;
	_ =	sdelay $0x1  }
0xa1: {  	s23 =	simm.s32 $0x1B8B  }
0xa2: {  	_ =	swait.ge [sflag:s23], $0x1  }
0xa3: {  	[sflag:s23] =	ssyncset.done $0x0  }
0xa4: {  	s25 =	simm.s32 $0x1B8E;
	s24 =	sld [smem:$0x3FFE];
	[sflag:s23] =	ssyncadd.s32 $0xFFFFFFFF  }
0xa5: {  	s26 =	simm.s32 $execute0_lowered;
	[smem:$0x3FD2] =	sst s25  }
0xa6: {  	s4 =	sshll.u32 s26, $0x1;
	_ =	strace $0x8000004F;
	[dreg:$0x1] =	wrdreg $0xFFFFFFFF  }
0xa7: {  	s28 =	simm.s32 $_size_execute0_lowered;
	s2 =	sadd.s32 s2, s4;
	[dreg:$0x0] =	wrdreg $0x0  }
0xa8: {  	s4 =	sshll.u32 s28, $0x1;
	[dreg:$0x2] =	wrdreg s2  }
0xa9: {  	[dreg:$0x3] =	wrdreg s4  }
0xaa: {  	[dreg:$0x4] =	wrdreg $0xC0  }
0xab: {  	_ =	task [dreg:s6], $0x5FFFF  }
0xac: {  	[dreg:$0x1] =	wrdreg $0xFFFFFFFF  }
0xad: {  	[dreg:$0x0] =	wrdreg $0x60  }
0xae: {  	[dreg:$0x2] =	wrdreg s24  }
0xaf: {  	[dreg:$0x3] =	wrdreg $0xE2400  }
0xb0: {  	[dreg:$0x4] =	wrdreg $0x9  }
0xb1: {  	_ =	task.clear_ibuf [dreg:s6], $0x5FFFF;
	_ =	strace $0x9000004F  }
0xb2: {  	s29 =	simm.s32 $0x9;
	_ =	strace $0x80000051  }
0xb3: {  	_ =	swait.ge [sflag:s29], $0x1  }
0xb4: {  	[sflag:s29] =	ssyncadd.s32 $0xFFFFFFFF  }
0xb5: {  	_ =	strace $0x90000051  }
0xb6: {  	_ =	sfence  }
0xb7: {  	s30 =	sld [smem:$0x0];
	_ =	sdelay $0x2  }
0xb8: {  	s31 =	sshll.u32 s1, $0xD;
	s1 =	sshrl.u32 s1, $0x2  }
0xb9: {  	s3 =	sand.u32 $0x4000, s31;
	s1 =	sadd.s32 s1, s30  }
0xba: {  	s0 =	sor.u32 s3, s0;
	s1 =	sshll.u32 s1, $0x11  }
0xbb: {  	s0 =	sor.u32 s1, s0  }
0xbc: {  	s0 =	sadd.s32 $0x8F2B, s0  }
0xbd: {  	[sflag:s0] =	ssyncadd.remote.s32 $0x1  }
0xbe: {  	_ =	sfence.sel $0xFFFF  }
0xbf: {  	[dreg:$0x0] =	wrdreg $0xFFFFFFFF;
	(pc) =	sbr.abs _section_cstart, $3  }
0xc0: {  	[dreg:$0x1] =	wrdreg $0xFFFFFFFF  }
0xc1: {  	_ =	task.clear_ibuf [dreg:s6], $0x2FFFF;
	_ =	strace $0x9FFFFFFF  }
0xc2: {  	(tm) =	ssettm $0x7FFFFFFF  }
0xc3: {  	_ =	shalt  }
tec
execute0_lowered:
.L_overlay_start_1:
0x0: {  	(tag) =	ssettag $0x1  }
0x1: {  	s4 =	rddreg [dreg:$0x0]  }
0x2: {  	s2 =	rddreg [dreg:$0x1]  }
0x3: {  	s0 =	rddreg [dreg:$0x2];
	s3 =	simm.s32 $0x0;
	s1 =	stileid.u32  }
0x4: {  	s5 =	srdreg.scid;
	s23 =	simm.s32 $0x50;
	s24 =	simm.s32 $0x9C40  }
0x5: {  	s25 =	simm.s32 $0x0;
	[smem:$0x7FF] =	sst s3;
	s6 =	smul.u32 $0x9C4, s1  }
0x6: {  	s10 =	sand.u32 $0x1, s5;
	s14 =	sadd.s32 $0x15C00, s4;
	s12 =	smul.u32 $0x3200, s1  }
0x7: {  	s18 =	sadd.s32 $0x3CE00, s4;
	p0 =	sgt.u32 s1, $0x1;
	s11 =	smul.u32 $0x9C400, s10  }
0x8: {  	_ =	strace $0x80000050;
	s5 =	ssub.s32 $0x2, s10;
	s21 =	smul.u32 $0x13880, s10  }
0x9: {  	s6 =	sadd.s32 s6, s4;
	s30 =	sshrl.u32 s5, $0x1;
	s9 =	sadd.s32 $0x32000, s12  }
0xa: {  	s13 =	sadd.s32 $0x64000, s12;
	s20 =	sadd.s32 $0x96000, s12;
	s19 =	ssub.s32 s5, s30  }
0xb: {  	s31 =	sadd.s32 s12, s11;
	s4 =	sadd.s32 $0x2000, s6;
	s7 =	sadd.s32 s11, s9  }
0xc: {  	s5 =	sadd.s32 $0xBE00, s6;
	s9 =	sadd.s32 s9, s2;
	s17 =	sadd.s32 s11, s13  }
0xd: {  	s15 =	sshrl.u32 s31, $0x3;
	s16 =	sshrl.u32 s7, $0x3;
	s7 =	sadd.s32 s12, s2  }
0xe: {  	s17 =	sshrl.u32 s17, $0x3;
	s12 =	sadd.s32 s11, s20;
	s11 =	sadd.s32 s13, s2  }
0xf: {  	s13 =	sadd.s32 s20, s2;
	s19 =	smax.u32 s19, $0x1;
	s20 =	simm.s32 $0x1  }
0x10: {  	s6 =	sadd.s32 s14, s15;
	s8 =	sadd.s32 s14, s16;
	s10 =	sadd.s32 s14, s17  }
0x11: {  	s22 =	sshrl.u32 s12, $0x3;
	s15 =	sadd.s32 s18, s15;
	s16 =	sadd.s32 s18, s16  }
0x12: {  	s17 =	sadd.s32 s18, s17;
	s12 =	sadd.s32 s14, s22;
	s14 =	sadd.s32 s14, s21  }
0x13: {  	s18 =	sadd.s32 s18, s22;
	s21 =	simm.s32 $0x4E20;
	s22 =	simm.s32 $0xB040  }
.LBB2_1:
0x14: {  	[tilespmem:s3], [sflag:$0x1] =	stream.linear.gather [hbm4b:s4+s3], $0x4E20, $0x38;
	[tilespmem:$0x17E80] =	vst v63  }
0x15: {  	_ =	swait.ge [sflag:s20], $0x4E20  }
0x16: {  	[sflag:s20] =	ssyncset.done $0x0  }
0x17: {  	[sflag:s20] =	ssyncadd.s32 $0xFFFFB1E0  }
0x18: {  	[tilespmem:s21], [sflag:$0x1] =	stream.linear.gather [hbm4b:s5+s3], $0x4E20, $0x38;
	[tilespmem:$0x17E80] =	vst v63  }
0x19: {  	_ =	swait.ge [sflag:s20], $0x4E20  }
0x1a: {  	[sflag:s20] =	ssyncset.done $0x0  }
0x1b: {  	[sflag:s20] =	ssyncadd.s32 $0xFFFFB1E0  }
0x1c: {  	[tilespmem:s22], [sflag:$0x1] =	stream.linear.gather [hbm4b:s6+s3], $0x3200, $0x38;
	[tilespmem:$0x17E80] =	vst v63  }
0x1d: {  	_ =	swait.ge [sflag:s20], $0x3200  }
0x1e: {  	[sflag:s20] =	ssyncset.done $0x0  }
0x1f: {  	[sflag:s20] =	ssyncadd.s32 $0xFFFFCE00  }
0x20: {  	[spmem:s7] =	stream.linear.scatter [tilespmem:s22], [sflag:$0x1], $0x3200, $0x38;
	[tilespmem:$0x17E80] =	vst v63  }
0x21: {  	_ =	swait.ge [sflag:s20], $0x3200  }
0x22: {  	[sflag:s20] =	ssyncset.done $0x0  }
0x23: {  	[sflag:s20] =	ssyncadd.s32 $0xFFFFCE00  }
0x24: {  	[tilespmem:s22], [sflag:$0x1] =	stream.linear.gather [hbm4b:s8+s3], $0x3200, $0x38;
	[tilespmem:$0x17E80] =	vst v63  }
0x25: {  	_ =	swait.ge [sflag:s20], $0x3200  }
0x26: {  	[sflag:s20] =	ssyncset.done $0x0  }
0x27: {  	[sflag:s20] =	ssyncadd.s32 $0xFFFFCE00  }
0x28: {  	[spmem:s9] =	stream.linear.scatter [tilespmem:s22], [sflag:$0x1], $0x3200, $0x38;
	[tilespmem:$0x17E80] =	vst v63  }
0x29: {  	_ =	swait.ge [sflag:s20], $0x3200  }
0x2a: {  	[sflag:s20] =	ssyncset.done $0x0  }
0x2b: {  	[sflag:s20] =	ssyncadd.s32 $0xFFFFCE00  }
0x2c: {  	[tilespmem:s22], [sflag:$0x1] =	stream.linear.gather [hbm4b:s10+s3], $0x3200, $0x38;
	[tilespmem:$0x17E80] =	vst v63  }
0x2d: {  	_ =	swait.ge [sflag:s20], $0x3200  }
0x2e: {  	[sflag:s20] =	ssyncset.done $0x0  }
0x2f: {  	[sflag:s20] =	ssyncadd.s32 $0xFFFFCE00  }
0x30: {  	[spmem:s11] =	stream.linear.scatter [tilespmem:s22], [sflag:$0x1], $0x3200, $0x38;
	[tilespmem:$0x17E80] =	vst v63  }
0x31: {  	_ =	swait.ge [sflag:s20], $0x3200  }
0x32: {  	[sflag:s20] =	ssyncset.done $0x0  }
0x33: {  	s26 =	simm.s32 @!p0 $0x0;
	s28 =	simm.s32 @!p0 $0xB040;
	[sflag:s20] =	ssyncadd.s32 $0xFFFFCE00  }
0x34: {  	[tilespmem:s28], [sflag:$0x1] =	stream.linear.gather @!p0 [hbm4b:s12+s26], $0x3200, $0x38;
	[tilespmem:$0x17E80] =	vst v63  }
0x35: {  	s26 =	simm.s32 @!p0 $0x1  }
0x36: {  	_ =	swait.ge @!p0 [sflag:s26], $0x3200  }
0x37: {  	[sflag:s26] =	ssyncset.done @!p0 $0x0  }
0x38: {  	[sflag:s26] =	ssyncadd.s32 @!p0 $0xFFFFCE00  }
0x39: {  	[spmem:s13] =	stream.linear.scatter @!p0 [tilespmem:s28], [sflag:$0x1], $0x3200, $0x38;
	[tilespmem:$0x17E80] =	vst v63  }
0x3a: {  	_ =	swait.ge @!p0 [sflag:s26], $0x3200  }
0x3b: {  	[sflag:s26] =	ssyncset.done @!p0 $0x0  }
0x3c: {  	[sflag:s26] =	ssyncadd.s32 @!p0 $0xFFFFCE00  }
0x3d: {  	s30 =	simm.s32 $0x0;
	[bflag:$0x0] =	sbarrier.arrive $0xFFFF  }
0x3e: {  	[tilespmem:s24], [sflag:$0x1] =	stream.indirect.gather [hbm4b:s14+s23], $0x40, s30, s23, $0xb8;
	[tilespmem:$0x17E80] =	vst v63  }
0x3f: {  	_ =	swait.ge [sflag:s20], $0x1400  }
0x40: {  	[sflag:s20] =	ssyncset.done $0x0  }
0x41: {  	s31 =	simm.s32 $0x4E20;
	[sflag:s20] =	ssyncadd.s32 $0xFFFFEC00  }
0x42: {  	[spmem:s2] =	stream.indirect.scatter.add.f32 [tilespmem:s24], [sflag:$0x1], $0x40, s31, s23, $0xb8;
	[tilespmem:$0x17E80] =	vst v63  }
0x43: {  	_ =	swait.ge [sflag:s20], $0x1400  }
0x44: {  	s28 =	simm.s32 $0x280;
	s26 =	simm.s32 $0x140;
	[sflag:s20] =	ssyncset.done $0x0  }
.LBB2_2:
0x45: {  	s29 =	sshra.s32 s26, $0x2  }
0x46: {  	[sflag:s20] =	ssyncadd.s32 $0xFFFFEC00;
	s26 =	smov.u32 s28;
	s30 =	sadd.s32 $0x140, s28  }
0x47: {  	[tilespmem:s24], [sflag:$0x1] =	stream.indirect.gather [hbm4b:s14+s23], $0x40, s29, s23, $0xb8;
	[tilespmem:$0x17E80] =	vst v63  }
0x48: {  	p1 =	sne.s32 s28, $0x13740;
	_ =	swait.ge [sflag:s20], $0x1400  }
.Ltmp0:
0x49: {  	[sflag:s20] =	ssyncset.done $0x0;
	(pc) =	sbr.rel @p1 .LBB2_2-.Ltmp0, $4  }
0x4a: {  	s28 =	sadd.s32 $0x4E20, s29;
	[sflag:s20] =	ssyncadd.s32 $0xFFFFEC00  }
0x4b: {  	[spmem:s2] =	stream.indirect.scatter.add.f32 [tilespmem:s24], [sflag:$0x1], $0x40, s28, s23, $0xb8;
	[tilespmem:$0x17E80] =	vst v63  }
0x4c: {  	_ =	swait.ge [sflag:s20], $0x1400  }
0x4d: {  	s28 =	smov.u32 s30;
	[sflag:s20] =	ssyncset.done $0x0  }
0x4e: {  	s26 =	sshra.s32 s26, $0x2;
	[sflag:s20] =	ssyncadd.s32 $0xFFFFEC00  }
0x4f: {  	[tilespmem:s24], [sflag:$0x1] =	stream.indirect.gather [hbm4b:s14+s23], $0x40, s26, s23, $0xb8;
	[tilespmem:$0x17E80] =	vst v63  }
0x50: {  	_ =	swait.ge [sflag:s20], $0x1400  }
0x51: {  	[sflag:s20] =	ssyncset.done $0x0  }
0x52: {  	s26 =	sadd.s32 $0x4E20, s26;
	[sflag:s20] =	ssyncadd.s32 $0xFFFFEC00  }
0x53: {  	[spmem:s2] =	stream.indirect.scatter.add.f32 [tilespmem:s24], [sflag:$0x1], $0x40, s26, s23, $0xb8;
	[tilespmem:$0x17E80] =	vst v63  }
0x54: {  	_ =	swait.ge [sflag:s20], $0x1400  }
0x55: {  	[sflag:s20] =	ssyncset.done $0x0  }
0x56: {  	[sflag:s20] =	ssyncadd.s32 $0xFFFFEC00  }
0x57: {  	[bflag:$0x0] =	sbarrier.arrive $0xFFFF  }
0x58: {  	[tilespmem:s22], [sflag:$0x1] =	stream.linear.gather [spmem:s7], $0x3200, $0x38;
	[tilespmem:$0x17E80] =	vst v63  }
0x59: {  	_ =	swait.ge [sflag:s20], $0x3200  }
0x5a: {  	[sflag:s20] =	ssyncset.done $0x0  }
0x5b: {  	[sflag:s20] =	ssyncadd.s32 $0xFFFFCE00  }
0x5c: {  	[hbm4b:s15+s3] =	stream.linear.scatter [tilespmem:s22], [sflag:$0x1], $0x3200, $0x38;
	[tilespmem:$0x17E80] =	vst v63  }
0x5d: {  	_ =	swait.ge [sflag:s20], $0x3200  }
0x5e: {  	[sflag:s20] =	ssyncset.done $0x0  }
0x5f: {  	[sflag:s20] =	ssyncadd.s32 $0xFFFFCE00  }
0x60: {  	[tilespmem:s22], [sflag:$0x1] =	stream.linear.gather [spmem:s9], $0x3200, $0x38;
	[tilespmem:$0x17E80] =	vst v63  }
0x61: {  	_ =	swait.ge [sflag:s20], $0x3200  }
0x62: {  	[sflag:s20] =	ssyncset.done $0x0  }
0x63: {  	[sflag:s20] =	ssyncadd.s32 $0xFFFFCE00  }
0x64: {  	[hbm4b:s16+s3] =	stream.linear.scatter [tilespmem:s22], [sflag:$0x1], $0x3200, $0x38;
	[tilespmem:$0x17E80] =	vst v63  }
0x65: {  	_ =	swait.ge [sflag:s20], $0x3200  }
0x66: {  	[sflag:s20] =	ssyncset.done $0x0  }
0x67: {  	[sflag:s20] =	ssyncadd.s32 $0xFFFFCE00  }
0x68: {  	[tilespmem:s22], [sflag:$0x1] =	stream.linear.gather [spmem:s11], $0x3200, $0x38;
	[tilespmem:$0x17E80] =	vst v63  }
0x69: {  	_ =	swait.ge [sflag:s20], $0x3200  }
0x6a: {  	[sflag:s20] =	ssyncset.done $0x0  }
0x6b: {  	[sflag:s20] =	ssyncadd.s32 $0xFFFFCE00  }
0x6c: {  	[hbm4b:s17+s3] =	stream.linear.scatter [tilespmem:s22], [sflag:$0x1], $0x3200, $0x38;
	[tilespmem:$0x17E80] =	vst v63  }
0x6d: {  	_ =	swait.ge [sflag:s20], $0x3200  }
0x6e: {  	[sflag:s20] =	ssyncset.done $0x0  }
0x6f: {  	s28 =	simm.s32 @!p0 $0x1;
	s26 =	simm.s32 @!p0 $0xB040;
	[sflag:s20] =	ssyncadd.s32 $0xFFFFCE00  }
0x70: {  	[tilespmem:s26], [sflag:$0x1] =	stream.linear.gather @!p0 [spmem:s13], $0x3200, $0x38;
	[tilespmem:$0x17E80] =	vst v63  }
0x71: {  	s25 =	sadd.s32 $0x1, s25;
	_ =	swait.ge @!p0 [sflag:s28], $0x3200  }
0x72: {  	p1 =	sne.s32 s25, s19;
	[sflag:s28] =	ssyncset.done @!p0 $0x0  }
.Ltmp1:
0x73: {  	s29 =	simm.s32 @!p0 $0x0;
	[sflag:s28] =	ssyncadd.s32 @!p0 $0xFFFFCE00;
	(pc) =	sbr.rel @p1 .LBB2_1-.Ltmp1, $4  }
0x74: {  	[hbm4b:s18+s29] =	stream.linear.scatter @!p0 [tilespmem:s26], [sflag:$0x1], $0x3200, $0x38;
	[tilespmem:$0x17E80] =	vst v63  }
0x75: {  	_ =	swait.ge @!p0 [sflag:s28], $0x3200  }
0x76: {  	[sflag:s28] =	ssyncset.done @!p0 $0x0  }
0x77: {  	[sflag:s28] =	ssyncadd.s32 @!p0 $0xFFFFCE00  }
0x78: {  	_ =	sfence.sel $0x180000  }
0x79: {  	[bflag:$0x0] =	sbarrier.arrive $0xFFFF  }
0x7a: {  	p0 =	sne.s32 s1, $0x0;
	_ =	strace $0x90000050  }
0x7b: {  	s0 =	sadd.s32 @!p0 $0x100000, s0;
	[bflag:$0x2] =	sbarrier.arrive $0xFFFF  }
0x7c: {  	[sflag:s0] =	ssyncadd.tile.s32 @!p0 $0x1;
	_ =	shalt  }
.Lfunc_end2:
_tile_overlayer_lowered:
.L_overlay_start_2:
0x7d: {  	(tag) =	ssettag $0x2  }
0x7e: {  	s0 =	rddreg [dreg:$0x0];
	s2 =	stileid.u32  }
0x7f: {  	s1 =	rddreg [dreg:$0x1];
	p0 =	sne.s32 s2, $0x0  }
0x80: {  	s3 =	rddreg [dreg:$0x2];
	[bflag:$0x3] =	sbarrier.arrive $0xFFFF;
	s2 =	simm.s32 @!p0 $0x1C01  }
0x81: {  	[timem:s3], [sflag:s2] =	dma.local @!p0 [hbm:s0], s1  }
0x82: {  	s0 =	simm.s32 @!p0 $0x1  }
0x83: {  	_ =	swait.ge @!p0 [sflag:s0], s1  }
0x84: {  	s1 =	ssub.s32 @!p0 $0x0, s1;
	[sflag:s0] =	ssyncset.done @!p0 $0x0  }
0x85: {  	[sflag:s0] =	ssyncadd.s32 @!p0 s1  }
0x86: {  	[bflag:$0x3] =	sbarrier.arrive $0xFFFF  }
0x87: {  	_ =	shalt  }

</sc_bundles>
